<compile_context>
chip_gen: v7x
topology: tpu7x:2x2x1
jax: 0.10.2.dev20260603
libtpu: 0.0.44.dev20260713+nightly
codegen_flags: <defaults>
</compile_context>

<pallas_src>
import functools

import jax
import jax.numpy as jnp
from jax import lax
from jax.experimental import pallas as pl
from jax.experimental.pallas import tpu as pltpu
from jax.experimental.pallas import tpu_sc as plsc

N_NODES = 10000
N_EDGES = 320000
D_FEAT = 128
D_EDGE = 16

EDGE_BLK = 16384

NC = 2
NS = 16
NW = NC * NS
C = 96
E_PAD_SC = ((N_EDGES + C - 1) // C) * C
NCHUNK = E_PAD_SC // C
CHUNK_ITERS = (NCHUNK + NW - 1) // NW
E_PAD_TC = ((E_PAD_SC + EDGE_BLK - 1) // EDGE_BLK) * EDGE_BLK

N_PAD = 10240
ROW_BLK = N_PAD // 4
N_ACC = 10112
TILE_ROWS = N_ACC // NS
ZB = 64
ZT = TILE_ROWS - 9 * ZB


_EPERM = []
for _m in range(D_FEAT // 32):
    for _i in range(16):
        _EPERM.append(32 * _m + _i)
        _EPERM.append(32 * _m + 16 + _i)
_EPERM = tuple(_EPERM)


def _edge_lin_body(ea_ref, we_ref, be_ref, o_ref):
    o_ref[...] = (
        jnp.dot(ea_ref[...], we_ref[...], preferred_element_type=jnp.float32)
        + be_ref[...]
    )


def _edge_lin(edge_attr, We, be):
    E = edge_attr.shape[0]
    return pl.pallas_call(
        _edge_lin_body,
        grid=(E // EDGE_BLK,),
        in_specs=[
            pl.BlockSpec((EDGE_BLK, D_EDGE), lambda i: (i, 0)),
            pl.BlockSpec((D_EDGE, D_FEAT), lambda i: (0, 0)),
            pl.BlockSpec((1, D_FEAT), lambda i: (0, 0)),
        ],
        out_specs=pl.BlockSpec((EDGE_BLK, D_FEAT), lambda i: (i, 0)),
        out_shape=jax.ShapeDtypeStruct((E, D_FEAT), jnp.float32),
    )(edge_attr, We, be.reshape(1, D_FEAT))


def _sc_body(x_hbm, ei3_hbm, e_hbm, acc_out, cnt_out,
             idx2, dstc, xrows, erows, hist, acc_sh, sem, sem2, sem3, sem4):
    c = lax.axis_index("c")
    s = lax.axis_index("s")
    wid = s * NC + c

    zeros16 = jnp.zeros((16,), jnp.float32)

    def zero_hist(k, _):
        hist[pl.ds(k * 16, 16)] = zeros16
        return 0

    lax.fori_loop(0, (N_PAD + 16) // 16, zero_hist, 0)

    def zero_row(r, _):
        for j in range(D_FEAT // 16):
            xrows[r, pl.ds(j * 16, 16)] = zeros16
        return 0

    lax.fori_loop(0, C, zero_row, 0)

    def zero_chunk(k, _):
        pltpu.sync_copy(xrows.at[pl.ds(0, ZB)],
                        acc_sh.at[pl.ds(s * TILE_ROWS + k * ZB, ZB)])
        return 0

    lax.fori_loop(0, 9, zero_chunk, 0)
    pltpu.sync_copy(xrows.at[pl.ds(0, ZT)],
                    acc_sh.at[pl.ds(s * TILE_ROWS + 9 * ZB, ZT)])
    plsc.subcore_barrier()

    def chunk_body(i, _):
        ck = i * NW + wid

        @pl.when(ck < NCHUNK)
        def _():
            base = ck * C
            ia = pltpu.async_copy(ei3_hbm.at[ck], idx2, sem3)
            eb = pltpu.async_copy(e_hbm.at[pl.ds(base, C)], erows, sem4)

            @pl.when(i > 0)
            def _():
                pltpu.make_async_copy(x_hbm.at[pl.ds(0, C)], xrows, sem2).wait()

            ia.wait()
            gat = pltpu.async_copy(x_hbm.at[idx2.at[0]], xrows, sem)

            e0 = jnp.where(lax.iota(jnp.int32, 16) == 0, 1.0, 0.0)
            for k in range(C // 16):
                sl = pl.ds(k * 16, 16)
                dv = idx2[1, sl]
                dstc[1, sl] = dv
                for l in range(16):
                    d = dv[l]
                    hist[pl.ds(d, 16)] = hist[pl.ds(d, 16)] + e0

            eb.wait()
            gat.wait()

            def row_body(r, _):
                for j in range(D_FEAT // 16):
                    sl = pl.ds(j * 16, 16)
                    xrows[r, sl] = jnp.maximum(xrows[r, sl] + erows[r, sl], 0.0)
                return 0

            lax.fori_loop(0, C, row_body, 0)
            pltpu.async_copy(xrows, acc_sh.at[dstc.at[1]], sem2, add=True)

        return 0

    lax.fori_loop(0, CHUNK_ITERS, chunk_body, 0)
    pltpu.make_async_copy(x_hbm.at[pl.ds(0, C)], xrows, sem2).wait()
    plsc.subcore_barrier()

    def read_chunk(k, _):
        row0 = s * TILE_ROWS + k * ZB
        pltpu.sync_copy(acc_sh.at[pl.ds(row0, ZB)], xrows.at[pl.ds(0, ZB)])
        pltpu.sync_copy(xrows.at[pl.ds(0, ZB)],
                        acc_out.at[pl.ds(c * N_PAD + row0, ZB)])
        return 0

    lax.fori_loop(0, 9, read_chunk, 0)
    row9 = s * TILE_ROWS + 9 * ZB
    pltpu.sync_copy(acc_sh.at[pl.ds(row9, ZT)], xrows.at[pl.ds(0, ZT)])
    pltpu.sync_copy(xrows.at[pl.ds(0, ZT)],
                    acc_out.at[pl.ds(c * N_PAD + row9, ZT)])
    pltpu.sync_copy(hist.at[pl.ds(0, N_PAD)], cnt_out.at[wid])


def _sc_aggregate(x, ei3, e):
    mesh = plsc.VectorSubcoreMesh(
        core_axis_name="c", subcore_axis_name="s", num_cores=NC, num_subcores=NS
    )
    f = pl.kernel(
        _sc_body,
        out_type=(
            jax.ShapeDtypeStruct((NC * N_PAD, D_FEAT), jnp.float32),
            jax.ShapeDtypeStruct((NW, N_PAD), jnp.float32),
        ),
        mesh=mesh,
        scratch_types=[
            pltpu.VMEM((2, C), jnp.int32),
            pltpu.VMEM((2, C), jnp.int32),
            pltpu.VMEM((C, D_FEAT), jnp.float32),
            pltpu.VMEM((C, D_FEAT), jnp.float32),
            pltpu.VMEM((N_PAD + 16,), jnp.float32),
            pltpu.VMEM_SHARED((N_ACC, D_FEAT), jnp.float32),
            pltpu.SemaphoreType.DMA,
            pltpu.SemaphoreType.DMA,
            pltpu.SemaphoreType.DMA,
            pltpu.SemaphoreType.DMA,
        ],
    )
    return f(x, ei3, e)


def _mlp_body(x_ref, a0_ref, a1_ref, cnt_ref,
              w1_ref, b1_ref, w2_ref, b2_ref, o_ref):
    cnt = jnp.maximum(cnt_ref[...], 1.0)
    aggr = (a0_ref[...] + a1_ref[...]) / cnt
    h = x_ref[...] + aggr
    h = jnp.maximum(
        jnp.dot(h, w1_ref[...], preferred_element_type=jnp.float32) + b1_ref[...],
        0.0,
    )
    o_ref[...] = (
        jnp.dot(h, w2_ref[...], preferred_element_type=jnp.float32) + b2_ref[...]
    )


def _mlp(xp, acc, cnt, W1, b1, W2, b2):
    nb = N_PAD // ROW_BLK
    return pl.pallas_call(
        _mlp_body,
        grid=(nb,),
        in_specs=[
            pl.BlockSpec((ROW_BLK, D_FEAT), lambda i: (i, 0)),
            pl.BlockSpec((ROW_BLK, D_FEAT), lambda i: (i, 0)),
            pl.BlockSpec((ROW_BLK, D_FEAT), lambda i, nb=nb: (i + nb, 0)),
            pl.BlockSpec((ROW_BLK, 1), lambda i: (i, 0)),
            pl.BlockSpec((D_FEAT, D_FEAT), lambda i: (0, 0)),
            pl.BlockSpec((1, D_FEAT), lambda i: (0, 0)),
            pl.BlockSpec((D_FEAT, D_FEAT), lambda i: (0, 0)),
            pl.BlockSpec((1, D_FEAT), lambda i: (0, 0)),
        ],
        out_specs=pl.BlockSpec((ROW_BLK, D_FEAT), lambda i: (i, 0)),
        out_shape=jax.ShapeDtypeStruct((N_PAD, D_FEAT), jnp.float32),
    )(xp, acc, acc, cnt, W1, b1.reshape(1, D_FEAT), W2, b2.reshape(1, D_FEAT))


def kernel(x, edge_index, edge_attr, We, be, W1, b1, W2, b2):
    ei = edge_index.astype(jnp.int32)
    pad = E_PAD_SC - N_EDGES
    srcp = jnp.concatenate([ei[0], jnp.zeros((pad,), jnp.int32)])
    dstp = jnp.concatenate([ei[1], jnp.full((pad,), N_NODES, jnp.int32)])
    ei3 = jnp.stack([srcp, dstp]).reshape(2, NCHUNK, C).transpose(1, 0, 2)
    eap = jnp.pad(edge_attr, ((0, E_PAD_TC - N_EDGES), (0, 0)))
    e = _edge_lin(eap, We, be)
    acc, cnt = _sc_aggregate(x, ei3, e)
    counts = cnt.sum(axis=0).reshape(N_PAD, 1)
    xp = jnp.pad(x, ((0, N_PAD - N_NODES), (0, 0)))
    out = _mlp(xp, acc, counts, W1, b1, W2, b2)
    return out[:N_NODES]

# --- scband reference (transcript-rebuilt; emitter-appended) ---
"""Pipeline reference for scband-general-gnnlayer-9328668967067 (READ-ONLY COPY).

The authoritative reference and input builder live on the scoring server;
editing this copy changes nothing except your own understanding.
"""

import jax, jax.numpy as jnp
import numpy as np

N_NODES = 10000
N_EDGES = 320000
D_FEAT = 128
D_EDGE = 16


def setup_inputs(seed: int = 0) -> dict:
    key = jax.random.key(seed)
    k = jax.random.split(key, 10)
    x = jax.random.normal(k[0], (N_NODES, D_FEAT), dtype=jnp.float32)
    edge_index = jax.random.randint(k[1], (2, N_EDGES), 0, N_NODES, dtype=jnp.int64 if jax.config.jax_enable_x64 else jnp.int32)
    edge_attr = jax.random.normal(k[2], (N_EDGES, D_EDGE), dtype=jnp.float32)
    # GINEConv edge lin: edge_dim -> input_dim
    s_e = 1.0 / np.sqrt(D_EDGE)
    We = jax.random.uniform(k[3], (D_EDGE, D_FEAT), minval=-s_e, maxval=s_e, dtype=jnp.float32)
    be = jax.random.uniform(k[4], (D_FEAT,), minval=-s_e, maxval=s_e, dtype=jnp.float32)
    # MLP: Linear(128->128), ReLU, Linear(128->128)
    s = 1.0 / np.sqrt(D_FEAT)
    W1 = jax.random.uniform(k[5], (D_FEAT, D_FEAT), minval=-s, maxval=s, dtype=jnp.float32)
    b1 = jax.random.uniform(k[6], (D_FEAT,), minval=-s, maxval=s, dtype=jnp.float32)
    W2 = jax.random.uniform(k[7], (D_FEAT, D_FEAT), minval=-s, maxval=s, dtype=jnp.float32)
    b2 = jax.random.uniform(k[8], (D_FEAT,), minval=-s, maxval=s, dtype=jnp.float32)
    return {"x": x, "edge_index": edge_index, "edge_attr": edge_attr,
            "We": We, "be": be, "W1": W1, "b1": b1, "W2": W2, "b2": b2}


def reference(x, edge_index, edge_attr, We, be, W1, b1, W2, b2):
    # GeneralGNNLayer(gnn_type='sage') == GINEConv(mlp, edge_dim=16, aggr='mean'), eps=0
    src = edge_index[0]  # source node j (messages flow source -> target)
    dst = edge_index[1]  # target node i
    e = edge_attr @ We + be                      # edge lin: [E, d_feat]
    msg = jax.nn.relu(x[src] + e)                # GINEConv message: (x_j + e).relu()
    summed = jax.ops.segment_sum(msg, dst, num_segments=N_NODES)
    counts = jax.ops.segment_sum(jnp.ones((msg.shape[0], 1), msg.dtype), dst, num_segments=N_NODES)
    aggr = summed / jnp.clip(counts, 1.0, None)  # mean aggregation
    h = (1.0 + 0.0) * x + aggr                   # eps = 0
    h = jax.nn.relu(h @ W1 + b1)
    out = h @ W2 + b2
    return out

if __name__ == "__main__":
    import jax
    _d = setup_inputs()
    print(jax.jit(kernel)(*tuple(_d.values())))

</pallas_src>

<mosaic_0001>
#map = affine_map<(d0, d1) -> (0, 0)>
#map1 = affine_map<(d0, d1) -> (0, 0, 0)>
module attributes {stable_mosaic.version = 14 : i64} {
  func.func @_sc_body(%arg0: i32, %arg1: i32, %arg2: memref<10000x128xf32, #tpu.memory_space<hbm>>, %arg3: memref<3334x2x96xi32, #tpu.memory_space<hbm>>, %arg4: memref<327680x128xf32, #tpu.memory_space<hbm>>, %arg5: memref<20480x128xf32, #tpu.memory_space<hbm>>, %arg6: memref<32x10240xf32, #tpu.memory_space<hbm>>, %arg7: memref<2x96xi32, #tpu.memory_space<vmem>>, %arg8: memref<2x96xi32, #tpu.memory_space<vmem>>, %arg9: memref<96x128xf32, #tpu.memory_space<vmem>>, %arg10: memref<96x128xf32, #tpu.memory_space<vmem>>, %arg11: memref<10256xf32, #tpu.memory_space<vmem>>, %arg12: memref<10112x128xf32, #tpu.memory_space<vmem_shared>>, %arg13: memref<!tpu.dma_semaphore, #tpu.memory_space<semaphore_mem>>, %arg14: memref<!tpu.dma_semaphore, #tpu.memory_space<semaphore_mem>>, %arg15: memref<!tpu.dma_semaphore, #tpu.memory_space<semaphore_mem>>, %arg16: memref<!tpu.dma_semaphore, #tpu.memory_space<semaphore_mem>>) attributes {dimension_semantics = [#tpu.dimension_semantics<core_parallel>, #tpu.dimension_semantics<subcore_parallel>], iteration_bounds = array<i64: 2, 16>, scalar_prefetch = 0 : i64, scratch_operands = 10 : i64, tpu.core_type = #tpu.core_type<sc_vector_subcore>, window_params = [{transform_indices = #map}, {transform_indices = #map1}, {transform_indices = #map}, {transform_indices = #map}, {transform_indices = #map}]} {
    %mul3A = arith.constant 2 : i32
    %mul3A_0 = arith.muli %arg1, %mul3A : i32
    %add3A = arith.addi %mul3A_0, %arg0 : i32
    %broadcast_in_dim3A = arith.constant 0.000000e+00 : f32
    %broadcast_in_dim3A_1 = vector.broadcast %broadcast_in_dim3A : f32 to vector<16xf32>
    %scan3A = arith.constant 0 : i32
    %scan3A_2 = arith.constant 0 : i32
    %scan3A_3 = arith.constant 641 : i32
    %scan3A_4 = arith.addi %scan3A_2, %scan3A_3 : i32
    %scan3A_5 = arith.constant 1 : i32
    %scan3A_6 = scf.for %scan3A_53 = %scan3A_2 to %scan3A_4 step %scan3A_5 iter_args(%scan3A_54 = %scan3A) -> (i32)  : i32 {
      %mul3A_55 = arith.constant 16 : i32
      %mul3A_56 = arith.muli %scan3A_53, %mul3A_55 : i32
      %swap3A = arith.index_cast %mul3A_56 : i32 to index
      %swap3A_57 = tpu.vector_load %arg11[%swap3A] {strides = array<i32>} : memref<10256xf32, #tpu.memory_space<vmem>>, vector<16xf32>,
      %swap3A_58 = vector.shape_cast %swap3A_57 : vector<16xf32> to vector<16xf32>
      %swap3A_59 = vector.shape_cast %broadcast_in_dim3A_1 : vector<16xf32> to vector<16xf32>
      tpu.vector_store %arg11[%swap3A], %swap3A_59 {strides = array<i32>} : memref<10256xf32, #tpu.memory_space<vmem>>, vector<16xf32>,
      %scan3A_60 = arith.constant 0 : i32
      scf.yield %scan3A_60 : i32
    }
    %scan3A_7 = arith.constant 641 : i32
    %scan3A_8 = arith.constant 0 : i32
    %scan3A_9 = arith.constant 0 : i32
    %scan3A_10 = arith.constant 96 : i32
    %scan3A_11 = arith.addi %scan3A_9, %scan3A_10 : i32
    %scan3A_12 = arith.constant 1 : i32
    %scan3A_13 = scf.for %scan3A_53 = %scan3A_9 to %scan3A_11 step %scan3A_12 iter_args(%scan3A_54 = %scan3A_8) -> (i32)  : i32 {
      %swap3A = arith.index_cast %scan3A_53 : i32 to index
      %swap3A_55 = arith.constant 0 : index
      %swap3A_56 = tpu.vector_load %arg9[%swap3A, %swap3A_55] {strides = array<i32>} : memref<96x128xf32, #tpu.memory_space<vmem>>, vector<1x16xf32>,
      %swap3A_57 = vector.shape_cast %swap3A_56 : vector<1x16xf32> to vector<16xf32>
      %swap3A_58 = vector.shape_cast %broadcast_in_dim3A_1 : vector<16xf32> to vector<1x16xf32>
      tpu.vector_store %arg9[%swap3A, %swap3A_55], %swap3A_58 {strides = array<i32>} : memref<96x128xf32, #tpu.memory_space<vmem>>, vector<1x16xf32>,
      %swap3A_59 = arith.index_cast %scan3A_53 : i32 to index
      %swap3A_60 = arith.constant 16 : index
      %swap3A_61 = tpu.vector_load %arg9[%swap3A_59, %swap3A_60] {strides = array<i32>} : memref<96x128xf32, #tpu.memory_space<vmem>>, vector<1x16xf32>,
      %swap3A_62 = vector.shape_cast %swap3A_61 : vector<1x16xf32> to vector<16xf32>
      %swap3A_63 = vector.shape_cast %broadcast_in_dim3A_1 : vector<16xf32> to vector<1x16xf32>
      tpu.vector_store %arg9[%swap3A_59, %swap3A_60], %swap3A_63 {strides = array<i32>} : memref<96x128xf32, #tpu.memory_space<vmem>>, vector<1x16xf32>,
      %swap3A_64 = arith.index_cast %scan3A_53 : i32 to index
      %swap3A_65 = arith.constant 32 : index
      %swap3A_66 = tpu.vector_load %arg9[%swap3A_64, %swap3A_65] {strides = array<i32>} : memref<96x128xf32, #tpu.memory_space<vmem>>, vector<1x16xf32>,
      %swap3A_67 = vector.shape_cast %swap3A_66 : vector<1x16xf32> to vector<16xf32>
      %swap3A_68 = vector.shape_cast %broadcast_in_dim3A_1 : vector<16xf32> to vector<1x16xf32>
      tpu.vector_store %arg9[%swap3A_64, %swap3A_65], %swap3A_68 {strides = array<i32>} : memref<96x128xf32, #tpu.memory_space<vmem>>, vector<1x16xf32>,
      %swap3A_69 = arith.index_cast %scan3A_53 : i32 to index
      %swap3A_70 = arith.constant 48 : index
      %swap3A_71 = tpu.vector_load %arg9[%swap3A_69, %swap3A_70] {strides = array<i32>} : memref<96x128xf32, #tpu.memory_space<vmem>>, vector<1x16xf32>,
      %swap3A_72 = vector.shape_cast %swap3A_71 : vector<1x16xf32> to vector<16xf32>
      %swap3A_73 = vector.shape_cast %broadcast_in_dim3A_1 : vector<16xf32> to vector<1x16xf32>
      tpu.vector_store %arg9[%swap3A_69, %swap3A_70], %swap3A_73 {strides = array<i32>} : memref<96x128xf32, #tpu.memory_space<vmem>>, vector<1x16xf32>,
      %swap3A_74 = arith.index_cast %scan3A_53 : i32 to index
      %swap3A_75 = arith.constant 64 : index
      %swap3A_76 = tpu.vector_load %arg9[%swap3A_74, %swap3A_75] {strides = array<i32>} : memref<96x128xf32, #tpu.memory_space<vmem>>, vector<1x16xf32>,
      %swap3A_77 = vector.shape_cast %swap3A_76 : vector<1x16xf32> to vector<16xf32>
      %swap3A_78 = vector.shape_cast %broadcast_in_dim3A_1 : vector<16xf32> to vector<1x16xf32>
      tpu.vector_store %arg9[%swap3A_74, %swap3A_75], %swap3A_78 {strides = array<i32>} : memref<96x128xf32, #tpu.memory_space<vmem>>, vector<1x16xf32>,
      %swap3A_79 = arith.index_cast %scan3A_53 : i32 to index
      %swap3A_80 = arith.constant 80 : index
      %swap3A_81 = tpu.vector_load %arg9[%swap3A_79, %swap3A_80] {strides = array<i32>} : memref<96x128xf32, #tpu.memory_space<vmem>>, vector<1x16xf32>,
      %swap3A_82 = vector.shape_cast %swap3A_81 : vector<1x16xf32> to vector<16xf32>
      %swap3A_83 = vector.shape_cast %broadcast_in_dim3A_1 : vector<16xf32> to vector<1x16xf32>
      tpu.vector_store %arg9[%swap3A_79, %swap3A_80], %swap3A_83 {strides = array<i32>} : memref<96x128xf32, #tpu.memory_space<vmem>>, vector<1x16xf32>,
      %swap3A_84 = arith.index_cast %scan3A_53 : i32 to index
      %swap3A_85 = arith.constant 96 : index
      %swap3A_86 = tpu.vector_load %arg9[%swap3A_84, %swap3A_85] {strides = array<i32>} : memref<96x128xf32, #tpu.memory_space<vmem>>, vector<1x16xf32>,
      %swap3A_87 = vector.shape_cast %swap3A_86 : vector<1x16xf32> to vector<16xf32>
      %swap3A_88 = vector.shape_cast %broadcast_in_dim3A_1 : vector<16xf32> to vector<1x16xf32>
      tpu.vector_store %arg9[%swap3A_84, %swap3A_85], %swap3A_88 {strides = array<i32>} : memref<96x128xf32, #tpu.memory_space<vmem>>, vector<1x16xf32>,
      %swap3A_89 = arith.index_cast %scan3A_53 : i32 to index
      %swap3A_90 = arith.constant 112 : index
      %swap3A_91 = tpu.vector_load %arg9[%swap3A_89, %swap3A_90] {strides = array<i32>} : memref<96x128xf32, #tpu.memory_space<vmem>>, vector<1x16xf32>,
      %swap3A_92 = vector.shape_cast %swap3A_91 : vector<1x16xf32> to vector<16xf32>
      %swap3A_93 = vector.shape_cast %broadcast_in_dim3A_1 : vector<16xf32> to vector<1x16xf32>
      tpu.vector_store %arg9[%swap3A_89, %swap3A_90], %swap3A_93 {strides = array<i32>} : memref<96x128xf32, #tpu.memory_space<vmem>>, vector<1x16xf32>,
      %scan3A_94 = arith.constant 0 : i32
      scf.yield %scan3A_94 : i32
    }
    %scan3A_14 = arith.constant 96 : i32
    %scan3A_15 = arith.constant 0 : i32
    %scan3A_16 = arith.constant 0 : i32
    %scan3A_17 = arith.constant 9 : i32
    %scan3A_18 = arith.addi %scan3A_16, %scan3A_17 : i32
    %scan3A_19 = arith.constant 1 : i32
    %scan3A_20 = scf.for %scan3A_53 = %scan3A_16 to %scan3A_18 step %scan3A_19 iter_args(%scan3A_54 = %scan3A_15) -> (i32)  : i32 {
      %mul3A_55 = arith.constant 632 : i32
      %mul3A_56 = arith.muli %arg1, %mul3A_55 : i32
      %mul3A_57 = arith.constant 64 : i32
      %mul3A_58 = arith.muli %scan3A_53, %mul3A_57 : i32
      %add3A_59 = arith.addi %mul3A_56, %mul3A_58 : i32
      "tpu.region"() ({
        %run_scoped3A = tpu.sem_alloc : memref<!tpu.dma_semaphore, #tpu.memory_space<semaphore_mem>>
        %dma_start3A = arith.constant 0 : i32
        %dma_start3A_61 = arith.constant 0 : i32
        %dma_start3A_62 = tpu.memref_slice %arg9[%dma_start3A, %dma_start3A_61] : memref<96x128xf32, #tpu.memory_space<vmem>> -> memref<64x128xf32, #tpu.memory_space<vmem>>
        %dma_start3A_63 = arith.constant 0 : i32
        %dma_start3A_64 = tpu.memref_slice %arg12[%add3A_59, %dma_start3A_63] : memref<10112x128xf32, #tpu.memory_space<vmem_shared>> -> memref<64x128xf32, #tpu.memory_space<vmem_shared>>
        %dma_start3A_65 = arith.constant 0 : i32
        %dma_start3A_66 = tpu.memref_slice %arg12[%add3A_59, %dma_start3A_65] : memref<10112x128xf32, #tpu.memory_space<vmem_shared>> -> memref<64x128xf32, #tpu.memory_space<vmem_shared>>
        %dma_start3A_67 = arith.constant 0 : i32
        %dma_start3A_68 = arith.constant 0 : i32
        %dma_start3A_69 = tpu.memref_slice %arg9[%dma_start3A_67, %dma_start3A_68] : memref<96x128xf32, #tpu.memory_space<vmem>> -> memref<64x128xf32, #tpu.memory_space<vmem>>
        tpu.enqueue_dma source(%dma_start3A_69 : memref<64x128xf32, #tpu.memory_space<vmem>>) target(%dma_start3A_66 : memref<64x128xf32, #tpu.memory_space<vmem_shared>>) target_semaphore(%run_scoped3A : memref<!tpu.dma_semaphore, #tpu.memory_space<semaphore_mem>>)
        %dma_wait3A_70 = arith.constant 0 : i32
        %dma_wait3A_71 = arith.constant 0 : i32
        %dma_wait3A_72 = tpu.memref_slice %arg9[%dma_wait3A_70, %dma_wait3A_71] : memref<96x128xf32, #tpu.memory_space<vmem>> -> memref<64x128xf32, #tpu.memory_space<vmem>>
        %dma_wait3A_73 = arith.constant 0 : i32
        %dma_wait3A_74 = tpu.memref_slice %arg12[%add3A_59, %dma_wait3A_73] : memref<10112x128xf32, #tpu.memory_space<vmem_shared>> -> memref<64x128xf32, #tpu.memory_space<vmem_shared>>
        %dma_wait3A_75 = arith.constant 0 : i32
        %dma_wait3A_76 = tpu.memref_slice %arg12[%add3A_59, %dma_wait3A_75] : memref<10112x128xf32, #tpu.memory_space<vmem_shared>> -> memref<64x128xf32, #tpu.memory_space<vmem_shared>>
        %dma_wait3A_77 = arith.constant 0 : i32
        %dma_wait3A_78 = arith.constant 0 : i32
        %dma_wait3A_79 = tpu.memref_slice %arg9[%dma_wait3A_77, %dma_wait3A_78] : memref<96x128xf32, #tpu.memory_space<vmem>> -> memref<64x128xf32, #tpu.memory_space<vmem>>
        tpu.wait_dma2 semaphore(%run_scoped3A : memref<!tpu.dma_semaphore, #tpu.memory_space<semaphore_mem>>) src(%dma_wait3A_79 : memref<64x128xf32, #tpu.memory_space<vmem>>) dst(%dma_wait3A_76 : memref<64x128xf32, #tpu.memory_space<vmem_shared>>)
        tpu.yield
      }) : () -> ()
      %scan3A_60 = arith.constant 0 : i32
      scf.yield %scan3A_60 : i32
    }
    %scan3A_21 = arith.constant 9 : i32
    %mul3A_22 = arith.constant 632 : i32
    %mul3A_23 = arith.muli %arg1, %mul3A_22 : i32
    %add3A_24 = arith.constant 576 : i32
    %add3A_25 = arith.addi %mul3A_23, %add3A_24 : i32
    "tpu.region"() ({
      %run_scoped3A = tpu.sem_alloc : memref<!tpu.dma_semaphore, #tpu.memory_space<semaphore_mem>>
      %dma_start3A = arith.constant 0 : i32
      %dma_start3A_53 = arith.constant 0 : i32
      %dma_start3A_54 = tpu.memref_slice %arg9[%dma_start3A, %dma_start3A_53] : memref<96x128xf32, #tpu.memory_space<vmem>> -> memref<56x128xf32, #tpu.memory_space<vmem>>
      %dma_start3A_55 = arith.constant 0 : i32
      %dma_start3A_56 = tpu.memref_slice %arg12[%add3A_25, %dma_start3A_55] : memref<10112x128xf32, #tpu.memory_space<vmem_shared>> -> memref<56x128xf32, #tpu.memory_space<vmem_shared>>
      %dma_start3A_57 = arith.constant 0 : i32
      %dma_start3A_58 = tpu.memref_slice %arg12[%add3A_25, %dma_start3A_57] : memref<10112x128xf32, #tpu.memory_space<vmem_shared>> -> memref<56x128xf32, #tpu.memory_space<vmem_shared>>
      %dma_start3A_59 = arith.constant 0 : i32
      %dma_start3A_60 = arith.constant 0 : i32
      %dma_start3A_61 = tpu.memref_slice %arg9[%dma_start3A_59, %dma_start3A_60] : memref<96x128xf32, #tpu.memory_space<vmem>> -> memref<56x128xf32, #tpu.memory_space<vmem>>
      tpu.enqueue_dma source(%dma_start3A_61 : memref<56x128xf32, #tpu.memory_space<vmem>>) target(%dma_start3A_58 : memref<56x128xf32, #tpu.memory_space<vmem_shared>>) target_semaphore(%run_scoped3A : memref<!tpu.dma_semaphore, #tpu.memory_space<semaphore_mem>>)
      %dma_wait3A_62 = arith.constant 0 : i32
      %dma_wait3A_63 = arith.constant 0 : i32
      %dma_wait3A_64 = tpu.memref_slice %arg9[%dma_wait3A_62, %dma_wait3A_63] : memref<96x128xf32, #tpu.memory_space<vmem>> -> memref<56x128xf32, #tpu.memory_space<vmem>>
      %dma_wait3A_65 = arith.constant 0 : i32
      %dma_wait3A_66 = tpu.memref_slice %arg12[%add3A_25, %dma_wait3A_65] : memref<10112x128xf32, #tpu.memory_space<vmem_shared>> -> memref<56x128xf32, #tpu.memory_space<vmem_shared>>
      %dma_wait3A_67 = arith.constant 0 : i32
      %dma_wait3A_68 = tpu.memref_slice %arg12[%add3A_25, %dma_wait3A_67] : memref<10112x128xf32, #tpu.memory_space<vmem_shared>> -> memref<56x128xf32, #tpu.memory_space<vmem_shared>>
      %dma_wait3A_69 = arith.constant 0 : i32
      %dma_wait3A_70 = arith.constant 0 : i32
      %dma_wait3A_71 = tpu.memref_slice %arg9[%dma_wait3A_69, %dma_wait3A_70] : memref<96x128xf32, #tpu.memory_space<vmem>> -> memref<56x128xf32, #tpu.memory_space<vmem>>
      tpu.wait_dma2 semaphore(%run_scoped3A : memref<!tpu.dma_semaphore, #tpu.memory_space<semaphore_mem>>) src(%dma_wait3A_71 : memref<56x128xf32, #tpu.memory_space<vmem>>) dst(%dma_wait3A_68 : memref<56x128xf32, #tpu.memory_space<vmem_shared>>)
      tpu.yield
    }) : () -> ()
    %barrier3A = arith.constant 0 : index
    tpu.barrier barrier_id(%barrier3A)
    %scan3A_26 = arith.constant 0 : i32
    %scan3A_27 = arith.constant 0 : i32
    %scan3A_28 = arith.constant 105 : i32
    %scan3A_29 = arith.addi %scan3A_27, %scan3A_28 : i32
    %scan3A_30 = arith.constant 1 : i32
    %scan3A_31 = scf.for %scan3A_53 = %scan3A_27 to %scan3A_29 step %scan3A_30 iter_args(%scan3A_54 = %scan3A_26) -> (i32)  : i32 {
      %mul3A_55 = arith.constant 32 : i32
      %mul3A_56 = arith.muli %scan3A_53, %mul3A_55 : i32
      %add3A_57 = arith.addi %mul3A_56, %add3A : i32
      %lt3A = arith.constant 3334 : i32
      %lt3A_58 = arith.cmpi slt, %add3A_57, %lt3A : i32
      %convert_element_type3A = arith.extui %lt3A_58 : i1 to i32
      %cond3A = arith.constant 0 : i32
      %cond3A_59 = arith.cmpi ne, %convert_element_type3A, %cond3A : i32
      scf.if %cond3A_59 {
        %mul3A_61 = arith.constant 96 : i32
        %mul3A_62 = arith.muli %add3A_57, %mul3A_61 : i32
        %dma_start3A = arith.constant 0 : i32
        %dma_start3A_63 = arith.constant 0 : i32
        %dma_start3A_64 = tpu.memref_slice %arg3[%add3A_57, %dma_start3A, %dma_start3A_63] : memref<3334x2x96xi32, #tpu.memory_space<hbm>> -> memref<1x2x96xi32, #tpu.memory_space<hbm>>
        %dma_start3A_65 = tpu.memref_squeeze %dma_start3A_64 : memref<1x2x96xi32, #tpu.memory_space<hbm>> -> memref<2x96xi32, #tpu.memory_space<hbm>>
        %dma_start3A_66 = arith.constant 0 : i32
        %dma_start3A_67 = arith.constant 0 : i32
        %dma_start3A_68 = tpu.memref_slice %arg3[%add3A_57, %dma_start3A_66, %dma_start3A_67] : memref<3334x2x96xi32, #tpu.memory_space<hbm>> -> memref<1x2x96xi32, #tpu.memory_space<hbm>>
        %dma_start3A_69 = tpu.memref_squeeze %dma_start3A_68 : memref<1x2x96xi32, #tpu.memory_space<hbm>> -> memref<2x96xi32, #tpu.memory_space<hbm>>
        tpu.enqueue_dma source(%dma_start3A_69 : memref<2x96xi32, #tpu.memory_space<hbm>>) target(%arg7 : memref<2x96xi32, #tpu.memory_space<vmem>>) target_semaphore(%arg15 : memref<!tpu.dma_semaphore, #tpu.memory_space<semaphore_mem>>)
        %dma_start3A_70 = arith.constant 0 : i32
        %dma_start3A_71 = tpu.memref_slice %arg4[%mul3A_62, %dma_start3A_70] : memref<327680x128xf32, #tpu.memory_space<hbm>> -> memref<96x128xf32, #tpu.memory_space<hbm>>
        %dma_start3A_72 = arith.constant 0 : i32
        %dma_start3A_73 = tpu.memref_slice %arg4[%mul3A_62, %dma_start3A_72] : memref<327680x128xf32, #tpu.memory_space<hbm>> -> memref<96x128xf32, #tpu.memory_space<hbm>>
        tpu.enqueue_dma source(%dma_start3A_73 : memref<96x128xf32, #tpu.memory_space<hbm>>) target(%arg10 : memref<96x128xf32, #tpu.memory_space<vmem>>) target_semaphore(%arg16 : memref<!tpu.dma_semaphore, #tpu.memory_space<semaphore_mem>>)
        %gt3A = arith.constant 0 : i32
        %gt3A_74 = arith.cmpi sgt, %scan3A_53, %gt3A : i32
        %convert_element_type3A_75 = arith.extui %gt3A_74 : i1 to i32
        %cond3A_76 = arith.constant 0 : i32
        %cond3A_77 = arith.cmpi ne, %convert_element_type3A_75, %cond3A_76 : i32
        scf.if %cond3A_77 {
          %dma_wait3A_1145 = arith.constant 0 : i32
          %dma_wait3A_1146 = arith.constant 0 : i32
          %dma_wait3A_1147 = tpu.memref_slice %arg2[%dma_wait3A_1145, %dma_wait3A_1146] : memref<10000x128xf32, #tpu.memory_space<hbm>> -> memref<96x128xf32, #tpu.memory_space<hbm>>
          %dma_wait3A_1148 = arith.constant 0 : i32
          %dma_wait3A_1149 = arith.constant 0 : i32
          %dma_wait3A_1150 = tpu.memref_slice %arg2[%dma_wait3A_1148, %dma_wait3A_1149] : memref<10000x128xf32, #tpu.memory_space<hbm>> -> memref<96x128xf32, #tpu.memory_space<hbm>>
          tpu.wait_dma2 semaphore(%arg14 : memref<!tpu.dma_semaphore, #tpu.memory_space<semaphore_mem>>) src(%dma_wait3A_1150 : memref<96x128xf32, #tpu.memory_space<hbm>>) dst(%arg9 : memref<96x128xf32, #tpu.memory_space<vmem>>)
        } else {
        }
        %dma_wait3A_78 = arith.constant 0 : i32
        %dma_wait3A_79 = arith.constant 0 : i32
        %dma_wait3A_80 = tpu.memref_slice %arg3[%add3A_57, %dma_wait3A_78, %dma_wait3A_79] : memref<3334x2x96xi32, #tpu.memory_space<hbm>> -> memref<1x2x96xi32, #tpu.memory_space<hbm>>
        %dma_wait3A_81 = tpu.memref_squeeze %dma_wait3A_80 : memref<1x2x96xi32, #tpu.memory_space<hbm>> -> memref<2x96xi32, #tpu.memory_space<hbm>>
        %dma_wait3A_82 = arith.constant 0 : i32
        %dma_wait3A_83 = arith.constant 0 : i32
        %dma_wait3A_84 = tpu.memref_slice %arg3[%add3A_57, %dma_wait3A_82, %dma_wait3A_83] : memref<3334x2x96xi32, #tpu.memory_space<hbm>> -> memref<1x2x96xi32, #tpu.memory_space<hbm>>
        %dma_wait3A_85 = tpu.memref_squeeze %dma_wait3A_84 : memref<1x2x96xi32, #tpu.memory_space<hbm>> -> memref<2x96xi32, #tpu.memory_space<hbm>>
        tpu.wait_dma2 semaphore(%arg15 : memref<!tpu.dma_semaphore, #tpu.memory_space<semaphore_mem>>) src(%dma_wait3A_85 : memref<2x96xi32, #tpu.memory_space<hbm>>) dst(%arg7 : memref<2x96xi32, #tpu.memory_space<vmem>>)
        %dma_start3A_86 = arith.constant 0 : i32
        %dma_start3A_87 = arith.constant 0 : i32
        %dma_start3A_88 = tpu.memref_slice %arg7[%dma_start3A_86, %dma_start3A_87] : memref<2x96xi32, #tpu.memory_space<vmem>> -> memref<1x96xi32, #tpu.memory_space<vmem>>
        %dma_start3A_89 = tpu.memref_squeeze %dma_start3A_88 : memref<1x96xi32, #tpu.memory_space<vmem>> -> memref<96xi32, #tpu.memory_space<vmem>>
        %dma_start3A_90 = arith.constant 0 : i32
        %dma_start3A_91 = arith.constant 0 : i32
        %dma_start3A_92 = tpu.memref_slice %arg2[%dma_start3A_90, %dma_start3A_91] : memref<10000x128xf32, #tpu.memory_space<hbm>> -> memref<10000x128xf32, #tpu.memory_space<hbm>>
        tpu.enqueue_indirect_dma source(%dma_start3A_92 : memref<10000x128xf32, #tpu.memory_space<hbm>>) target(%arg9 : memref<96x128xf32, #tpu.memory_space<vmem>>) offsets(%dma_start3A_89 : memref<96xi32, #tpu.memory_space<vmem>>) semaphore(%arg13 : memref<!tpu.dma_semaphore, #tpu.memory_space<semaphore_mem>>)
        %iota3A = tpu.iota {dimensions = array<i32: 0>} : vector<16xi32>
        %eq3A = arith.constant 0 : i32
        %eq3A_93 = vector.broadcast %eq3A : i32 to vector<16xi32>
        %eq3A_94 = arith.cmpi eq, %iota3A, %eq3A_93 : vector<16xi32>
        %jit3A = arith.constant 1.000000e+00 : f32
        %jit3A_95 = arith.constant 0.000000e+00 : f32
        %broadcast_in_dim3A_96 = vector.broadcast %jit3A : f32 to vector<16xf32>
        %broadcast_in_dim3A_97 = vector.broadcast %jit3A_95 : f32 to vector<16xf32>
        %select_n3A = arith.select %eq3A_94, %broadcast_in_dim3A_96, %broadcast_in_dim3A_97 : vector<16xi1>, vector<16xf32>
        %get3A = arith.constant 1 : i32
        %get3A_98 = arith.index_cast %get3A : i32 to index
        %get3A_99 = arith.constant 0 : index
        %get3A_100 = tpu.vector_load %arg7[%get3A_98, %get3A_99] {strides = array<i32>} : memref<2x96xi32, #tpu.memory_space<vmem>>, vector<1x16xi32>,
        %get3A_101 = vector.shape_cast %get3A_100 : vector<1x16xi32> to vector<16xi32>
        %swap3A = arith.constant 1 : i32
        %swap3A_102 = arith.index_cast %swap3A : i32 to index
        %swap3A_103 = arith.constant 0 : index
        %swap3A_104 = tpu.vector_load %arg8[%swap3A_102, %swap3A_103] {strides = array<i32>} : memref<2x96xi32, #tpu.memory_space<vmem>>, vector<1x16xi32>,
        %swap3A_105 = vector.shape_cast %swap3A_104 : vector<1x16xi32> to vector<16xi32>
        %swap3A_106 = vector.shape_cast %get3A_101 : vector<16xi32> to vector<1x16xi32>
        tpu.vector_store %arg8[%swap3A_102, %swap3A_103], %swap3A_106 {strides = array<i32>} : memref<2x96xi32, #tpu.memory_space<vmem>>, vector<1x16xi32>,
        %slice3A = vector.extract_strided_slice %get3A_101 {offsets = [0], sizes = [1], strides = [1]} : vector<16xi32> to vector<1xi32>
        %squeeze3A = vector.extract %slice3A[0] : i32 from vector<1xi32>
        %get3A_107 = arith.index_cast %squeeze3A : i32 to index
        %get3A_108 = tpu.vector_load %arg11[%get3A_107] {strides = array<i32>} : memref<10256xf32, #tpu.memory_space<vmem>>, vector<16xf32>,
        %get3A_109 = vector.shape_cast %get3A_108 : vector<16xf32> to vector<16xf32>
        %add3A_110 = arith.addf %get3A_109, %select_n3A : vector<16xf32>
        %swap3A_111 = arith.index_cast %squeeze3A : i32 to index
        %swap3A_112 = tpu.vector_load %arg11[%swap3A_111] {strides = array<i32>} : memref<10256xf32, #tpu.memory_space<vmem>>, vector<16xf32>,
        %swap3A_113 = vector.shape_cast %swap3A_112 : vector<16xf32> to vector<16xf32>
        %swap3A_114 = vector.shape_cast %add3A_110 : vector<16xf32> to vector<16xf32>
        tpu.vector_store %arg11[%swap3A_111], %swap3A_114 {strides = array<i32>} : memref<10256xf32, #tpu.memory_space<vmem>>, vector<16xf32>,
        %slice3A_115 = vector.extract_strided_slice %get3A_101 {offsets = [1], sizes = [1], strides = [1]} : vector<16xi32> to vector<1xi32>
        %squeeze3A_116 = vector.extract %slice3A_115[0] : i32 from vector<1xi32>
        %get3A_117 = arith.index_cast %squeeze3A_116 : i32 to index
        %get3A_118 = tpu.vector_load %arg11[%get3A_117] {strides = array<i32>} : memref<10256xf32, #tpu.memory_space<vmem>>, vector<16xf32>,
        %get3A_119 = vector.shape_cast %get3A_118 : vector<16xf32> to vector<16xf32>
        %add3A_120 = arith.addf %get3A_119, %select_n3A : vector<16xf32>
        %swap3A_121 = arith.index_cast %squeeze3A_116 : i32 to index
        %swap3A_122 = tpu.vector_load %arg11[%swap3A_121] {strides = array<i32>} : memref<10256xf32, #tpu.memory_space<vmem>>, vector<16xf32>,
        %swap3A_123 = vector.shape_cast %swap3A_122 : vector<16xf32> to vector<16xf32>
        %swap3A_124 = vector.shape_cast %add3A_120 : vector<16xf32> to vector<16xf32>
        tpu.vector_store %arg11[%swap3A_121], %swap3A_124 {strides = array<i32>} : memref<10256xf32, #tpu.memory_space<vmem>>, vector<16xf32>,
        %slice3A_125 = vector.extract_strided_slice %get3A_101 {offsets = [2], sizes = [1], strides = [1]} : vector<16xi32> to vector<1xi32>
        %squeeze3A_126 = vector.extract %slice3A_125[0] : i32 from vector<1xi32>
        %get3A_127 = arith.index_cast %squeeze3A_126 : i32 to index
        %get3A_128 = tpu.vector_load %arg11[%get3A_127] {strides = array<i32>} : memref<10256xf32, #tpu.memory_space<vmem>>, vector<16xf32>,
        %get3A_129 = vector.shape_cast %get3A_128 : vector<16xf32> to vector<16xf32>
        %add3A_130 = arith.addf %get3A_129, %select_n3A : vector<16xf32>
        %swap3A_131 = arith.index_cast %squeeze3A_126 : i32 to index
        %swap3A_132 = tpu.vector_load %arg11[%swap3A_131] {strides = array<i32>} : memref<10256xf32, #tpu.memory_space<vmem>>, vector<16xf32>,
        %swap3A_133 = vector.shape_cast %swap3A_132 : vector<16xf32> to vector<16xf32>
        %swap3A_134 = vector.shape_cast %add3A_130 : vector<16xf32> to vector<16xf32>
        tpu.vector_store %arg11[%swap3A_131], %swap3A_134 {strides = array<i32>} : memref<10256xf32, #tpu.memory_space<vmem>>, vector<16xf32>,
        %slice3A_135 = vector.extract_strided_slice %get3A_101 {offsets = [3], sizes = [1], strides = [1]} : vector<16xi32> to vector<1xi32>
        %squeeze3A_136 = vector.extract %slice3A_135[0] : i32 from vector<1xi32>
        %get3A_137 = arith.index_cast %squeeze3A_136 : i32 to index
        %get3A_138 = tpu.vector_load %arg11[%get3A_137] {strides = array<i32>} : memref<10256xf32, #tpu.memory_space<vmem>>, vector<16xf32>,
        %get3A_139 = vector.shape_cast %get3A_138 : vector<16xf32> to vector<16xf32>
        %add3A_140 = arith.addf %get3A_139, %select_n3A : vector<16xf32>
        %swap3A_141 = arith.index_cast %squeeze3A_136 : i32 to index
        %swap3A_142 = tpu.vector_load %arg11[%swap3A_141] {strides = array<i32>} : memref<10256xf32, #tpu.memory_space<vmem>>, vector<16xf32>,
        %swap3A_143 = vector.shape_cast %swap3A_142 : vector<16xf32> to vector<16xf32>
        %swap3A_144 = vector.shape_cast %add3A_140 : vector<16xf32> to vector<16xf32>
        tpu.vector_store %arg11[%swap3A_141], %swap3A_144 {strides = array<i32>} : memref<10256xf32, #tpu.memory_space<vmem>>, vector<16xf32>,
        %slice3A_145 = vector.extract_strided_slice %get3A_101 {offsets = [4], sizes = [1], strides = [1]} : vector<16xi32> to vector<1xi32>
        %squeeze3A_146 = vector.extract %slice3A_145[0] : i32 from vector<1xi32>
        %get3A_147 = arith.index_cast %squeeze3A_146 : i32 to index
        %get3A_148 = tpu.vector_load %arg11[%get3A_147] {strides = array<i32>} : memref<10256xf32, #tpu.memory_space<vmem>>, vector<16xf32>,
        %get3A_149 = vector.shape_cast %get3A_148 : vector<16xf32> to vector<16xf32>
        %add3A_150 = arith.addf %get3A_149, %select_n3A : vector<16xf32>
        %swap3A_151 = arith.index_cast %squeeze3A_146 : i32 to index
        %swap3A_152 = tpu.vector_load %arg11[%swap3A_151] {strides = array<i32>} : memref<10256xf32, #tpu.memory_space<vmem>>, vector<16xf32>,
        %swap3A_153 = vector.shape_cast %swap3A_152 : vector<16xf32> to vector<16xf32>
        %swap3A_154 = vector.shape_cast %add3A_150 : vector<16xf32> to vector<16xf32>
        tpu.vector_store %arg11[%swap3A_151], %swap3A_154 {strides = array<i32>} : memref<10256xf32, #tpu.memory_space<vmem>>, vector<16xf32>,
        %slice3A_155 = vector.extract_strided_slice %get3A_101 {offsets = [5], sizes = [1], strides = [1]} : vector<16xi32> to vector<1xi32>
        %squeeze3A_156 = vector.extract %slice3A_155[0] : i32 from vector<1xi32>
        %get3A_157 = arith.index_cast %squeeze3A_156 : i32 to index
        %get3A_158 = tpu.vector_load %arg11[%get3A_157] {strides = array<i32>} : memref<10256xf32, #tpu.memory_space<vmem>>, vector<16xf32>,
        %get3A_159 = vector.shape_cast %get3A_158 : vector<16xf32> to vector<16xf32>
        %add3A_160 = arith.addf %get3A_159, %select_n3A : vector<16xf32>
        %swap3A_161 = arith.index_cast %squeeze3A_156 : i32 to index
        %swap3A_162 = tpu.vector_load %arg11[%swap3A_161] {strides = array<i32>} : memref<10256xf32, #tpu.memory_space<vmem>>, vector<16xf32>,
        %swap3A_163 = vector.shape_cast %swap3A_162 : vector<16xf32> to vector<16xf32>
        %swap3A_164 = vector.shape_cast %add3A_160 : vector<16xf32> to vector<16xf32>
        tpu.vector_store %arg11[%swap3A_161], %swap3A_164 {strides = array<i32>} : memref<10256xf32, #tpu.memory_space<vmem>>, vector<16xf32>,
        %slice3A_165 = vector.extract_strided_slice %get3A_101 {offsets = [6], sizes = [1], strides = [1]} : vector<16xi32> to vector<1xi32>
        %squeeze3A_166 = vector.extract %slice3A_165[0] : i32 from vector<1xi32>
        %get3A_167 = arith.index_cast %squeeze3A_166 : i32 to index
        %get3A_168 = tpu.vector_load %arg11[%get3A_167] {strides = array<i32>} : memref<10256xf32, #tpu.memory_space<vmem>>, vector<16xf32>,
        %get3A_169 = vector.shape_cast %get3A_168 : vector<16xf32> to vector<16xf32>
        %add3A_170 = arith.addf %get3A_169, %select_n3A : vector<16xf32>
        %swap3A_171 = arith.index_cast %squeeze3A_166 : i32 to index
        %swap3A_172 = tpu.vector_load %arg11[%swap3A_171] {strides = array<i32>} : memref<10256xf32, #tpu.memory_space<vmem>>, vector<16xf32>,
        %swap3A_173 = vector.shape_cast %swap3A_172 : vector<16xf32> to vector<16xf32>
        %swap3A_174 = vector.shape_cast %add3A_170 : vector<16xf32> to vector<16xf32>
        tpu.vector_store %arg11[%swap3A_171], %swap3A_174 {strides = array<i32>} : memref<10256xf32, #tpu.memory_space<vmem>>, vector<16xf32>,
        %slice3A_175 = vector.extract_strided_slice %get3A_101 {offsets = [7], sizes = [1], strides = [1]} : vector<16xi32> to vector<1xi32>
        %squeeze3A_176 = vector.extract %slice3A_175[0] : i32 from vector<1xi32>
        %get3A_177 = arith.index_cast %squeeze3A_176 : i32 to index
        %get3A_178 = tpu.vector_load %arg11[%get3A_177] {strides = array<i32>} : memref<10256xf32, #tpu.memory_space<vmem>>, vector<16xf32>,
        %get3A_179 = vector.shape_cast %get3A_178 : vector<16xf32> to vector<16xf32>
        %add3A_180 = arith.addf %get3A_179, %select_n3A : vector<16xf32>
        %swap3A_181 = arith.index_cast %squeeze3A_176 : i32 to index
        %swap3A_182 = tpu.vector_load %arg11[%swap3A_181] {strides = array<i32>} : memref<10256xf32, #tpu.memory_space<vmem>>, vector<16xf32>,
        %swap3A_183 = vector.shape_cast %swap3A_182 : vector<16xf32> to vector<16xf32>
        %swap3A_184 = vector.shape_cast %add3A_180 : vector<16xf32> to vector<16xf32>
        tpu.vector_store %arg11[%swap3A_181], %swap3A_184 {strides = array<i32>} : memref<10256xf32, #tpu.memory_space<vmem>>, vector<16xf32>,
        %slice3A_185 = vector.extract_strided_slice %get3A_101 {offsets = [8], sizes = [1], strides = [1]} : vector<16xi32> to vector<1xi32>
        %squeeze3A_186 = vector.extract %slice3A_185[0] : i32 from vector<1xi32>
        %get3A_187 = arith.index_cast %squeeze3A_186 : i32 to index
        %get3A_188 = tpu.vector_load %arg11[%get3A_187] {strides = array<i32>} : memref<10256xf32, #tpu.memory_space<vmem>>, vector<16xf32>,
        %get3A_189 = vector.shape_cast %get3A_188 : vector<16xf32> to vector<16xf32>
        %add3A_190 = arith.addf %get3A_189, %select_n3A : vector<16xf32>
        %swap3A_191 = arith.index_cast %squeeze3A_186 : i32 to index
        %swap3A_192 = tpu.vector_load %arg11[%swap3A_191] {strides = array<i32>} : memref<10256xf32, #tpu.memory_space<vmem>>, vector<16xf32>,
        %swap3A_193 = vector.shape_cast %swap3A_192 : vector<16xf32> to vector<16xf32>
        %swap3A_194 = vector.shape_cast %add3A_190 : vector<16xf32> to vector<16xf32>
        tpu.vector_store %arg11[%swap3A_191], %swap3A_194 {strides = array<i32>} : memref<10256xf32, #tpu.memory_space<vmem>>, vector<16xf32>,
        %slice3A_195 = vector.extract_strided_slice %get3A_101 {offsets = [9], sizes = [1], strides = [1]} : vector<16xi32> to vector<1xi32>
        %squeeze3A_196 = vector.extract %slice3A_195[0] : i32 from vector<1xi32>
        %get3A_197 = arith.index_cast %squeeze3A_196 : i32 to index
        %get3A_198 = tpu.vector_load %arg11[%get3A_197] {strides = array<i32>} : memref<10256xf32, #tpu.memory_space<vmem>>, vector<16xf32>,
        %get3A_199 = vector.shape_cast %get3A_198 : vector<16xf32> to vector<16xf32>
        %add3A_200 = arith.addf %get3A_199, %select_n3A : vector<16xf32>
        %swap3A_201 = arith.index_cast %squeeze3A_196 : i32 to index
        %swap3A_202 = tpu.vector_load %arg11[%swap3A_201] {strides = array<i32>} : memref<10256xf32, #tpu.memory_space<vmem>>, vector<16xf32>,
        %swap3A_203 = vector.shape_cast %swap3A_202 : vector<16xf32> to vector<16xf32>
        %swap3A_204 = vector.shape_cast %add3A_200 : vector<16xf32> to vector<16xf32>
        tpu.vector_store %arg11[%swap3A_201], %swap3A_204 {strides = array<i32>} : memref<10256xf32, #tpu.memory_space<vmem>>, vector<16xf32>,
        %slice3A_205 = vector.extract_strided_slice %get3A_101 {offsets = [10], sizes = [1], strides = [1]} : vector<16xi32> to vector<1xi32>
        %squeeze3A_206 = vector.extract %slice3A_205[0] : i32 from vector<1xi32>
        %get3A_207 = arith.index_cast %squeeze3A_206 : i32 to index
        %get3A_208 = tpu.vector_load %arg11[%get3A_207] {strides = array<i32>} : memref<10256xf32, #tpu.memory_space<vmem>>, vector<16xf32>,
        %get3A_209 = vector.shape_cast %get3A_208 : vector<16xf32> to vector<16xf32>
        %add3A_210 = arith.addf %get3A_209, %select_n3A : vector<16xf32>
        %swap3A_211 = arith.index_cast %squeeze3A_206 : i32 to index
        %swap3A_212 = tpu.vector_load %arg11[%swap3A_211] {strides = array<i32>} : memref<10256xf32, #tpu.memory_space<vmem>>, vector<16xf32>,
        %swap3A_213 = vector.shape_cast %swap3A_212 : vector<16xf32> to vector<16xf32>
        %swap3A_214 = vector.shape_cast %add3A_210 : vector<16xf32> to vector<16xf32>
        tpu.vector_store %arg11[%swap3A_211], %swap3A_214 {strides = array<i32>} : memref<10256xf32, #tpu.memory_space<vmem>>, vector<16xf32>,
        %slice3A_215 = vector.extract_strided_slice %get3A_101 {offsets = [11], sizes = [1], strides = [1]} : vector<16xi32> to vector<1xi32>
        %squeeze3A_216 = vector.extract %slice3A_215[0] : i32 from vector<1xi32>
        %get3A_217 = arith.index_cast %squeeze3A_216 : i32 to index
        %get3A_218 = tpu.vector_load %arg11[%get3A_217] {strides = array<i32>} : memref<10256xf32, #tpu.memory_space<vmem>>, vector<16xf32>,
        %get3A_219 = vector.shape_cast %get3A_218 : vector<16xf32> to vector<16xf32>
        %add3A_220 = arith.addf %get3A_219, %select_n3A : vector<16xf32>
        %swap3A_221 = arith.index_cast %squeeze3A_216 : i32 to index
        %swap3A_222 = tpu.vector_load %arg11[%swap3A_221] {strides = array<i32>} : memref<10256xf32, #tpu.memory_space<vmem>>, vector<16xf32>,
        %swap3A_223 = vector.shape_cast %swap3A_222 : vector<16xf32> to vector<16xf32>
        %swap3A_224 = vector.shape_cast %add3A_220 : vector<16xf32> to vector<16xf32>
        tpu.vector_store %arg11[%swap3A_221], %swap3A_224 {strides = array<i32>} : memref<10256xf32, #tpu.memory_space<vmem>>, vector<16xf32>,
        %slice3A_225 = vector.extract_strided_slice %get3A_101 {offsets = [12], sizes = [1], strides = [1]} : vector<16xi32> to vector<1xi32>
        %squeeze3A_226 = vector.extract %slice3A_225[0] : i32 from vector<1xi32>
        %get3A_227 = arith.index_cast %squeeze3A_226 : i32 to index
        %get3A_228 = tpu.vector_load %arg11[%get3A_227] {strides = array<i32>} : memref<10256xf32, #tpu.memory_space<vmem>>, vector<16xf32>,
        %get3A_229 = vector.shape_cast %get3A_228 : vector<16xf32> to vector<16xf32>
        %add3A_230 = arith.addf %get3A_229, %select_n3A : vector<16xf32>
        %swap3A_231 = arith.index_cast %squeeze3A_226 : i32 to index
        %swap3A_232 = tpu.vector_load %arg11[%swap3A_231] {strides = array<i32>} : memref<10256xf32, #tpu.memory_space<vmem>>, vector<16xf32>,
        %swap3A_233 = vector.shape_cast %swap3A_232 : vector<16xf32> to vector<16xf32>
        %swap3A_234 = vector.shape_cast %add3A_230 : vector<16xf32> to vector<16xf32>
        tpu.vector_store %arg11[%swap3A_231], %swap3A_234 {strides = array<i32>} : memref<10256xf32, #tpu.memory_space<vmem>>, vector<16xf32>,
        %slice3A_235 = vector.extract_strided_slice %get3A_101 {offsets = [13], sizes = [1], strides = [1]} : vector<16xi32> to vector<1xi32>
        %squeeze3A_236 = vector.extract %slice3A_235[0] : i32 from vector<1xi32>
        %get3A_237 = arith.index_cast %squeeze3A_236 : i32 to index
        %get3A_238 = tpu.vector_load %arg11[%get3A_237] {strides = array<i32>} : memref<10256xf32, #tpu.memory_space<vmem>>, vector<16xf32>,
        %get3A_239 = vector.shape_cast %get3A_238 : vector<16xf32> to vector<16xf32>
        %add3A_240 = arith.addf %get3A_239, %select_n3A : vector<16xf32>
        %swap3A_241 = arith.index_cast %squeeze3A_236 : i32 to index
        %swap3A_242 = tpu.vector_load %arg11[%swap3A_241] {strides = array<i32>} : memref<10256xf32, #tpu.memory_space<vmem>>, vector<16xf32>,
        %swap3A_243 = vector.shape_cast %swap3A_242 : vector<16xf32> to vector<16xf32>
        %swap3A_244 = vector.shape_cast %add3A_240 : vector<16xf32> to vector<16xf32>
        tpu.vector_store %arg11[%swap3A_241], %swap3A_244 {strides = array<i32>} : memref<10256xf32, #tpu.memory_space<vmem>>, vector<16xf32>,
        %slice3A_245 = vector.extract_strided_slice %get3A_101 {offsets = [14], sizes = [1], strides = [1]} : vector<16xi32> to vector<1xi32>
        %squeeze3A_246 = vector.extract %slice3A_245[0] : i32 from vector<1xi32>
        %get3A_247 = arith.index_cast %squeeze3A_246 : i32 to index
        %get3A_248 = tpu.vector_load %arg11[%get3A_247] {strides = array<i32>} : memref<10256xf32, #tpu.memory_space<vmem>>, vector<16xf32>,
        %get3A_249 = vector.shape_cast %get3A_248 : vector<16xf32> to vector<16xf32>
        %add3A_250 = arith.addf %get3A_249, %select_n3A : vector<16xf32>
        %swap3A_251 = arith.index_cast %squeeze3A_246 : i32 to index
        %swap3A_252 = tpu.vector_load %arg11[%swap3A_251] {strides = array<i32>} : memref<10256xf32, #tpu.memory_space<vmem>>, vector<16xf32>,
        %swap3A_253 = vector.shape_cast %swap3A_252 : vector<16xf32> to vector<16xf32>
        %swap3A_254 = vector.shape_cast %add3A_250 : vector<16xf32> to vector<16xf32>
        tpu.vector_store %arg11[%swap3A_251], %swap3A_254 {strides = array<i32>} : memref<10256xf32, #tpu.memory_space<vmem>>, vector<16xf32>,
        %slice3A_255 = vector.extract_strided_slice %get3A_101 {offsets = [15], sizes = [1], strides = [1]} : vector<16xi32> to vector<1xi32>
        %squeeze3A_256 = vector.extract %slice3A_255[0] : i32 from vector<1xi32>
        %get3A_257 = arith.index_cast %squeeze3A_256 : i32 to index
        %get3A_258 = tpu.vector_load %arg11[%get3A_257] {strides = array<i32>} : memref<10256xf32, #tpu.memory_space<vmem>>, vector<16xf32>,
        %get3A_259 = vector.shape_cast %get3A_258 : vector<16xf32> to vector<16xf32>
        %add3A_260 = arith.addf %get3A_259, %select_n3A : vector<16xf32>
        %swap3A_261 = arith.index_cast %squeeze3A_256 : i32 to index
        %swap3A_262 = tpu.vector_load %arg11[%swap3A_261] {strides = array<i32>} : memref<10256xf32, #tpu.memory_space<vmem>>, vector<16xf32>,
        %swap3A_263 = vector.shape_cast %swap3A_262 : vector<16xf32> to vector<16xf32>
        %swap3A_264 = vector.shape_cast %add3A_260 : vector<16xf32> to vector<16xf32>
        tpu.vector_store %arg11[%swap3A_261], %swap3A_264 {strides = array<i32>} : memref<10256xf32, #tpu.memory_space<vmem>>, vector<16xf32>,
        %get3A_265 = arith.constant 1 : i32
        %get3A_266 = arith.index_cast %get3A_265 : i32 to index
        %get3A_267 = arith.constant 16 : index
        %get3A_268 = tpu.vector_load %arg7[%get3A_266, %get3A_267] {strides = array<i32>} : memref<2x96xi32, #tpu.memory_space<vmem>>, vector<1x16xi32>,
        %get3A_269 = vector.shape_cast %get3A_268 : vector<1x16xi32> to vector<16xi32>
        %swap3A_270 = arith.constant 1 : i32
        %swap3A_271 = arith.index_cast %swap3A_270 : i32 to index
        %swap3A_272 = arith.constant 16 : index
        %swap3A_273 = tpu.vector_load %arg8[%swap3A_271, %swap3A_272] {strides = array<i32>} : memref<2x96xi32, #tpu.memory_space<vmem>>, vector<1x16xi32>,
        %swap3A_274 = vector.shape_cast %swap3A_273 : vector<1x16xi32> to vector<16xi32>
        %swap3A_275 = vector.shape_cast %get3A_269 : vector<16xi32> to vector<1x16xi32>
        tpu.vector_store %arg8[%swap3A_271, %swap3A_272], %swap3A_275 {strides = array<i32>} : memref<2x96xi32, #tpu.memory_space<vmem>>, vector<1x16xi32>,
        %slice3A_276 = vector.extract_strided_slice %get3A_269 {offsets = [0], sizes = [1], strides = [1]} : vector<16xi32> to vector<1xi32>
        %squeeze3A_277 = vector.extract %slice3A_276[0] : i32 from vector<1xi32>
        %get3A_278 = arith.index_cast %squeeze3A_277 : i32 to index
        %get3A_279 = tpu.vector_load %arg11[%get3A_278] {strides = array<i32>} : memref<10256xf32, #tpu.memory_space<vmem>>, vector<16xf32>,
        %get3A_280 = vector.shape_cast %get3A_279 : vector<16xf32> to vector<16xf32>
        %add3A_281 = arith.addf %get3A_280, %select_n3A : vector<16xf32>
        %swap3A_282 = arith.index_cast %squeeze3A_277 : i32 to index
        %swap3A_283 = tpu.vector_load %arg11[%swap3A_282] {strides = array<i32>} : memref<10256xf32, #tpu.memory_space<vmem>>, vector<16xf32>,
        %swap3A_284 = vector.shape_cast %swap3A_283 : vector<16xf32> to vector<16xf32>
        %swap3A_285 = vector.shape_cast %add3A_281 : vector<16xf32> to vector<16xf32>
        tpu.vector_store %arg11[%swap3A_282], %swap3A_285 {strides = array<i32>} : memref<10256xf32, #tpu.memory_space<vmem>>, vector<16xf32>,
        %slice3A_286 = vector.extract_strided_slice %get3A_269 {offsets = [1], sizes = [1], strides = [1]} : vector<16xi32> to vector<1xi32>
        %squeeze3A_287 = vector.extract %slice3A_286[0] : i32 from vector<1xi32>
        %get3A_288 = arith.index_cast %squeeze3A_287 : i32 to index
        %get3A_289 = tpu.vector_load %arg11[%get3A_288] {strides = array<i32>} : memref<10256xf32, #tpu.memory_space<vmem>>, vector<16xf32>,
        %get3A_290 = vector.shape_cast %get3A_289 : vector<16xf32> to vector<16xf32>
        %add3A_291 = arith.addf %get3A_290, %select_n3A : vector<16xf32>
        %swap3A_292 = arith.index_cast %squeeze3A_287 : i32 to index
        %swap3A_293 = tpu.vector_load %arg11[%swap3A_292] {strides = array<i32>} : memref<10256xf32, #tpu.memory_space<vmem>>, vector<16xf32>,
        %swap3A_294 = vector.shape_cast %swap3A_293 : vector<16xf32> to vector<16xf32>
        %swap3A_295 = vector.shape_cast %add3A_291 : vector<16xf32> to vector<16xf32>
        tpu.vector_store %arg11[%swap3A_292], %swap3A_295 {strides = array<i32>} : memref<10256xf32, #tpu.memory_space<vmem>>, vector<16xf32>,
        %slice3A_296 = vector.extract_strided_slice %get3A_269 {offsets = [2], sizes = [1], strides = [1]} : vector<16xi32> to vector<1xi32>
        %squeeze3A_297 = vector.extract %slice3A_296[0] : i32 from vector<1xi32>
        %get3A_298 = arith.index_cast %squeeze3A_297 : i32 to index
        %get3A_299 = tpu.vector_load %arg11[%get3A_298] {strides = array<i32>} : memref<10256xf32, #tpu.memory_space<vmem>>, vector<16xf32>,
        %get3A_300 = vector.shape_cast %get3A_299 : vector<16xf32> to vector<16xf32>
        %add3A_301 = arith.addf %get3A_300, %select_n3A : vector<16xf32>
        %swap3A_302 = arith.index_cast %squeeze3A_297 : i32 to index
        %swap3A_303 = tpu.vector_load %arg11[%swap3A_302] {strides = array<i32>} : memref<10256xf32, #tpu.memory_space<vmem>>, vector<16xf32>,
        %swap3A_304 = vector.shape_cast %swap3A_303 : vector<16xf32> to vector<16xf32>
        %swap3A_305 = vector.shape_cast %add3A_301 : vector<16xf32> to vector<16xf32>
        tpu.vector_store %arg11[%swap3A_302], %swap3A_305 {strides = array<i32>} : memref<10256xf32, #tpu.memory_space<vmem>>, vector<16xf32>,
        %slice3A_306 = vector.extract_strided_slice %get3A_269 {offsets = [3], sizes = [1], strides = [1]} : vector<16xi32> to vector<1xi32>
        %squeeze3A_307 = vector.extract %slice3A_306[0] : i32 from vector<1xi32>
        %get3A_308 = arith.index_cast %squeeze3A_307 : i32 to index
        %get3A_309 = tpu.vector_load %arg11[%get3A_308] {strides = array<i32>} : memref<10256xf32, #tpu.memory_space<vmem>>, vector<16xf32>,
        %get3A_310 = vector.shape_cast %get3A_309 : vector<16xf32> to vector<16xf32>
        %add3A_311 = arith.addf %get3A_310, %select_n3A : vector<16xf32>
        %swap3A_312 = arith.index_cast %squeeze3A_307 : i32 to index
        %swap3A_313 = tpu.vector_load %arg11[%swap3A_312] {strides = array<i32>} : memref<10256xf32, #tpu.memory_space<vmem>>, vector<16xf32>,
        %swap3A_314 = vector.shape_cast %swap3A_313 : vector<16xf32> to vector<16xf32>
        %swap3A_315 = vector.shape_cast %add3A_311 : vector<16xf32> to vector<16xf32>
        tpu.vector_store %arg11[%swap3A_312], %swap3A_315 {strides = array<i32>} : memref<10256xf32, #tpu.memory_space<vmem>>, vector<16xf32>,
        %slice3A_316 = vector.extract_strided_slice %get3A_269 {offsets = [4], sizes = [1], strides = [1]} : vector<16xi32> to vector<1xi32>
        %squeeze3A_317 = vector.extract %slice3A_316[0] : i32 from vector<1xi32>
        %get3A_318 = arith.index_cast %squeeze3A_317 : i32 to index
        %get3A_319 = tpu.vector_load %arg11[%get3A_318] {strides = array<i32>} : memref<10256xf32, #tpu.memory_space<vmem>>, vector<16xf32>,
        %get3A_320 = vector.shape_cast %get3A_319 : vector<16xf32> to vector<16xf32>
        %add3A_321 = arith.addf %get3A_320, %select_n3A : vector<16xf32>
        %swap3A_322 = arith.index_cast %squeeze3A_317 : i32 to index
        %swap3A_323 = tpu.vector_load %arg11[%swap3A_322] {strides = array<i32>} : memref<10256xf32, #tpu.memory_space<vmem>>, vector<16xf32>,
        %swap3A_324 = vector.shape_cast %swap3A_323 : vector<16xf32> to vector<16xf32>
        %swap3A_325 = vector.shape_cast %add3A_321 : vector<16xf32> to vector<16xf32>
        tpu.vector_store %arg11[%swap3A_322], %swap3A_325 {strides = array<i32>} : memref<10256xf32, #tpu.memory_space<vmem>>, vector<16xf32>,
        %slice3A_326 = vector.extract_strided_slice %get3A_269 {offsets = [5], sizes = [1], strides = [1]} : vector<16xi32> to vector<1xi32>
        %squeeze3A_327 = vector.extract %slice3A_326[0] : i32 from vector<1xi32>
        %get3A_328 = arith.index_cast %squeeze3A_327 : i32 to index
        %get3A_329 = tpu.vector_load %arg11[%get3A_328] {strides = array<i32>} : memref<10256xf32, #tpu.memory_space<vmem>>, vector<16xf32>,
        %get3A_330 = vector.shape_cast %get3A_329 : vector<16xf32> to vector<16xf32>
        %add3A_331 = arith.addf %get3A_330, %select_n3A : vector<16xf32>
        %swap3A_332 = arith.index_cast %squeeze3A_327 : i32 to index
        %swap3A_333 = tpu.vector_load %arg11[%swap3A_332] {strides = array<i32>} : memref<10256xf32, #tpu.memory_space<vmem>>, vector<16xf32>,
        %swap3A_334 = vector.shape_cast %swap3A_333 : vector<16xf32> to vector<16xf32>
        %swap3A_335 = vector.shape_cast %add3A_331 : vector<16xf32> to vector<16xf32>
        tpu.vector_store %arg11[%swap3A_332], %swap3A_335 {strides = array<i32>} : memref<10256xf32, #tpu.memory_space<vmem>>, vector<16xf32>,
        %slice3A_336 = vector.extract_strided_slice %get3A_269 {offsets = [6], sizes = [1], strides = [1]} : vector<16xi32> to vector<1xi32>
        %squeeze3A_337 = vector.extract %slice3A_336[0] : i32 from vector<1xi32>
        %get3A_338 = arith.index_cast %squeeze3A_337 : i32 to index
        %get3A_339 = tpu.vector_load %arg11[%get3A_338] {strides = array<i32>} : memref<10256xf32, #tpu.memory_space<vmem>>, vector<16xf32>,
        %get3A_340 = vector.shape_cast %get3A_339 : vector<16xf32> to vector<16xf32>
        %add3A_341 = arith.addf %get3A_340, %select_n3A : vector<16xf32>
        %swap3A_342 = arith.index_cast %squeeze3A_337 : i32 to index
        %swap3A_343 = tpu.vector_load %arg11[%swap3A_342] {strides = array<i32>} : memref<10256xf32, #tpu.memory_space<vmem>>, vector<16xf32>,
        %swap3A_344 = vector.shape_cast %swap3A_343 : vector<16xf32> to vector<16xf32>
        %swap3A_345 = vector.shape_cast %add3A_341 : vector<16xf32> to vector<16xf32>
        tpu.vector_store %arg11[%swap3A_342], %swap3A_345 {strides = array<i32>} : memref<10256xf32, #tpu.memory_space<vmem>>, vector<16xf32>,
        %slice3A_346 = vector.extract_strided_slice %get3A_269 {offsets = [7], sizes = [1], strides = [1]} : vector<16xi32> to vector<1xi32>
        %squeeze3A_347 = vector.extract %slice3A_346[0] : i32 from vector<1xi32>
        %get3A_348 = arith.index_cast %squeeze3A_347 : i32 to index
        %get3A_349 = tpu.vector_load %arg11[%get3A_348] {strides = array<i32>} : memref<10256xf32, #tpu.memory_space<vmem>>, vector<16xf32>,
        %get3A_350 = vector.shape_cast %get3A_349 : vector<16xf32> to vector<16xf32>
        %add3A_351 = arith.addf %get3A_350, %select_n3A : vector<16xf32>
        %swap3A_352 = arith.index_cast %squeeze3A_347 : i32 to index
        %swap3A_353 = tpu.vector_load %arg11[%swap3A_352] {strides = array<i32>} : memref<10256xf32, #tpu.memory_space<vmem>>, vector<16xf32>,
        %swap3A_354 = vector.shape_cast %swap3A_353 : vector<16xf32> to vector<16xf32>
        %swap3A_355 = vector.shape_cast %add3A_351 : vector<16xf32> to vector<16xf32>
        tpu.vector_store %arg11[%swap3A_352], %swap3A_355 {strides = array<i32>} : memref<10256xf32, #tpu.memory_space<vmem>>, vector<16xf32>,
        %slice3A_356 = vector.extract_strided_slice %get3A_269 {offsets = [8], sizes = [1], strides = [1]} : vector<16xi32> to vector<1xi32>
        %squeeze3A_357 = vector.extract %slice3A_356[0] : i32 from vector<1xi32>
        %get3A_358 = arith.index_cast %squeeze3A_357 : i32 to index
        %get3A_359 = tpu.vector_load %arg11[%get3A_358] {strides = array<i32>} : memref<10256xf32, #tpu.memory_space<vmem>>, vector<16xf32>,
        %get3A_360 = vector.shape_cast %get3A_359 : vector<16xf32> to vector<16xf32>
        %add3A_361 = arith.addf %get3A_360, %select_n3A : vector<16xf32>
        %swap3A_362 = arith.index_cast %squeeze3A_357 : i32 to index
        %swap3A_363 = tpu.vector_load %arg11[%swap3A_362] {strides = array<i32>} : memref<10256xf32, #tpu.memory_space<vmem>>, vector<16xf32>,
        %swap3A_364 = vector.shape_cast %swap3A_363 : vector<16xf32> to vector<16xf32>
        %swap3A_365 = vector.shape_cast %add3A_361 : vector<16xf32> to vector<16xf32>
        tpu.vector_store %arg11[%swap3A_362], %swap3A_365 {strides = array<i32>} : memref<10256xf32, #tpu.memory_space<vmem>>, vector<16xf32>,
        %slice3A_366 = vector.extract_strided_slice %get3A_269 {offsets = [9], sizes = [1], strides = [1]} : vector<16xi32> to vector<1xi32>
        %squeeze3A_367 = vector.extract %slice3A_366[0] : i32 from vector<1xi32>
        %get3A_368 = arith.index_cast %squeeze3A_367 : i32 to index
        %get3A_369 = tpu.vector_load %arg11[%get3A_368] {strides = array<i32>} : memref<10256xf32, #tpu.memory_space<vmem>>, vector<16xf32>,
        %get3A_370 = vector.shape_cast %get3A_369 : vector<16xf32> to vector<16xf32>
        %add3A_371 = arith.addf %get3A_370, %select_n3A : vector<16xf32>
        %swap3A_372 = arith.index_cast %squeeze3A_367 : i32 to index
        %swap3A_373 = tpu.vector_load %arg11[%swap3A_372] {strides = array<i32>} : memref<10256xf32, #tpu.memory_space<vmem>>, vector<16xf32>,
        %swap3A_374 = vector.shape_cast %swap3A_373 : vector<16xf32> to vector<16xf32>
        %swap3A_375 = vector.shape_cast %add3A_371 : vector<16xf32> to vector<16xf32>
        tpu.vector_store %arg11[%swap3A_372], %swap3A_375 {strides = array<i32>} : memref<10256xf32, #tpu.memory_space<vmem>>, vector<16xf32>,
        %slice3A_376 = vector.extract_strided_slice %get3A_269 {offsets = [10], sizes = [1], strides = [1]} : vector<16xi32> to vector<1xi32>
        %squeeze3A_377 = vector.extract %slice3A_376[0] : i32 from vector<1xi32>
        %get3A_378 = arith.index_cast %squeeze3A_377 : i32 to index
        %get3A_379 = tpu.vector_load %arg11[%get3A_378] {strides = array<i32>} : memref<10256xf32, #tpu.memory_space<vmem>>, vector<16xf32>,
        %get3A_380 = vector.shape_cast %get3A_379 : vector<16xf32> to vector<16xf32>
        %add3A_381 = arith.addf %get3A_380, %select_n3A : vector<16xf32>
        %swap3A_382 = arith.index_cast %squeeze3A_377 : i32 to index
        %swap3A_383 = tpu.vector_load %arg11[%swap3A_382] {strides = array<i32>} : memref<10256xf32, #tpu.memory_space<vmem>>, vector<16xf32>,
        %swap3A_384 = vector.shape_cast %swap3A_383 : vector<16xf32> to vector<16xf32>
        %swap3A_385 = vector.shape_cast %add3A_381 : vector<16xf32> to vector<16xf32>
        tpu.vector_store %arg11[%swap3A_382], %swap3A_385 {strides = array<i32>} : memref<10256xf32, #tpu.memory_space<vmem>>, vector<16xf32>,
        %slice3A_386 = vector.extract_strided_slice %get3A_269 {offsets = [11], sizes = [1], strides = [1]} : vector<16xi32> to vector<1xi32>
        %squeeze3A_387 = vector.extract %slice3A_386[0] : i32 from vector<1xi32>
        %get3A_388 = arith.index_cast %squeeze3A_387 : i32 to index
        %get3A_389 = tpu.vector_load %arg11[%get3A_388] {strides = array<i32>} : memref<10256xf32, #tpu.memory_space<vmem>>, vector<16xf32>,
        %get3A_390 = vector.shape_cast %get3A_389 : vector<16xf32> to vector<16xf32>
        %add3A_391 = arith.addf %get3A_390, %select_n3A : vector<16xf32>
        %swap3A_392 = arith.index_cast %squeeze3A_387 : i32 to index
        %swap3A_393 = tpu.vector_load %arg11[%swap3A_392] {strides = array<i32>} : memref<10256xf32, #tpu.memory_space<vmem>>, vector<16xf32>,
        %swap3A_394 = vector.shape_cast %swap3A_393 : vector<16xf32> to vector<16xf32>
        %swap3A_395 = vector.shape_cast %add3A_391 : vector<16xf32> to vector<16xf32>
        tpu.vector_store %arg11[%swap3A_392], %swap3A_395 {strides = array<i32>} : memref<10256xf32, #tpu.memory_space<vmem>>, vector<16xf32>,
        %slice3A_396 = vector.extract_strided_slice %get3A_269 {offsets = [12], sizes = [1], strides = [1]} : vector<16xi32> to vector<1xi32>
        %squeeze3A_397 = vector.extract %slice3A_396[0] : i32 from vector<1xi32>
        %get3A_398 = arith.index_cast %squeeze3A_397 : i32 to index
        %get3A_399 = tpu.vector_load %arg11[%get3A_398] {strides = array<i32>} : memref<10256xf32, #tpu.memory_space<vmem>>, vector<16xf32>,
        %get3A_400 = vector.shape_cast %get3A_399 : vector<16xf32> to vector<16xf32>
        %add3A_401 = arith.addf %get3A_400, %select_n3A : vector<16xf32>
        %swap3A_402 = arith.index_cast %squeeze3A_397 : i32 to index
        %swap3A_403 = tpu.vector_load %arg11[%swap3A_402] {strides = array<i32>} : memref<10256xf32, #tpu.memory_space<vmem>>, vector<16xf32>,
        %swap3A_404 = vector.shape_cast %swap3A_403 : vector<16xf32> to vector<16xf32>
        %swap3A_405 = vector.shape_cast %add3A_401 : vector<16xf32> to vector<16xf32>
        tpu.vector_store %arg11[%swap3A_402], %swap3A_405 {strides = array<i32>} : memref<10256xf32, #tpu.memory_space<vmem>>, vector<16xf32>,
        %slice3A_406 = vector.extract_strided_slice %get3A_269 {offsets = [13], sizes = [1], strides = [1]} : vector<16xi32> to vector<1xi32>
        %squeeze3A_407 = vector.extract %slice3A_406[0] : i32 from vector<1xi32>
        %get3A_408 = arith.index_cast %squeeze3A_407 : i32 to index
        %get3A_409 = tpu.vector_load %arg11[%get3A_408] {strides = array<i32>} : memref<10256xf32, #tpu.memory_space<vmem>>, vector<16xf32>,
        %get3A_410 = vector.shape_cast %get3A_409 : vector<16xf32> to vector<16xf32>
        %add3A_411 = arith.addf %get3A_410, %select_n3A : vector<16xf32>
        %swap3A_412 = arith.index_cast %squeeze3A_407 : i32 to index
        %swap3A_413 = tpu.vector_load %arg11[%swap3A_412] {strides = array<i32>} : memref<10256xf32, #tpu.memory_space<vmem>>, vector<16xf32>,
        %swap3A_414 = vector.shape_cast %swap3A_413 : vector<16xf32> to vector<16xf32>
        %swap3A_415 = vector.shape_cast %add3A_411 : vector<16xf32> to vector<16xf32>
        tpu.vector_store %arg11[%swap3A_412], %swap3A_415 {strides = array<i32>} : memref<10256xf32, #tpu.memory_space<vmem>>, vector<16xf32>,
        %slice3A_416 = vector.extract_strided_slice %get3A_269 {offsets = [14], sizes = [1], strides = [1]} : vector<16xi32> to vector<1xi32>
        %squeeze3A_417 = vector.extract %slice3A_416[0] : i32 from vector<1xi32>
        %get3A_418 = arith.index_cast %squeeze3A_417 : i32 to index
        %get3A_419 = tpu.vector_load %arg11[%get3A_418] {strides = array<i32>} : memref<10256xf32, #tpu.memory_space<vmem>>, vector<16xf32>,
        %get3A_420 = vector.shape_cast %get3A_419 : vector<16xf32> to vector<16xf32>
        %add3A_421 = arith.addf %get3A_420, %select_n3A : vector<16xf32>
        %swap3A_422 = arith.index_cast %squeeze3A_417 : i32 to index
        %swap3A_423 = tpu.vector_load %arg11[%swap3A_422] {strides = array<i32>} : memref<10256xf32, #tpu.memory_space<vmem>>, vector<16xf32>,
        %swap3A_424 = vector.shape_cast %swap3A_423 : vector<16xf32> to vector<16xf32>
        %swap3A_425 = vector.shape_cast %add3A_421 : vector<16xf32> to vector<16xf32>
        tpu.vector_store %arg11[%swap3A_422], %swap3A_425 {strides = array<i32>} : memref<10256xf32, #tpu.memory_space<vmem>>, vector<16xf32>,
        %slice3A_426 = vector.extract_strided_slice %get3A_269 {offsets = [15], sizes = [1], strides = [1]} : vector<16xi32> to vector<1xi32>
        %squeeze3A_427 = vector.extract %slice3A_426[0] : i32 from vector<1xi32>
        %get3A_428 = arith.index_cast %squeeze3A_427 : i32 to index
        %get3A_429 = tpu.vector_load %arg11[%get3A_428] {strides = array<i32>} : memref<10256xf32, #tpu.memory_space<vmem>>, vector<16xf32>,
        %get3A_430 = vector.shape_cast %get3A_429 : vector<16xf32> to vector<16xf32>
        %add3A_431 = arith.addf %get3A_430, %select_n3A : vector<16xf32>
        %swap3A_432 = arith.index_cast %squeeze3A_427 : i32 to index
        %swap3A_433 = tpu.vector_load %arg11[%swap3A_432] {strides = array<i32>} : memref<10256xf32, #tpu.memory_space<vmem>>, vector<16xf32>,
        %swap3A_434 = vector.shape_cast %swap3A_433 : vector<16xf32> to vector<16xf32>
        %swap3A_435 = vector.shape_cast %add3A_431 : vector<16xf32> to vector<16xf32>
        tpu.vector_store %arg11[%swap3A_432], %swap3A_435 {strides = array<i32>} : memref<10256xf32, #tpu.memory_space<vmem>>, vector<16xf32>,
        %get3A_436 = arith.constant 1 : i32
        %get3A_437 = arith.index_cast %get3A_436 : i32 to index
        %get3A_438 = arith.constant 32 : index
        %get3A_439 = tpu.vector_load %arg7[%get3A_437, %get3A_438] {strides = array<i32>} : memref<2x96xi32, #tpu.memory_space<vmem>>, vector<1x16xi32>,
        %get3A_440 = vector.shape_cast %get3A_439 : vector<1x16xi32> to vector<16xi32>
        %swap3A_441 = arith.constant 1 : i32
        %swap3A_442 = arith.index_cast %swap3A_441 : i32 to index
        %swap3A_443 = arith.constant 32 : index
        %swap3A_444 = tpu.vector_load %arg8[%swap3A_442, %swap3A_443] {strides = array<i32>} : memref<2x96xi32, #tpu.memory_space<vmem>>, vector<1x16xi32>,
        %swap3A_445 = vector.shape_cast %swap3A_444 : vector<1x16xi32> to vector<16xi32>
        %swap3A_446 = vector.shape_cast %get3A_440 : vector<16xi32> to vector<1x16xi32>
        tpu.vector_store %arg8[%swap3A_442, %swap3A_443], %swap3A_446 {strides = array<i32>} : memref<2x96xi32, #tpu.memory_space<vmem>>, vector<1x16xi32>,
        %slice3A_447 = vector.extract_strided_slice %get3A_440 {offsets = [0], sizes = [1], strides = [1]} : vector<16xi32> to vector<1xi32>
        %squeeze3A_448 = vector.extract %slice3A_447[0] : i32 from vector<1xi32>
        %get3A_449 = arith.index_cast %squeeze3A_448 : i32 to index
        %get3A_450 = tpu.vector_load %arg11[%get3A_449] {strides = array<i32>} : memref<10256xf32, #tpu.memory_space<vmem>>, vector<16xf32>,
        %get3A_451 = vector.shape_cast %get3A_450 : vector<16xf32> to vector<16xf32>
        %add3A_452 = arith.addf %get3A_451, %select_n3A : vector<16xf32>
        %swap3A_453 = arith.index_cast %squeeze3A_448 : i32 to index
        %swap3A_454 = tpu.vector_load %arg11[%swap3A_453] {strides = array<i32>} : memref<10256xf32, #tpu.memory_space<vmem>>, vector<16xf32>,
        %swap3A_455 = vector.shape_cast %swap3A_454 : vector<16xf32> to vector<16xf32>
        %swap3A_456 = vector.shape_cast %add3A_452 : vector<16xf32> to vector<16xf32>
        tpu.vector_store %arg11[%swap3A_453], %swap3A_456 {strides = array<i32>} : memref<10256xf32, #tpu.memory_space<vmem>>, vector<16xf32>,
        %slice3A_457 = vector.extract_strided_slice %get3A_440 {offsets = [1], sizes = [1], strides = [1]} : vector<16xi32> to vector<1xi32>
        %squeeze3A_458 = vector.extract %slice3A_457[0] : i32 from vector<1xi32>
        %get3A_459 = arith.index_cast %squeeze3A_458 : i32 to index
        %get3A_460 = tpu.vector_load %arg11[%get3A_459] {strides = array<i32>} : memref<10256xf32, #tpu.memory_space<vmem>>, vector<16xf32>,
        %get3A_461 = vector.shape_cast %get3A_460 : vector<16xf32> to vector<16xf32>
        %add3A_462 = arith.addf %get3A_461, %select_n3A : vector<16xf32>
        %swap3A_463 = arith.index_cast %squeeze3A_458 : i32 to index
        %swap3A_464 = tpu.vector_load %arg11[%swap3A_463] {strides = array<i32>} : memref<10256xf32, #tpu.memory_space<vmem>>, vector<16xf32>,
        %swap3A_465 = vector.shape_cast %swap3A_464 : vector<16xf32> to vector<16xf32>
        %swap3A_466 = vector.shape_cast %add3A_462 : vector<16xf32> to vector<16xf32>
        tpu.vector_store %arg11[%swap3A_463], %swap3A_466 {strides = array<i32>} : memref<10256xf32, #tpu.memory_space<vmem>>, vector<16xf32>,
        %slice3A_467 = vector.extract_strided_slice %get3A_440 {offsets = [2], sizes = [1], strides = [1]} : vector<16xi32> to vector<1xi32>
        %squeeze3A_468 = vector.extract %slice3A_467[0] : i32 from vector<1xi32>
        %get3A_469 = arith.index_cast %squeeze3A_468 : i32 to index
        %get3A_470 = tpu.vector_load %arg11[%get3A_469] {strides = array<i32>} : memref<10256xf32, #tpu.memory_space<vmem>>, vector<16xf32>,
        %get3A_471 = vector.shape_cast %get3A_470 : vector<16xf32> to vector<16xf32>
        %add3A_472 = arith.addf %get3A_471, %select_n3A : vector<16xf32>
        %swap3A_473 = arith.index_cast %squeeze3A_468 : i32 to index
        %swap3A_474 = tpu.vector_load %arg11[%swap3A_473] {strides = array<i32>} : memref<10256xf32, #tpu.memory_space<vmem>>, vector<16xf32>,
        %swap3A_475 = vector.shape_cast %swap3A_474 : vector<16xf32> to vector<16xf32>
        %swap3A_476 = vector.shape_cast %add3A_472 : vector<16xf32> to vector<16xf32>
        tpu.vector_store %arg11[%swap3A_473], %swap3A_476 {strides = array<i32>} : memref<10256xf32, #tpu.memory_space<vmem>>, vector<16xf32>,
        %slice3A_477 = vector.extract_strided_slice %get3A_440 {offsets = [3], sizes = [1], strides = [1]} : vector<16xi32> to vector<1xi32>
        %squeeze3A_478 = vector.extract %slice3A_477[0] : i32 from vector<1xi32>
        %get3A_479 = arith.index_cast %squeeze3A_478 : i32 to index
        %get3A_480 = tpu.vector_load %arg11[%get3A_479] {strides = array<i32>} : memref<10256xf32, #tpu.memory_space<vmem>>, vector<16xf32>,
        %get3A_481 = vector.shape_cast %get3A_480 : vector<16xf32> to vector<16xf32>
        %add3A_482 = arith.addf %get3A_481, %select_n3A : vector<16xf32>
        %swap3A_483 = arith.index_cast %squeeze3A_478 : i32 to index
        %swap3A_484 = tpu.vector_load %arg11[%swap3A_483] {strides = array<i32>} : memref<10256xf32, #tpu.memory_space<vmem>>, vector<16xf32>,
        %swap3A_485 = vector.shape_cast %swap3A_484 : vector<16xf32> to vector<16xf32>
        %swap3A_486 = vector.shape_cast %add3A_482 : vector<16xf32> to vector<16xf32>
        tpu.vector_store %arg11[%swap3A_483], %swap3A_486 {strides = array<i32>} : memref<10256xf32, #tpu.memory_space<vmem>>, vector<16xf32>,
        %slice3A_487 = vector.extract_strided_slice %get3A_440 {offsets = [4], sizes = [1], strides = [1]} : vector<16xi32> to vector<1xi32>
        %squeeze3A_488 = vector.extract %slice3A_487[0] : i32 from vector<1xi32>
        %get3A_489 = arith.index_cast %squeeze3A_488 : i32 to index
        %get3A_490 = tpu.vector_load %arg11[%get3A_489] {strides = array<i32>} : memref<10256xf32, #tpu.memory_space<vmem>>, vector<16xf32>,
        %get3A_491 = vector.shape_cast %get3A_490 : vector<16xf32> to vector<16xf32>
        %add3A_492 = arith.addf %get3A_491, %select_n3A : vector<16xf32>
        %swap3A_493 = arith.index_cast %squeeze3A_488 : i32 to index
        %swap3A_494 = tpu.vector_load %arg11[%swap3A_493] {strides = array<i32>} : memref<10256xf32, #tpu.memory_space<vmem>>, vector<16xf32>,
        %swap3A_495 = vector.shape_cast %swap3A_494 : vector<16xf32> to vector<16xf32>
        %swap3A_496 = vector.shape_cast %add3A_492 : vector<16xf32> to vector<16xf32>
        tpu.vector_store %arg11[%swap3A_493], %swap3A_496 {strides = array<i32>} : memref<10256xf32, #tpu.memory_space<vmem>>, vector<16xf32>,
        %slice3A_497 = vector.extract_strided_slice %get3A_440 {offsets = [5], sizes = [1], strides = [1]} : vector<16xi32> to vector<1xi32>
        %squeeze3A_498 = vector.extract %slice3A_497[0] : i32 from vector<1xi32>
        %get3A_499 = arith.index_cast %squeeze3A_498 : i32 to index
        %get3A_500 = tpu.vector_load %arg11[%get3A_499] {strides = array<i32>} : memref<10256xf32, #tpu.memory_space<vmem>>, vector<16xf32>,
        %get3A_501 = vector.shape_cast %get3A_500 : vector<16xf32> to vector<16xf32>
        %add3A_502 = arith.addf %get3A_501, %select_n3A : vector<16xf32>
        %swap3A_503 = arith.index_cast %squeeze3A_498 : i32 to index
        %swap3A_504 = tpu.vector_load %arg11[%swap3A_503] {strides = array<i32>} : memref<10256xf32, #tpu.memory_space<vmem>>, vector<16xf32>,
        %swap3A_505 = vector.shape_cast %swap3A_504 : vector<16xf32> to vector<16xf32>
        %swap3A_506 = vector.shape_cast %add3A_502 : vector<16xf32> to vector<16xf32>
        tpu.vector_store %arg11[%swap3A_503], %swap3A_506 {strides = array<i32>} : memref<10256xf32, #tpu.memory_space<vmem>>, vector<16xf32>,
        %slice3A_507 = vector.extract_strided_slice %get3A_440 {offsets = [6], sizes = [1], strides = [1]} : vector<16xi32> to vector<1xi32>
        %squeeze3A_508 = vector.extract %slice3A_507[0] : i32 from vector<1xi32>
        %get3A_509 = arith.index_cast %squeeze3A_508 : i32 to index
        %get3A_510 = tpu.vector_load %arg11[%get3A_509] {strides = array<i32>} : memref<10256xf32, #tpu.memory_space<vmem>>, vector<16xf32>,
        %get3A_511 = vector.shape_cast %get3A_510 : vector<16xf32> to vector<16xf32>
        %add3A_512 = arith.addf %get3A_511, %select_n3A : vector<16xf32>
        %swap3A_513 = arith.index_cast %squeeze3A_508 : i32 to index
        %swap3A_514 = tpu.vector_load %arg11[%swap3A_513] {strides = array<i32>} : memref<10256xf32, #tpu.memory_space<vmem>>, vector<16xf32>,
        %swap3A_515 = vector.shape_cast %swap3A_514 : vector<16xf32> to vector<16xf32>
        %swap3A_516 = vector.shape_cast %add3A_512 : vector<16xf32> to vector<16xf32>
        tpu.vector_store %arg11[%swap3A_513], %swap3A_516 {strides = array<i32>} : memref<10256xf32, #tpu.memory_space<vmem>>, vector<16xf32>,
        %slice3A_517 = vector.extract_strided_slice %get3A_440 {offsets = [7], sizes = [1], strides = [1]} : vector<16xi32> to vector<1xi32>
        %squeeze3A_518 = vector.extract %slice3A_517[0] : i32 from vector<1xi32>
        %get3A_519 = arith.index_cast %squeeze3A_518 : i32 to index
        %get3A_520 = tpu.vector_load %arg11[%get3A_519] {strides = array<i32>} : memref<10256xf32, #tpu.memory_space<vmem>>, vector<16xf32>,
        %get3A_521 = vector.shape_cast %get3A_520 : vector<16xf32> to vector<16xf32>
        %add3A_522 = arith.addf %get3A_521, %select_n3A : vector<16xf32>
        %swap3A_523 = arith.index_cast %squeeze3A_518 : i32 to index
        %swap3A_524 = tpu.vector_load %arg11[%swap3A_523] {strides = array<i32>} : memref<10256xf32, #tpu.memory_space<vmem>>, vector<16xf32>,
        %swap3A_525 = vector.shape_cast %swap3A_524 : vector<16xf32> to vector<16xf32>
        %swap3A_526 = vector.shape_cast %add3A_522 : vector<16xf32> to vector<16xf32>
        tpu.vector_store %arg11[%swap3A_523], %swap3A_526 {strides = array<i32>} : memref<10256xf32, #tpu.memory_space<vmem>>, vector<16xf32>,
        %slice3A_527 = vector.extract_strided_slice %get3A_440 {offsets = [8], sizes = [1], strides = [1]} : vector<16xi32> to vector<1xi32>
        %squeeze3A_528 = vector.extract %slice3A_527[0] : i32 from vector<1xi32>
        %get3A_529 = arith.index_cast %squeeze3A_528 : i32 to index
        %get3A_530 = tpu.vector_load %arg11[%get3A_529] {strides = array<i32>} : memref<10256xf32, #tpu.memory_space<vmem>>, vector<16xf32>,
        %get3A_531 = vector.shape_cast %get3A_530 : vector<16xf32> to vector<16xf32>
        %add3A_532 = arith.addf %get3A_531, %select_n3A : vector<16xf32>
        %swap3A_533 = arith.index_cast %squeeze3A_528 : i32 to index
        %swap3A_534 = tpu.vector_load %arg11[%swap3A_533] {strides = array<i32>} : memref<10256xf32, #tpu.memory_space<vmem>>, vector<16xf32>,
        %swap3A_535 = vector.shape_cast %swap3A_534 : vector<16xf32> to vector<16xf32>
        %swap3A_536 = vector.shape_cast %add3A_532 : vector<16xf32> to vector<16xf32>
        tpu.vector_store %arg11[%swap3A_533], %swap3A_536 {strides = array<i32>} : memref<10256xf32, #tpu.memory_space<vmem>>, vector<16xf32>,
        %slice3A_537 = vector.extract_strided_slice %get3A_440 {offsets = [9], sizes = [1], strides = [1]} : vector<16xi32> to vector<1xi32>
        %squeeze3A_538 = vector.extract %slice3A_537[0] : i32 from vector<1xi32>
        %get3A_539 = arith.index_cast %squeeze3A_538 : i32 to index
        %get3A_540 = tpu.vector_load %arg11[%get3A_539] {strides = array<i32>} : memref<10256xf32, #tpu.memory_space<vmem>>, vector<16xf32>,
        %get3A_541 = vector.shape_cast %get3A_540 : vector<16xf32> to vector<16xf32>
        %add3A_542 = arith.addf %get3A_541, %select_n3A : vector<16xf32>
        %swap3A_543 = arith.index_cast %squeeze3A_538 : i32 to index
        %swap3A_544 = tpu.vector_load %arg11[%swap3A_543] {strides = array<i32>} : memref<10256xf32, #tpu.memory_space<vmem>>, vector<16xf32>,
        %swap3A_545 = vector.shape_cast %swap3A_544 : vector<16xf32> to vector<16xf32>
        %swap3A_546 = vector.shape_cast %add3A_542 : vector<16xf32> to vector<16xf32>
        tpu.vector_store %arg11[%swap3A_543], %swap3A_546 {strides = array<i32>} : memref<10256xf32, #tpu.memory_space<vmem>>, vector<16xf32>,
        %slice3A_547 = vector.extract_strided_slice %get3A_440 {offsets = [10], sizes = [1], strides = [1]} : vector<16xi32> to vector<1xi32>
        %squeeze3A_548 = vector.extract %slice3A_547[0] : i32 from vector<1xi32>
        %get3A_549 = arith.index_cast %squeeze3A_548 : i32 to index
        %get3A_550 = tpu.vector_load %arg11[%get3A_549] {strides = array<i32>} : memref<10256xf32, #tpu.memory_space<vmem>>, vector<16xf32>,
        %get3A_551 = vector.shape_cast %get3A_550 : vector<16xf32> to vector<16xf32>
        %add3A_552 = arith.addf %get3A_551, %select_n3A : vector<16xf32>
        %swap3A_553 = arith.index_cast %squeeze3A_548 : i32 to index
        %swap3A_554 = tpu.vector_load %arg11[%swap3A_553] {strides = array<i32>} : memref<10256xf32, #tpu.memory_space<vmem>>, vector<16xf32>,
        %swap3A_555 = vector.shape_cast %swap3A_554 : vector<16xf32> to vector<16xf32>
        %swap3A_556 = vector.shape_cast %add3A_552 : vector<16xf32> to vector<16xf32>
        tpu.vector_store %arg11[%swap3A_553], %swap3A_556 {strides = array<i32>} : memref<10256xf32, #tpu.memory_space<vmem>>, vector<16xf32>,
        %slice3A_557 = vector.extract_strided_slice %get3A_440 {offsets = [11], sizes = [1], strides = [1]} : vector<16xi32> to vector<1xi32>
        %squeeze3A_558 = vector.extract %slice3A_557[0] : i32 from vector<1xi32>
        %get3A_559 = arith.index_cast %squeeze3A_558 : i32 to index
        %get3A_560 = tpu.vector_load %arg11[%get3A_559] {strides = array<i32>} : memref<10256xf32, #tpu.memory_space<vmem>>, vector<16xf32>,
        %get3A_561 = vector.shape_cast %get3A_560 : vector<16xf32> to vector<16xf32>
        %add3A_562 = arith.addf %get3A_561, %select_n3A : vector<16xf32>
        %swap3A_563 = arith.index_cast %squeeze3A_558 : i32 to index
        %swap3A_564 = tpu.vector_load %arg11[%swap3A_563] {strides = array<i32>} : memref<10256xf32, #tpu.memory_space<vmem>>, vector<16xf32>,
        %swap3A_565 = vector.shape_cast %swap3A_564 : vector<16xf32> to vector<16xf32>
        %swap3A_566 = vector.shape_cast %add3A_562 : vector<16xf32> to vector<16xf32>
        tpu.vector_store %arg11[%swap3A_563], %swap3A_566 {strides = array<i32>} : memref<10256xf32, #tpu.memory_space<vmem>>, vector<16xf32>,
        %slice3A_567 = vector.extract_strided_slice %get3A_440 {offsets = [12], sizes = [1], strides = [1]} : vector<16xi32> to vector<1xi32>
        %squeeze3A_568 = vector.extract %slice3A_567[0] : i32 from vector<1xi32>
        %get3A_569 = arith.index_cast %squeeze3A_568 : i32 to index
        %get3A_570 = tpu.vector_load %arg11[%get3A_569] {strides = array<i32>} : memref<10256xf32, #tpu.memory_space<vmem>>, vector<16xf32>,
        %get3A_571 = vector.shape_cast %get3A_570 : vector<16xf32> to vector<16xf32>
        %add3A_572 = arith.addf %get3A_571, %select_n3A : vector<16xf32>
        %swap3A_573 = arith.index_cast %squeeze3A_568 : i32 to index
        %swap3A_574 = tpu.vector_load %arg11[%swap3A_573] {strides = array<i32>} : memref<10256xf32, #tpu.memory_space<vmem>>, vector<16xf32>,
        %swap3A_575 = vector.shape_cast %swap3A_574 : vector<16xf32> to vector<16xf32>
        %swap3A_576 = vector.shape_cast %add3A_572 : vector<16xf32> to vector<16xf32>
        tpu.vector_store %arg11[%swap3A_573], %swap3A_576 {strides = array<i32>} : memref<10256xf32, #tpu.memory_space<vmem>>, vector<16xf32>,
        %slice3A_577 = vector.extract_strided_slice %get3A_440 {offsets = [13], sizes = [1], strides = [1]} : vector<16xi32> to vector<1xi32>
        %squeeze3A_578 = vector.extract %slice3A_577[0] : i32 from vector<1xi32>
        %get3A_579 = arith.index_cast %squeeze3A_578 : i32 to index
        %get3A_580 = tpu.vector_load %arg11[%get3A_579] {strides = array<i32>} : memref<10256xf32, #tpu.memory_space<vmem>>, vector<16xf32>,
        %get3A_581 = vector.shape_cast %get3A_580 : vector<16xf32> to vector<16xf32>
        %add3A_582 = arith.addf %get3A_581, %select_n3A : vector<16xf32>
        %swap3A_583 = arith.index_cast %squeeze3A_578 : i32 to index
        %swap3A_584 = tpu.vector_load %arg11[%swap3A_583] {strides = array<i32>} : memref<10256xf32, #tpu.memory_space<vmem>>, vector<16xf32>,
        %swap3A_585 = vector.shape_cast %swap3A_584 : vector<16xf32> to vector<16xf32>
        %swap3A_586 = vector.shape_cast %add3A_582 : vector<16xf32> to vector<16xf32>
        tpu.vector_store %arg11[%swap3A_583], %swap3A_586 {strides = array<i32>} : memref<10256xf32, #tpu.memory_space<vmem>>, vector<16xf32>,
        %slice3A_587 = vector.extract_strided_slice %get3A_440 {offsets = [14], sizes = [1], strides = [1]} : vector<16xi32> to vector<1xi32>
        %squeeze3A_588 = vector.extract %slice3A_587[0] : i32 from vector<1xi32>
        %get3A_589 = arith.index_cast %squeeze3A_588 : i32 to index
        %get3A_590 = tpu.vector_load %arg11[%get3A_589] {strides = array<i32>} : memref<10256xf32, #tpu.memory_space<vmem>>, vector<16xf32>,
        %get3A_591 = vector.shape_cast %get3A_590 : vector<16xf32> to vector<16xf32>
        %add3A_592 = arith.addf %get3A_591, %select_n3A : vector<16xf32>
        %swap3A_593 = arith.index_cast %squeeze3A_588 : i32 to index
        %swap3A_594 = tpu.vector_load %arg11[%swap3A_593] {strides = array<i32>} : memref<10256xf32, #tpu.memory_space<vmem>>, vector<16xf32>,
        %swap3A_595 = vector.shape_cast %swap3A_594 : vector<16xf32> to vector<16xf32>
        %swap3A_596 = vector.shape_cast %add3A_592 : vector<16xf32> to vector<16xf32>
        tpu.vector_store %arg11[%swap3A_593], %swap3A_596 {strides = array<i32>} : memref<10256xf32, #tpu.memory_space<vmem>>, vector<16xf32>,
        %slice3A_597 = vector.extract_strided_slice %get3A_440 {offsets = [15], sizes = [1], strides = [1]} : vector<16xi32> to vector<1xi32>
        %squeeze3A_598 = vector.extract %slice3A_597[0] : i32 from vector<1xi32>
        %get3A_599 = arith.index_cast %squeeze3A_598 : i32 to index
        %get3A_600 = tpu.vector_load %arg11[%get3A_599] {strides = array<i32>} : memref<10256xf32, #tpu.memory_space<vmem>>, vector<16xf32>,
        %get3A_601 = vector.shape_cast %get3A_600 : vector<16xf32> to vector<16xf32>
        %add3A_602 = arith.addf %get3A_601, %select_n3A : vector<16xf32>
        %swap3A_603 = arith.index_cast %squeeze3A_598 : i32 to index
        %swap3A_604 = tpu.vector_load %arg11[%swap3A_603] {strides = array<i32>} : memref<10256xf32, #tpu.memory_space<vmem>>, vector<16xf32>,
        %swap3A_605 = vector.shape_cast %swap3A_604 : vector<16xf32> to vector<16xf32>
        %swap3A_606 = vector.shape_cast %add3A_602 : vector<16xf32> to vector<16xf32>
        tpu.vector_store %arg11[%swap3A_603], %swap3A_606 {strides = array<i32>} : memref<10256xf32, #tpu.memory_space<vmem>>, vector<16xf32>,
        %get3A_607 = arith.constant 1 : i32
        %get3A_608 = arith.index_cast %get3A_607 : i32 to index
        %get3A_609 = arith.constant 48 : index
        %get3A_610 = tpu.vector_load %arg7[%get3A_608, %get3A_609] {strides = array<i32>} : memref<2x96xi32, #tpu.memory_space<vmem>>, vector<1x16xi32>,
        %get3A_611 = vector.shape_cast %get3A_610 : vector<1x16xi32> to vector<16xi32>
        %swap3A_612 = arith.constant 1 : i32
        %swap3A_613 = arith.index_cast %swap3A_612 : i32 to index
        %swap3A_614 = arith.constant 48 : index
        %swap3A_615 = tpu.vector_load %arg8[%swap3A_613, %swap3A_614] {strides = array<i32>} : memref<2x96xi32, #tpu.memory_space<vmem>>, vector<1x16xi32>,
        %swap3A_616 = vector.shape_cast %swap3A_615 : vector<1x16xi32> to vector<16xi32>
        %swap3A_617 = vector.shape_cast %get3A_611 : vector<16xi32> to vector<1x16xi32>
        tpu.vector_store %arg8[%swap3A_613, %swap3A_614], %swap3A_617 {strides = array<i32>} : memref<2x96xi32, #tpu.memory_space<vmem>>, vector<1x16xi32>,
        %slice3A_618 = vector.extract_strided_slice %get3A_611 {offsets = [0], sizes = [1], strides = [1]} : vector<16xi32> to vector<1xi32>
        %squeeze3A_619 = vector.extract %slice3A_618[0] : i32 from vector<1xi32>
        %get3A_620 = arith.index_cast %squeeze3A_619 : i32 to index
        %get3A_621 = tpu.vector_load %arg11[%get3A_620] {strides = array<i32>} : memref<10256xf32, #tpu.memory_space<vmem>>, vector<16xf32>,
        %get3A_622 = vector.shape_cast %get3A_621 : vector<16xf32> to vector<16xf32>
        %add3A_623 = arith.addf %get3A_622, %select_n3A : vector<16xf32>
        %swap3A_624 = arith.index_cast %squeeze3A_619 : i32 to index
        %swap3A_625 = tpu.vector_load %arg11[%swap3A_624] {strides = array<i32>} : memref<10256xf32, #tpu.memory_space<vmem>>, vector<16xf32>,
        %swap3A_626 = vector.shape_cast %swap3A_625 : vector<16xf32> to vector<16xf32>
        %swap3A_627 = vector.shape_cast %add3A_623 : vector<16xf32> to vector<16xf32>
        tpu.vector_store %arg11[%swap3A_624], %swap3A_627 {strides = array<i32>} : memref<10256xf32, #tpu.memory_space<vmem>>, vector<16xf32>,
        %slice3A_628 = vector.extract_strided_slice %get3A_611 {offsets = [1], sizes = [1], strides = [1]} : vector<16xi32> to vector<1xi32>
        %squeeze3A_629 = vector.extract %slice3A_628[0] : i32 from vector<1xi32>
        %get3A_630 = arith.index_cast %squeeze3A_629 : i32 to index
        %get3A_631 = tpu.vector_load %arg11[%get3A_630] {strides = array<i32>} : memref<10256xf32, #tpu.memory_space<vmem>>, vector<16xf32>,
        %get3A_632 = vector.shape_cast %get3A_631 : vector<16xf32> to vector<16xf32>
        %add3A_633 = arith.addf %get3A_632, %select_n3A : vector<16xf32>
        %swap3A_634 = arith.index_cast %squeeze3A_629 : i32 to index
        %swap3A_635 = tpu.vector_load %arg11[%swap3A_634] {strides = array<i32>} : memref<10256xf32, #tpu.memory_space<vmem>>, vector<16xf32>,
        %swap3A_636 = vector.shape_cast %swap3A_635 : vector<16xf32> to vector<16xf32>
        %swap3A_637 = vector.shape_cast %add3A_633 : vector<16xf32> to vector<16xf32>
        tpu.vector_store %arg11[%swap3A_634], %swap3A_637 {strides = array<i32>} : memref<10256xf32, #tpu.memory_space<vmem>>, vector<16xf32>,
        %slice3A_638 = vector.extract_strided_slice %get3A_611 {offsets = [2], sizes = [1], strides = [1]} : vector<16xi32> to vector<1xi32>
        %squeeze3A_639 = vector.extract %slice3A_638[0] : i32 from vector<1xi32>
        %get3A_640 = arith.index_cast %squeeze3A_639 : i32 to index
        %get3A_641 = tpu.vector_load %arg11[%get3A_640] {strides = array<i32>} : memref<10256xf32, #tpu.memory_space<vmem>>, vector<16xf32>,
        %get3A_642 = vector.shape_cast %get3A_641 : vector<16xf32> to vector<16xf32>
        %add3A_643 = arith.addf %get3A_642, %select_n3A : vector<16xf32>
        %swap3A_644 = arith.index_cast %squeeze3A_639 : i32 to index
        %swap3A_645 = tpu.vector_load %arg11[%swap3A_644] {strides = array<i32>} : memref<10256xf32, #tpu.memory_space<vmem>>, vector<16xf32>,
        %swap3A_646 = vector.shape_cast %swap3A_645 : vector<16xf32> to vector<16xf32>
        %swap3A_647 = vector.shape_cast %add3A_643 : vector<16xf32> to vector<16xf32>
        tpu.vector_store %arg11[%swap3A_644], %swap3A_647 {strides = array<i32>} : memref<10256xf32, #tpu.memory_space<vmem>>, vector<16xf32>,
        %slice3A_648 = vector.extract_strided_slice %get3A_611 {offsets = [3], sizes = [1], strides = [1]} : vector<16xi32> to vector<1xi32>
        %squeeze3A_649 = vector.extract %slice3A_648[0] : i32 from vector<1xi32>
        %get3A_650 = arith.index_cast %squeeze3A_649 : i32 to index
        %get3A_651 = tpu.vector_load %arg11[%get3A_650] {strides = array<i32>} : memref<10256xf32, #tpu.memory_space<vmem>>, vector<16xf32>,
        %get3A_652 = vector.shape_cast %get3A_651 : vector<16xf32> to vector<16xf32>
        %add3A_653 = arith.addf %get3A_652, %select_n3A : vector<16xf32>
        %swap3A_654 = arith.index_cast %squeeze3A_649 : i32 to index
        %swap3A_655 = tpu.vector_load %arg11[%swap3A_654] {strides = array<i32>} : memref<10256xf32, #tpu.memory_space<vmem>>, vector<16xf32>,
        %swap3A_656 = vector.shape_cast %swap3A_655 : vector<16xf32> to vector<16xf32>
        %swap3A_657 = vector.shape_cast %add3A_653 : vector<16xf32> to vector<16xf32>
        tpu.vector_store %arg11[%swap3A_654], %swap3A_657 {strides = array<i32>} : memref<10256xf32, #tpu.memory_space<vmem>>, vector<16xf32>,
        %slice3A_658 = vector.extract_strided_slice %get3A_611 {offsets = [4], sizes = [1], strides = [1]} : vector<16xi32> to vector<1xi32>
        %squeeze3A_659 = vector.extract %slice3A_658[0] : i32 from vector<1xi32>
        %get3A_660 = arith.index_cast %squeeze3A_659 : i32 to index
        %get3A_661 = tpu.vector_load %arg11[%get3A_660] {strides = array<i32>} : memref<10256xf32, #tpu.memory_space<vmem>>, vector<16xf32>,
        %get3A_662 = vector.shape_cast %get3A_661 : vector<16xf32> to vector<16xf32>
        %add3A_663 = arith.addf %get3A_662, %select_n3A : vector<16xf32>
        %swap3A_664 = arith.index_cast %squeeze3A_659 : i32 to index
        %swap3A_665 = tpu.vector_load %arg11[%swap3A_664] {strides = array<i32>} : memref<10256xf32, #tpu.memory_space<vmem>>, vector<16xf32>,
        %swap3A_666 = vector.shape_cast %swap3A_665 : vector<16xf32> to vector<16xf32>
        %swap3A_667 = vector.shape_cast %add3A_663 : vector<16xf32> to vector<16xf32>
        tpu.vector_store %arg11[%swap3A_664], %swap3A_667 {strides = array<i32>} : memref<10256xf32, #tpu.memory_space<vmem>>, vector<16xf32>,
        %slice3A_668 = vector.extract_strided_slice %get3A_611 {offsets = [5], sizes = [1], strides = [1]} : vector<16xi32> to vector<1xi32>
        %squeeze3A_669 = vector.extract %slice3A_668[0] : i32 from vector<1xi32>
        %get3A_670 = arith.index_cast %squeeze3A_669 : i32 to index
        %get3A_671 = tpu.vector_load %arg11[%get3A_670] {strides = array<i32>} : memref<10256xf32, #tpu.memory_space<vmem>>, vector<16xf32>,
        %get3A_672 = vector.shape_cast %get3A_671 : vector<16xf32> to vector<16xf32>
        %add3A_673 = arith.addf %get3A_672, %select_n3A : vector<16xf32>
        %swap3A_674 = arith.index_cast %squeeze3A_669 : i32 to index
        %swap3A_675 = tpu.vector_load %arg11[%swap3A_674] {strides = array<i32>} : memref<10256xf32, #tpu.memory_space<vmem>>, vector<16xf32>,
        %swap3A_676 = vector.shape_cast %swap3A_675 : vector<16xf32> to vector<16xf32>
        %swap3A_677 = vector.shape_cast %add3A_673 : vector<16xf32> to vector<16xf32>
        tpu.vector_store %arg11[%swap3A_674], %swap3A_677 {strides = array<i32>} : memref<10256xf32, #tpu.memory_space<vmem>>, vector<16xf32>,
        %slice3A_678 = vector.extract_strided_slice %get3A_611 {offsets = [6], sizes = [1], strides = [1]} : vector<16xi32> to vector<1xi32>
        %squeeze3A_679 = vector.extract %slice3A_678[0] : i32 from vector<1xi32>
        %get3A_680 = arith.index_cast %squeeze3A_679 : i32 to index
        %get3A_681 = tpu.vector_load %arg11[%get3A_680] {strides = array<i32>} : memref<10256xf32, #tpu.memory_space<vmem>>, vector<16xf32>,
        %get3A_682 = vector.shape_cast %get3A_681 : vector<16xf32> to vector<16xf32>
        %add3A_683 = arith.addf %get3A_682, %select_n3A : vector<16xf32>
        %swap3A_684 = arith.index_cast %squeeze3A_679 : i32 to index
        %swap3A_685 = tpu.vector_load %arg11[%swap3A_684] {strides = array<i32>} : memref<10256xf32, #tpu.memory_space<vmem>>, vector<16xf32>,
        %swap3A_686 = vector.shape_cast %swap3A_685 : vector<16xf32> to vector<16xf32>
        %swap3A_687 = vector.shape_cast %add3A_683 : vector<16xf32> to vector<16xf32>
        tpu.vector_store %arg11[%swap3A_684], %swap3A_687 {strides = array<i32>} : memref<10256xf32, #tpu.memory_space<vmem>>, vector<16xf32>,
        %slice3A_688 = vector.extract_strided_slice %get3A_611 {offsets = [7], sizes = [1], strides = [1]} : vector<16xi32> to vector<1xi32>
        %squeeze3A_689 = vector.extract %slice3A_688[0] : i32 from vector<1xi32>
        %get3A_690 = arith.index_cast %squeeze3A_689 : i32 to index
        %get3A_691 = tpu.vector_load %arg11[%get3A_690] {strides = array<i32>} : memref<10256xf32, #tpu.memory_space<vmem>>, vector<16xf32>,
        %get3A_692 = vector.shape_cast %get3A_691 : vector<16xf32> to vector<16xf32>
        %add3A_693 = arith.addf %get3A_692, %select_n3A : vector<16xf32>
        %swap3A_694 = arith.index_cast %squeeze3A_689 : i32 to index
        %swap3A_695 = tpu.vector_load %arg11[%swap3A_694] {strides = array<i32>} : memref<10256xf32, #tpu.memory_space<vmem>>, vector<16xf32>,
        %swap3A_696 = vector.shape_cast %swap3A_695 : vector<16xf32> to vector<16xf32>
        %swap3A_697 = vector.shape_cast %add3A_693 : vector<16xf32> to vector<16xf32>
        tpu.vector_store %arg11[%swap3A_694], %swap3A_697 {strides = array<i32>} : memref<10256xf32, #tpu.memory_space<vmem>>, vector<16xf32>,
        %slice3A_698 = vector.extract_strided_slice %get3A_611 {offsets = [8], sizes = [1], strides = [1]} : vector<16xi32> to vector<1xi32>
        %squeeze3A_699 = vector.extract %slice3A_698[0] : i32 from vector<1xi32>
        %get3A_700 = arith.index_cast %squeeze3A_699 : i32 to index
        %get3A_701 = tpu.vector_load %arg11[%get3A_700] {strides = array<i32>} : memref<10256xf32, #tpu.memory_space<vmem>>, vector<16xf32>,
        %get3A_702 = vector.shape_cast %get3A_701 : vector<16xf32> to vector<16xf32>
        %add3A_703 = arith.addf %get3A_702, %select_n3A : vector<16xf32>
        %swap3A_704 = arith.index_cast %squeeze3A_699 : i32 to index
        %swap3A_705 = tpu.vector_load %arg11[%swap3A_704] {strides = array<i32>} : memref<10256xf32, #tpu.memory_space<vmem>>, vector<16xf32>,
        %swap3A_706 = vector.shape_cast %swap3A_705 : vector<16xf32> to vector<16xf32>
        %swap3A_707 = vector.shape_cast %add3A_703 : vector<16xf32> to vector<16xf32>
        tpu.vector_store %arg11[%swap3A_704], %swap3A_707 {strides = array<i32>} : memref<10256xf32, #tpu.memory_space<vmem>>, vector<16xf32>,
        %slice3A_708 = vector.extract_strided_slice %get3A_611 {offsets = [9], sizes = [1], strides = [1]} : vector<16xi32> to vector<1xi32>
        %squeeze3A_709 = vector.extract %slice3A_708[0] : i32 from vector<1xi32>
        %get3A_710 = arith.index_cast %squeeze3A_709 : i32 to index
        %get3A_711 = tpu.vector_load %arg11[%get3A_710] {strides = array<i32>} : memref<10256xf32, #tpu.memory_space<vmem>>, vector<16xf32>,
        %get3A_712 = vector.shape_cast %get3A_711 : vector<16xf32> to vector<16xf32>
        %add3A_713 = arith.addf %get3A_712, %select_n3A : vector<16xf32>
        %swap3A_714 = arith.index_cast %squeeze3A_709 : i32 to index
        %swap3A_715 = tpu.vector_load %arg11[%swap3A_714] {strides = array<i32>} : memref<10256xf32, #tpu.memory_space<vmem>>, vector<16xf32>,
        %swap3A_716 = vector.shape_cast %swap3A_715 : vector<16xf32> to vector<16xf32>
        %swap3A_717 = vector.shape_cast %add3A_713 : vector<16xf32> to vector<16xf32>
        tpu.vector_store %arg11[%swap3A_714], %swap3A_717 {strides = array<i32>} : memref<10256xf32, #tpu.memory_space<vmem>>, vector<16xf32>,
        %slice3A_718 = vector.extract_strided_slice %get3A_611 {offsets = [10], sizes = [1], strides = [1]} : vector<16xi32> to vector<1xi32>
        %squeeze3A_719 = vector.extract %slice3A_718[0] : i32 from vector<1xi32>
        %get3A_720 = arith.index_cast %squeeze3A_719 : i32 to index
        %get3A_721 = tpu.vector_load %arg11[%get3A_720] {strides = array<i32>} : memref<10256xf32, #tpu.memory_space<vmem>>, vector<16xf32>,
        %get3A_722 = vector.shape_cast %get3A_721 : vector<16xf32> to vector<16xf32>
        %add3A_723 = arith.addf %get3A_722, %select_n3A : vector<16xf32>
        %swap3A_724 = arith.index_cast %squeeze3A_719 : i32 to index
        %swap3A_725 = tpu.vector_load %arg11[%swap3A_724] {strides = array<i32>} : memref<10256xf32, #tpu.memory_space<vmem>>, vector<16xf32>,
        %swap3A_726 = vector.shape_cast %swap3A_725 : vector<16xf32> to vector<16xf32>
        %swap3A_727 = vector.shape_cast %add3A_723 : vector<16xf32> to vector<16xf32>
        tpu.vector_store %arg11[%swap3A_724], %swap3A_727 {strides = array<i32>} : memref<10256xf32, #tpu.memory_space<vmem>>, vector<16xf32>,
        %slice3A_728 = vector.extract_strided_slice %get3A_611 {offsets = [11], sizes = [1], strides = [1]} : vector<16xi32> to vector<1xi32>
        %squeeze3A_729 = vector.extract %slice3A_728[0] : i32 from vector<1xi32>
        %get3A_730 = arith.index_cast %squeeze3A_729 : i32 to index
        %get3A_731 = tpu.vector_load %arg11[%get3A_730] {strides = array<i32>} : memref<10256xf32, #tpu.memory_space<vmem>>, vector<16xf32>,
        %get3A_732 = vector.shape_cast %get3A_731 : vector<16xf32> to vector<16xf32>
        %add3A_733 = arith.addf %get3A_732, %select_n3A : vector<16xf32>
        %swap3A_734 = arith.index_cast %squeeze3A_729 : i32 to index
        %swap3A_735 = tpu.vector_load %arg11[%swap3A_734] {strides = array<i32>} : memref<10256xf32, #tpu.memory_space<vmem>>, vector<16xf32>,
        %swap3A_736 = vector.shape_cast %swap3A_735 : vector<16xf32> to vector<16xf32>
        %swap3A_737 = vector.shape_cast %add3A_733 : vector<16xf32> to vector<16xf32>
        tpu.vector_store %arg11[%swap3A_734], %swap3A_737 {strides = array<i32>} : memref<10256xf32, #tpu.memory_space<vmem>>, vector<16xf32>,
        %slice3A_738 = vector.extract_strided_slice %get3A_611 {offsets = [12], sizes = [1], strides = [1]} : vector<16xi32> to vector<1xi32>
        %squeeze3A_739 = vector.extract %slice3A_738[0] : i32 from vector<1xi32>
        %get3A_740 = arith.index_cast %squeeze3A_739 : i32 to index
        %get3A_741 = tpu.vector_load %arg11[%get3A_740] {strides = array<i32>} : memref<10256xf32, #tpu.memory_space<vmem>>, vector<16xf32>,
        %get3A_742 = vector.shape_cast %get3A_741 : vector<16xf32> to vector<16xf32>
        %add3A_743 = arith.addf %get3A_742, %select_n3A : vector<16xf32>
        %swap3A_744 = arith.index_cast %squeeze3A_739 : i32 to index
        %swap3A_745 = tpu.vector_load %arg11[%swap3A_744] {strides = array<i32>} : memref<10256xf32, #tpu.memory_space<vmem>>, vector<16xf32>,
        %swap3A_746 = vector.shape_cast %swap3A_745 : vector<16xf32> to vector<16xf32>
        %swap3A_747 = vector.shape_cast %add3A_743 : vector<16xf32> to vector<16xf32>
        tpu.vector_store %arg11[%swap3A_744], %swap3A_747 {strides = array<i32>} : memref<10256xf32, #tpu.memory_space<vmem>>, vector<16xf32>,
        %slice3A_748 = vector.extract_strided_slice %get3A_611 {offsets = [13], sizes = [1], strides = [1]} : vector<16xi32> to vector<1xi32>
        %squeeze3A_749 = vector.extract %slice3A_748[0] : i32 from vector<1xi32>
        %get3A_750 = arith.index_cast %squeeze3A_749 : i32 to index
        %get3A_751 = tpu.vector_load %arg11[%get3A_750] {strides = array<i32>} : memref<10256xf32, #tpu.memory_space<vmem>>, vector<16xf32>,
        %get3A_752 = vector.shape_cast %get3A_751 : vector<16xf32> to vector<16xf32>
        %add3A_753 = arith.addf %get3A_752, %select_n3A : vector<16xf32>
        %swap3A_754 = arith.index_cast %squeeze3A_749 : i32 to index
        %swap3A_755 = tpu.vector_load %arg11[%swap3A_754] {strides = array<i32>} : memref<10256xf32, #tpu.memory_space<vmem>>, vector<16xf32>,
        %swap3A_756 = vector.shape_cast %swap3A_755 : vector<16xf32> to vector<16xf32>
        %swap3A_757 = vector.shape_cast %add3A_753 : vector<16xf32> to vector<16xf32>
        tpu.vector_store %arg11[%swap3A_754], %swap3A_757 {strides = array<i32>} : memref<10256xf32, #tpu.memory_space<vmem>>, vector<16xf32>,
        %slice3A_758 = vector.extract_strided_slice %get3A_611 {offsets = [14], sizes = [1], strides = [1]} : vector<16xi32> to vector<1xi32>
        %squeeze3A_759 = vector.extract %slice3A_758[0] : i32 from vector<1xi32>
        %get3A_760 = arith.index_cast %squeeze3A_759 : i32 to index
        %get3A_761 = tpu.vector_load %arg11[%get3A_760] {strides = array<i32>} : memref<10256xf32, #tpu.memory_space<vmem>>, vector<16xf32>,
        %get3A_762 = vector.shape_cast %get3A_761 : vector<16xf32> to vector<16xf32>
        %add3A_763 = arith.addf %get3A_762, %select_n3A : vector<16xf32>
        %swap3A_764 = arith.index_cast %squeeze3A_759 : i32 to index
        %swap3A_765 = tpu.vector_load %arg11[%swap3A_764] {strides = array<i32>} : memref<10256xf32, #tpu.memory_space<vmem>>, vector<16xf32>,
        %swap3A_766 = vector.shape_cast %swap3A_765 : vector<16xf32> to vector<16xf32>
        %swap3A_767 = vector.shape_cast %add3A_763 : vector<16xf32> to vector<16xf32>
        tpu.vector_store %arg11[%swap3A_764], %swap3A_767 {strides = array<i32>} : memref<10256xf32, #tpu.memory_space<vmem>>, vector<16xf32>,
        %slice3A_768 = vector.extract_strided_slice %get3A_611 {offsets = [15], sizes = [1], strides = [1]} : vector<16xi32> to vector<1xi32>
        %squeeze3A_769 = vector.extract %slice3A_768[0] : i32 from vector<1xi32>
        %get3A_770 = arith.index_cast %squeeze3A_769 : i32 to index
        %get3A_771 = tpu.vector_load %arg11[%get3A_770] {strides = array<i32>} : memref<10256xf32, #tpu.memory_space<vmem>>, vector<16xf32>,
        %get3A_772 = vector.shape_cast %get3A_771 : vector<16xf32> to vector<16xf32>
        %add3A_773 = arith.addf %get3A_772, %select_n3A : vector<16xf32>
        %swap3A_774 = arith.index_cast %squeeze3A_769 : i32 to index
        %swap3A_775 = tpu.vector_load %arg11[%swap3A_774] {strides = array<i32>} : memref<10256xf32, #tpu.memory_space<vmem>>, vector<16xf32>,
        %swap3A_776 = vector.shape_cast %swap3A_775 : vector<16xf32> to vector<16xf32>
        %swap3A_777 = vector.shape_cast %add3A_773 : vector<16xf32> to vector<16xf32>
        tpu.vector_store %arg11[%swap3A_774], %swap3A_777 {strides = array<i32>} : memref<10256xf32, #tpu.memory_space<vmem>>, vector<16xf32>,
        %get3A_778 = arith.constant 1 : i32
        %get3A_779 = arith.index_cast %get3A_778 : i32 to index
        %get3A_780 = arith.constant 64 : index
        %get3A_781 = tpu.vector_load %arg7[%get3A_779, %get3A_780] {strides = array<i32>} : memref<2x96xi32, #tpu.memory_space<vmem>>, vector<1x16xi32>,
        %get3A_782 = vector.shape_cast %get3A_781 : vector<1x16xi32> to vector<16xi32>
        %swap3A_783 = arith.constant 1 : i32
        %swap3A_784 = arith.index_cast %swap3A_783 : i32 to index
        %swap3A_785 = arith.constant 64 : index
        %swap3A_786 = tpu.vector_load %arg8[%swap3A_784, %swap3A_785] {strides = array<i32>} : memref<2x96xi32, #tpu.memory_space<vmem>>, vector<1x16xi32>,
        %swap3A_787 = vector.shape_cast %swap3A_786 : vector<1x16xi32> to vector<16xi32>
        %swap3A_788 = vector.shape_cast %get3A_782 : vector<16xi32> to vector<1x16xi32>
        tpu.vector_store %arg8[%swap3A_784, %swap3A_785], %swap3A_788 {strides = array<i32>} : memref<2x96xi32, #tpu.memory_space<vmem>>, vector<1x16xi32>,
        %slice3A_789 = vector.extract_strided_slice %get3A_782 {offsets = [0], sizes = [1], strides = [1]} : vector<16xi32> to vector<1xi32>
        %squeeze3A_790 = vector.extract %slice3A_789[0] : i32 from vector<1xi32>
        %get3A_791 = arith.index_cast %squeeze3A_790 : i32 to index
        %get3A_792 = tpu.vector_load %arg11[%get3A_791] {strides = array<i32>} : memref<10256xf32, #tpu.memory_space<vmem>>, vector<16xf32>,
        %get3A_793 = vector.shape_cast %get3A_792 : vector<16xf32> to vector<16xf32>
        %add3A_794 = arith.addf %get3A_793, %select_n3A : vector<16xf32>
        %swap3A_795 = arith.index_cast %squeeze3A_790 : i32 to index
        %swap3A_796 = tpu.vector_load %arg11[%swap3A_795] {strides = array<i32>} : memref<10256xf32, #tpu.memory_space<vmem>>, vector<16xf32>,
        %swap3A_797 = vector.shape_cast %swap3A_796 : vector<16xf32> to vector<16xf32>
        %swap3A_798 = vector.shape_cast %add3A_794 : vector<16xf32> to vector<16xf32>
        tpu.vector_store %arg11[%swap3A_795], %swap3A_798 {strides = array<i32>} : memref<10256xf32, #tpu.memory_space<vmem>>, vector<16xf32>,
        %slice3A_799 = vector.extract_strided_slice %get3A_782 {offsets = [1], sizes = [1], strides = [1]} : vector<16xi32> to vector<1xi32>
        %squeeze3A_800 = vector.extract %slice3A_799[0] : i32 from vector<1xi32>
        %get3A_801 = arith.index_cast %squeeze3A_800 : i32 to index
        %get3A_802 = tpu.vector_load %arg11[%get3A_801] {strides = array<i32>} : memref<10256xf32, #tpu.memory_space<vmem>>, vector<16xf32>,
        %get3A_803 = vector.shape_cast %get3A_802 : vector<16xf32> to vector<16xf32>
        %add3A_804 = arith.addf %get3A_803, %select_n3A : vector<16xf32>
        %swap3A_805 = arith.index_cast %squeeze3A_800 : i32 to index
        %swap3A_806 = tpu.vector_load %arg11[%swap3A_805] {strides = array<i32>} : memref<10256xf32, #tpu.memory_space<vmem>>, vector<16xf32>,
        %swap3A_807 = vector.shape_cast %swap3A_806 : vector<16xf32> to vector<16xf32>
        %swap3A_808 = vector.shape_cast %add3A_804 : vector<16xf32> to vector<16xf32>
        tpu.vector_store %arg11[%swap3A_805], %swap3A_808 {strides = array<i32>} : memref<10256xf32, #tpu.memory_space<vmem>>, vector<16xf32>,
        %slice3A_809 = vector.extract_strided_slice %get3A_782 {offsets = [2], sizes = [1], strides = [1]} : vector<16xi32> to vector<1xi32>
        %squeeze3A_810 = vector.extract %slice3A_809[0] : i32 from vector<1xi32>
        %get3A_811 = arith.index_cast %squeeze3A_810 : i32 to index
        %get3A_812 = tpu.vector_load %arg11[%get3A_811] {strides = array<i32>} : memref<10256xf32, #tpu.memory_space<vmem>>, vector<16xf32>,
        %get3A_813 = vector.shape_cast %get3A_812 : vector<16xf32> to vector<16xf32>
        %add3A_814 = arith.addf %get3A_813, %select_n3A : vector<16xf32>
        %swap3A_815 = arith.index_cast %squeeze3A_810 : i32 to index
        %swap3A_816 = tpu.vector_load %arg11[%swap3A_815] {strides = array<i32>} : memref<10256xf32, #tpu.memory_space<vmem>>, vector<16xf32>,
        %swap3A_817 = vector.shape_cast %swap3A_816 : vector<16xf32> to vector<16xf32>
        %swap3A_818 = vector.shape_cast %add3A_814 : vector<16xf32> to vector<16xf32>
        tpu.vector_store %arg11[%swap3A_815], %swap3A_818 {strides = array<i32>} : memref<10256xf32, #tpu.memory_space<vmem>>, vector<16xf32>,
        %slice3A_819 = vector.extract_strided_slice %get3A_782 {offsets = [3], sizes = [1], strides = [1]} : vector<16xi32> to vector<1xi32>
        %squeeze3A_820 = vector.extract %slice3A_819[0] : i32 from vector<1xi32>
        %get3A_821 = arith.index_cast %squeeze3A_820 : i32 to index
        %get3A_822 = tpu.vector_load %arg11[%get3A_821] {strides = array<i32>} : memref<10256xf32, #tpu.memory_space<vmem>>, vector<16xf32>,
        %get3A_823 = vector.shape_cast %get3A_822 : vector<16xf32> to vector<16xf32>
        %add3A_824 = arith.addf %get3A_823, %select_n3A : vector<16xf32>
        %swap3A_825 = arith.index_cast %squeeze3A_820 : i32 to index
        %swap3A_826 = tpu.vector_load %arg11[%swap3A_825] {strides = array<i32>} : memref<10256xf32, #tpu.memory_space<vmem>>, vector<16xf32>,
        %swap3A_827 = vector.shape_cast %swap3A_826 : vector<16xf32> to vector<16xf32>
        %swap3A_828 = vector.shape_cast %add3A_824 : vector<16xf32> to vector<16xf32>
        tpu.vector_store %arg11[%swap3A_825], %swap3A_828 {strides = array<i32>} : memref<10256xf32, #tpu.memory_space<vmem>>, vector<16xf32>,
        %slice3A_829 = vector.extract_strided_slice %get3A_782 {offsets = [4], sizes = [1], strides = [1]} : vector<16xi32> to vector<1xi32>
        %squeeze3A_830 = vector.extract %slice3A_829[0] : i32 from vector<1xi32>
        %get3A_831 = arith.index_cast %squeeze3A_830 : i32 to index
        %get3A_832 = tpu.vector_load %arg11[%get3A_831] {strides = array<i32>} : memref<10256xf32, #tpu.memory_space<vmem>>, vector<16xf32>,
        %get3A_833 = vector.shape_cast %get3A_832 : vector<16xf32> to vector<16xf32>
        %add3A_834 = arith.addf %get3A_833, %select_n3A : vector<16xf32>
        %swap3A_835 = arith.index_cast %squeeze3A_830 : i32 to index
        %swap3A_836 = tpu.vector_load %arg11[%swap3A_835] {strides = array<i32>} : memref<10256xf32, #tpu.memory_space<vmem>>, vector<16xf32>,
        %swap3A_837 = vector.shape_cast %swap3A_836 : vector<16xf32> to vector<16xf32>
        %swap3A_838 = vector.shape_cast %add3A_834 : vector<16xf32> to vector<16xf32>
        tpu.vector_store %arg11[%swap3A_835], %swap3A_838 {strides = array<i32>} : memref<10256xf32, #tpu.memory_space<vmem>>, vector<16xf32>,
        %slice3A_839 = vector.extract_strided_slice %get3A_782 {offsets = [5], sizes = [1], strides = [1]} : vector<16xi32> to vector<1xi32>
        %squeeze3A_840 = vector.extract %slice3A_839[0] : i32 from vector<1xi32>
        %get3A_841 = arith.index_cast %squeeze3A_840 : i32 to index
        %get3A_842 = tpu.vector_load %arg11[%get3A_841] {strides = array<i32>} : memref<10256xf32, #tpu.memory_space<vmem>>, vector<16xf32>,
        %get3A_843 = vector.shape_cast %get3A_842 : vector<16xf32> to vector<16xf32>
        %add3A_844 = arith.addf %get3A_843, %select_n3A : vector<16xf32>
        %swap3A_845 = arith.index_cast %squeeze3A_840 : i32 to index
        %swap3A_846 = tpu.vector_load %arg11[%swap3A_845] {strides = array<i32>} : memref<10256xf32, #tpu.memory_space<vmem>>, vector<16xf32>,
        %swap3A_847 = vector.shape_cast %swap3A_846 : vector<16xf32> to vector<16xf32>
        %swap3A_848 = vector.shape_cast %add3A_844 : vector<16xf32> to vector<16xf32>
        tpu.vector_store %arg11[%swap3A_845], %swap3A_848 {strides = array<i32>} : memref<10256xf32, #tpu.memory_space<vmem>>, vector<16xf32>,
        %slice3A_849 = vector.extract_strided_slice %get3A_782 {offsets = [6], sizes = [1], strides = [1]} : vector<16xi32> to vector<1xi32>
        %squeeze3A_850 = vector.extract %slice3A_849[0] : i32 from vector<1xi32>
        %get3A_851 = arith.index_cast %squeeze3A_850 : i32 to index
        %get3A_852 = tpu.vector_load %arg11[%get3A_851] {strides = array<i32>} : memref<10256xf32, #tpu.memory_space<vmem>>, vector<16xf32>,
        %get3A_853 = vector.shape_cast %get3A_852 : vector<16xf32> to vector<16xf32>
        %add3A_854 = arith.addf %get3A_853, %select_n3A : vector<16xf32>
        %swap3A_855 = arith.index_cast %squeeze3A_850 : i32 to index
        %swap3A_856 = tpu.vector_load %arg11[%swap3A_855] {strides = array<i32>} : memref<10256xf32, #tpu.memory_space<vmem>>, vector<16xf32>,
        %swap3A_857 = vector.shape_cast %swap3A_856 : vector<16xf32> to vector<16xf32>
        %swap3A_858 = vector.shape_cast %add3A_854 : vector<16xf32> to vector<16xf32>
        tpu.vector_store %arg11[%swap3A_855], %swap3A_858 {strides = array<i32>} : memref<10256xf32, #tpu.memory_space<vmem>>, vector<16xf32>,
        %slice3A_859 = vector.extract_strided_slice %get3A_782 {offsets = [7], sizes = [1], strides = [1]} : vector<16xi32> to vector<1xi32>
        %squeeze3A_860 = vector.extract %slice3A_859[0] : i32 from vector<1xi32>
        %get3A_861 = arith.index_cast %squeeze3A_860 : i32 to index
        %get3A_862 = tpu.vector_load %arg11[%get3A_861] {strides = array<i32>} : memref<10256xf32, #tpu.memory_space<vmem>>, vector<16xf32>,
        %get3A_863 = vector.shape_cast %get3A_862 : vector<16xf32> to vector<16xf32>
        %add3A_864 = arith.addf %get3A_863, %select_n3A : vector<16xf32>
        %swap3A_865 = arith.index_cast %squeeze3A_860 : i32 to index
        %swap3A_866 = tpu.vector_load %arg11[%swap3A_865] {strides = array<i32>} : memref<10256xf32, #tpu.memory_space<vmem>>, vector<16xf32>,
        %swap3A_867 = vector.shape_cast %swap3A_866 : vector<16xf32> to vector<16xf32>
        %swap3A_868 = vector.shape_cast %add3A_864 : vector<16xf32> to vector<16xf32>
        tpu.vector_store %arg11[%swap3A_865], %swap3A_868 {strides = array<i32>} : memref<10256xf32, #tpu.memory_space<vmem>>, vector<16xf32>,
        %slice3A_869 = vector.extract_strided_slice %get3A_782 {offsets = [8], sizes = [1], strides = [1]} : vector<16xi32> to vector<1xi32>
        %squeeze3A_870 = vector.extract %slice3A_869[0] : i32 from vector<1xi32>
        %get3A_871 = arith.index_cast %squeeze3A_870 : i32 to index
        %get3A_872 = tpu.vector_load %arg11[%get3A_871] {strides = array<i32>} : memref<10256xf32, #tpu.memory_space<vmem>>, vector<16xf32>,
        %get3A_873 = vector.shape_cast %get3A_872 : vector<16xf32> to vector<16xf32>
        %add3A_874 = arith.addf %get3A_873, %select_n3A : vector<16xf32>
        %swap3A_875 = arith.index_cast %squeeze3A_870 : i32 to index
        %swap3A_876 = tpu.vector_load %arg11[%swap3A_875] {strides = array<i32>} : memref<10256xf32, #tpu.memory_space<vmem>>, vector<16xf32>,
        %swap3A_877 = vector.shape_cast %swap3A_876 : vector<16xf32> to vector<16xf32>
        %swap3A_878 = vector.shape_cast %add3A_874 : vector<16xf32> to vector<16xf32>
        tpu.vector_store %arg11[%swap3A_875], %swap3A_878 {strides = array<i32>} : memref<10256xf32, #tpu.memory_space<vmem>>, vector<16xf32>,
        %slice3A_879 = vector.extract_strided_slice %get3A_782 {offsets = [9], sizes = [1], strides = [1]} : vector<16xi32> to vector<1xi32>
        %squeeze3A_880 = vector.extract %slice3A_879[0] : i32 from vector<1xi32>
        %get3A_881 = arith.index_cast %squeeze3A_880 : i32 to index
        %get3A_882 = tpu.vector_load %arg11[%get3A_881] {strides = array<i32>} : memref<10256xf32, #tpu.memory_space<vmem>>, vector<16xf32>,
        %get3A_883 = vector.shape_cast %get3A_882 : vector<16xf32> to vector<16xf32>
        %add3A_884 = arith.addf %get3A_883, %select_n3A : vector<16xf32>
        %swap3A_885 = arith.index_cast %squeeze3A_880 : i32 to index
        %swap3A_886 = tpu.vector_load %arg11[%swap3A_885] {strides = array<i32>} : memref<10256xf32, #tpu.memory_space<vmem>>, vector<16xf32>,
        %swap3A_887 = vector.shape_cast %swap3A_886 : vector<16xf32> to vector<16xf32>
        %swap3A_888 = vector.shape_cast %add3A_884 : vector<16xf32> to vector<16xf32>
        tpu.vector_store %arg11[%swap3A_885], %swap3A_888 {strides = array<i32>} : memref<10256xf32, #tpu.memory_space<vmem>>, vector<16xf32>,
        %slice3A_889 = vector.extract_strided_slice %get3A_782 {offsets = [10], sizes = [1], strides = [1]} : vector<16xi32> to vector<1xi32>
        %squeeze3A_890 = vector.extract %slice3A_889[0] : i32 from vector<1xi32>
        %get3A_891 = arith.index_cast %squeeze3A_890 : i32 to index
        %get3A_892 = tpu.vector_load %arg11[%get3A_891] {strides = array<i32>} : memref<10256xf32, #tpu.memory_space<vmem>>, vector<16xf32>,
        %get3A_893 = vector.shape_cast %get3A_892 : vector<16xf32> to vector<16xf32>
        %add3A_894 = arith.addf %get3A_893, %select_n3A : vector<16xf32>
        %swap3A_895 = arith.index_cast %squeeze3A_890 : i32 to index
        %swap3A_896 = tpu.vector_load %arg11[%swap3A_895] {strides = array<i32>} : memref<10256xf32, #tpu.memory_space<vmem>>, vector<16xf32>,
        %swap3A_897 = vector.shape_cast %swap3A_896 : vector<16xf32> to vector<16xf32>
        %swap3A_898 = vector.shape_cast %add3A_894 : vector<16xf32> to vector<16xf32>
        tpu.vector_store %arg11[%swap3A_895], %swap3A_898 {strides = array<i32>} : memref<10256xf32, #tpu.memory_space<vmem>>, vector<16xf32>,
        %slice3A_899 = vector.extract_strided_slice %get3A_782 {offsets = [11], sizes = [1], strides = [1]} : vector<16xi32> to vector<1xi32>
        %squeeze3A_900 = vector.extract %slice3A_899[0] : i32 from vector<1xi32>
        %get3A_901 = arith.index_cast %squeeze3A_900 : i32 to index
        %get3A_902 = tpu.vector_load %arg11[%get3A_901] {strides = array<i32>} : memref<10256xf32, #tpu.memory_space<vmem>>, vector<16xf32>,
        %get3A_903 = vector.shape_cast %get3A_902 : vector<16xf32> to vector<16xf32>
        %add3A_904 = arith.addf %get3A_903, %select_n3A : vector<16xf32>
        %swap3A_905 = arith.index_cast %squeeze3A_900 : i32 to index
        %swap3A_906 = tpu.vector_load %arg11[%swap3A_905] {strides = array<i32>} : memref<10256xf32, #tpu.memory_space<vmem>>, vector<16xf32>,
        %swap3A_907 = vector.shape_cast %swap3A_906 : vector<16xf32> to vector<16xf32>
        %swap3A_908 = vector.shape_cast %add3A_904 : vector<16xf32> to vector<16xf32>
        tpu.vector_store %arg11[%swap3A_905], %swap3A_908 {strides = array<i32>} : memref<10256xf32, #tpu.memory_space<vmem>>, vector<16xf32>,
        %slice3A_909 = vector.extract_strided_slice %get3A_782 {offsets = [12], sizes = [1], strides = [1]} : vector<16xi32> to vector<1xi32>
        %squeeze3A_910 = vector.extract %slice3A_909[0] : i32 from vector<1xi32>
        %get3A_911 = arith.index_cast %squeeze3A_910 : i32 to index
        %get3A_912 = tpu.vector_load %arg11[%get3A_911] {strides = array<i32>} : memref<10256xf32, #tpu.memory_space<vmem>>, vector<16xf32>,
        %get3A_913 = vector.shape_cast %get3A_912 : vector<16xf32> to vector<16xf32>
        %add3A_914 = arith.addf %get3A_913, %select_n3A : vector<16xf32>
        %swap3A_915 = arith.index_cast %squeeze3A_910 : i32 to index
        %swap3A_916 = tpu.vector_load %arg11[%swap3A_915] {strides = array<i32>} : memref<10256xf32, #tpu.memory_space<vmem>>, vector<16xf32>,
        %swap3A_917 = vector.shape_cast %swap3A_916 : vector<16xf32> to vector<16xf32>
        %swap3A_918 = vector.shape_cast %add3A_914 : vector<16xf32> to vector<16xf32>
        tpu.vector_store %arg11[%swap3A_915], %swap3A_918 {strides = array<i32>} : memref<10256xf32, #tpu.memory_space<vmem>>, vector<16xf32>,
        %slice3A_919 = vector.extract_strided_slice %get3A_782 {offsets = [13], sizes = [1], strides = [1]} : vector<16xi32> to vector<1xi32>
        %squeeze3A_920 = vector.extract %slice3A_919[0] : i32 from vector<1xi32>
        %get3A_921 = arith.index_cast %squeeze3A_920 : i32 to index
        %get3A_922 = tpu.vector_load %arg11[%get3A_921] {strides = array<i32>} : memref<10256xf32, #tpu.memory_space<vmem>>, vector<16xf32>,
        %get3A_923 = vector.shape_cast %get3A_922 : vector<16xf32> to vector<16xf32>
        %add3A_924 = arith.addf %get3A_923, %select_n3A : vector<16xf32>
        %swap3A_925 = arith.index_cast %squeeze3A_920 : i32 to index
        %swap3A_926 = tpu.vector_load %arg11[%swap3A_925] {strides = array<i32>} : memref<10256xf32, #tpu.memory_space<vmem>>, vector<16xf32>,
        %swap3A_927 = vector.shape_cast %swap3A_926 : vector<16xf32> to vector<16xf32>
        %swap3A_928 = vector.shape_cast %add3A_924 : vector<16xf32> to vector<16xf32>
        tpu.vector_store %arg11[%swap3A_925], %swap3A_928 {strides = array<i32>} : memref<10256xf32, #tpu.memory_space<vmem>>, vector<16xf32>,
        %slice3A_929 = vector.extract_strided_slice %get3A_782 {offsets = [14], sizes = [1], strides = [1]} : vector<16xi32> to vector<1xi32>
        %squeeze3A_930 = vector.extract %slice3A_929[0] : i32 from vector<1xi32>
        %get3A_931 = arith.index_cast %squeeze3A_930 : i32 to index
        %get3A_932 = tpu.vector_load %arg11[%get3A_931] {strides = array<i32>} : memref<10256xf32, #tpu.memory_space<vmem>>, vector<16xf32>,
        %get3A_933 = vector.shape_cast %get3A_932 : vector<16xf32> to vector<16xf32>
        %add3A_934 = arith.addf %get3A_933, %select_n3A : vector<16xf32>
        %swap3A_935 = arith.index_cast %squeeze3A_930 : i32 to index
        %swap3A_936 = tpu.vector_load %arg11[%swap3A_935] {strides = array<i32>} : memref<10256xf32, #tpu.memory_space<vmem>>, vector<16xf32>,
        %swap3A_937 = vector.shape_cast %swap3A_936 : vector<16xf32> to vector<16xf32>
        %swap3A_938 = vector.shape_cast %add3A_934 : vector<16xf32> to vector<16xf32>
        tpu.vector_store %arg11[%swap3A_935], %swap3A_938 {strides = array<i32>} : memref<10256xf32, #tpu.memory_space<vmem>>, vector<16xf32>,
        %slice3A_939 = vector.extract_strided_slice %get3A_782 {offsets = [15], sizes = [1], strides = [1]} : vector<16xi32> to vector<1xi32>
        %squeeze3A_940 = vector.extract %slice3A_939[0] : i32 from vector<1xi32>
        %get3A_941 = arith.index_cast %squeeze3A_940 : i32 to index
        %get3A_942 = tpu.vector_load %arg11[%get3A_941] {strides = array<i32>} : memref<10256xf32, #tpu.memory_space<vmem>>, vector<16xf32>,
        %get3A_943 = vector.shape_cast %get3A_942 : vector<16xf32> to vector<16xf32>
        %add3A_944 = arith.addf %get3A_943, %select_n3A : vector<16xf32>
        %swap3A_945 = arith.index_cast %squeeze3A_940 : i32 to index
        %swap3A_946 = tpu.vector_load %arg11[%swap3A_945] {strides = array<i32>} : memref<10256xf32, #tpu.memory_space<vmem>>, vector<16xf32>,
        %swap3A_947 = vector.shape_cast %swap3A_946 : vector<16xf32> to vector<16xf32>
        %swap3A_948 = vector.shape_cast %add3A_944 : vector<16xf32> to vector<16xf32>
        tpu.vector_store %arg11[%swap3A_945], %swap3A_948 {strides = array<i32>} : memref<10256xf32, #tpu.memory_space<vmem>>, vector<16xf32>,
        %get3A_949 = arith.constant 1 : i32
        %get3A_950 = arith.index_cast %get3A_949 : i32 to index
        %get3A_951 = arith.constant 80 : index
        %get3A_952 = tpu.vector_load %arg7[%get3A_950, %get3A_951] {strides = array<i32>} : memref<2x96xi32, #tpu.memory_space<vmem>>, vector<1x16xi32>,
        %get3A_953 = vector.shape_cast %get3A_952 : vector<1x16xi32> to vector<16xi32>
        %swap3A_954 = arith.constant 1 : i32
        %swap3A_955 = arith.index_cast %swap3A_954 : i32 to index
        %swap3A_956 = arith.constant 80 : index
        %swap3A_957 = tpu.vector_load %arg8[%swap3A_955, %swap3A_956] {strides = array<i32>} : memref<2x96xi32, #tpu.memory_space<vmem>>, vector<1x16xi32>,
        %swap3A_958 = vector.shape_cast %swap3A_957 : vector<1x16xi32> to vector<16xi32>
        %swap3A_959 = vector.shape_cast %get3A_953 : vector<16xi32> to vector<1x16xi32>
        tpu.vector_store %arg8[%swap3A_955, %swap3A_956], %swap3A_959 {strides = array<i32>} : memref<2x96xi32, #tpu.memory_space<vmem>>, vector<1x16xi32>,
        %slice3A_960 = vector.extract_strided_slice %get3A_953 {offsets = [0], sizes = [1], strides = [1]} : vector<16xi32> to vector<1xi32>
        %squeeze3A_961 = vector.extract %slice3A_960[0] : i32 from vector<1xi32>
        %get3A_962 = arith.index_cast %squeeze3A_961 : i32 to index
        %get3A_963 = tpu.vector_load %arg11[%get3A_962] {strides = array<i32>} : memref<10256xf32, #tpu.memory_space<vmem>>, vector<16xf32>,
        %get3A_964 = vector.shape_cast %get3A_963 : vector<16xf32> to vector<16xf32>
        %add3A_965 = arith.addf %get3A_964, %select_n3A : vector<16xf32>
        %swap3A_966 = arith.index_cast %squeeze3A_961 : i32 to index
        %swap3A_967 = tpu.vector_load %arg11[%swap3A_966] {strides = array<i32>} : memref<10256xf32, #tpu.memory_space<vmem>>, vector<16xf32>,
        %swap3A_968 = vector.shape_cast %swap3A_967 : vector<16xf32> to vector<16xf32>
        %swap3A_969 = vector.shape_cast %add3A_965 : vector<16xf32> to vector<16xf32>
        tpu.vector_store %arg11[%swap3A_966], %swap3A_969 {strides = array<i32>} : memref<10256xf32, #tpu.memory_space<vmem>>, vector<16xf32>,
        %slice3A_970 = vector.extract_strided_slice %get3A_953 {offsets = [1], sizes = [1], strides = [1]} : vector<16xi32> to vector<1xi32>
        %squeeze3A_971 = vector.extract %slice3A_970[0] : i32 from vector<1xi32>
        %get3A_972 = arith.index_cast %squeeze3A_971 : i32 to index
        %get3A_973 = tpu.vector_load %arg11[%get3A_972] {strides = array<i32>} : memref<10256xf32, #tpu.memory_space<vmem>>, vector<16xf32>,
        %get3A_974 = vector.shape_cast %get3A_973 : vector<16xf32> to vector<16xf32>
        %add3A_975 = arith.addf %get3A_974, %select_n3A : vector<16xf32>
        %swap3A_976 = arith.index_cast %squeeze3A_971 : i32 to index
        %swap3A_977 = tpu.vector_load %arg11[%swap3A_976] {strides = array<i32>} : memref<10256xf32, #tpu.memory_space<vmem>>, vector<16xf32>,
        %swap3A_978 = vector.shape_cast %swap3A_977 : vector<16xf32> to vector<16xf32>
        %swap3A_979 = vector.shape_cast %add3A_975 : vector<16xf32> to vector<16xf32>
        tpu.vector_store %arg11[%swap3A_976], %swap3A_979 {strides = array<i32>} : memref<10256xf32, #tpu.memory_space<vmem>>, vector<16xf32>,
        %slice3A_980 = vector.extract_strided_slice %get3A_953 {offsets = [2], sizes = [1], strides = [1]} : vector<16xi32> to vector<1xi32>
        %squeeze3A_981 = vector.extract %slice3A_980[0] : i32 from vector<1xi32>
        %get3A_982 = arith.index_cast %squeeze3A_981 : i32 to index
        %get3A_983 = tpu.vector_load %arg11[%get3A_982] {strides = array<i32>} : memref<10256xf32, #tpu.memory_space<vmem>>, vector<16xf32>,
        %get3A_984 = vector.shape_cast %get3A_983 : vector<16xf32> to vector<16xf32>
        %add3A_985 = arith.addf %get3A_984, %select_n3A : vector<16xf32>
        %swap3A_986 = arith.index_cast %squeeze3A_981 : i32 to index
        %swap3A_987 = tpu.vector_load %arg11[%swap3A_986] {strides = array<i32>} : memref<10256xf32, #tpu.memory_space<vmem>>, vector<16xf32>,
        %swap3A_988 = vector.shape_cast %swap3A_987 : vector<16xf32> to vector<16xf32>
        %swap3A_989 = vector.shape_cast %add3A_985 : vector<16xf32> to vector<16xf32>
        tpu.vector_store %arg11[%swap3A_986], %swap3A_989 {strides = array<i32>} : memref<10256xf32, #tpu.memory_space<vmem>>, vector<16xf32>,
        %slice3A_990 = vector.extract_strided_slice %get3A_953 {offsets = [3], sizes = [1], strides = [1]} : vector<16xi32> to vector<1xi32>
        %squeeze3A_991 = vector.extract %slice3A_990[0] : i32 from vector<1xi32>
        %get3A_992 = arith.index_cast %squeeze3A_991 : i32 to index
        %get3A_993 = tpu.vector_load %arg11[%get3A_992] {strides = array<i32>} : memref<10256xf32, #tpu.memory_space<vmem>>, vector<16xf32>,
        %get3A_994 = vector.shape_cast %get3A_993 : vector<16xf32> to vector<16xf32>
        %add3A_995 = arith.addf %get3A_994, %select_n3A : vector<16xf32>
        %swap3A_996 = arith.index_cast %squeeze3A_991 : i32 to index
        %swap3A_997 = tpu.vector_load %arg11[%swap3A_996] {strides = array<i32>} : memref<10256xf32, #tpu.memory_space<vmem>>, vector<16xf32>,
        %swap3A_998 = vector.shape_cast %swap3A_997 : vector<16xf32> to vector<16xf32>
        %swap3A_999 = vector.shape_cast %add3A_995 : vector<16xf32> to vector<16xf32>
        tpu.vector_store %arg11[%swap3A_996], %swap3A_999 {strides = array<i32>} : memref<10256xf32, #tpu.memory_space<vmem>>, vector<16xf32>,
        %slice3A_1000 = vector.extract_strided_slice %get3A_953 {offsets = [4], sizes = [1], strides = [1]} : vector<16xi32> to vector<1xi32>
        %squeeze3A_1001 = vector.extract %slice3A_1000[0] : i32 from vector<1xi32>
        %get3A_1002 = arith.index_cast %squeeze3A_1001 : i32 to index
        %get3A_1003 = tpu.vector_load %arg11[%get3A_1002] {strides = array<i32>} : memref<10256xf32, #tpu.memory_space<vmem>>, vector<16xf32>,
        %get3A_1004 = vector.shape_cast %get3A_1003 : vector<16xf32> to vector<16xf32>
        %add3A_1005 = arith.addf %get3A_1004, %select_n3A : vector<16xf32>
        %swap3A_1006 = arith.index_cast %squeeze3A_1001 : i32 to index
        %swap3A_1007 = tpu.vector_load %arg11[%swap3A_1006] {strides = array<i32>} : memref<10256xf32, #tpu.memory_space<vmem>>, vector<16xf32>,
        %swap3A_1008 = vector.shape_cast %swap3A_1007 : vector<16xf32> to vector<16xf32>
        %swap3A_1009 = vector.shape_cast %add3A_1005 : vector<16xf32> to vector<16xf32>
        tpu.vector_store %arg11[%swap3A_1006], %swap3A_1009 {strides = array<i32>} : memref<10256xf32, #tpu.memory_space<vmem>>, vector<16xf32>,
        %slice3A_1010 = vector.extract_strided_slice %get3A_953 {offsets = [5], sizes = [1], strides = [1]} : vector<16xi32> to vector<1xi32>
        %squeeze3A_1011 = vector.extract %slice3A_1010[0] : i32 from vector<1xi32>
        %get3A_1012 = arith.index_cast %squeeze3A_1011 : i32 to index
        %get3A_1013 = tpu.vector_load %arg11[%get3A_1012] {strides = array<i32>} : memref<10256xf32, #tpu.memory_space<vmem>>, vector<16xf32>,
        %get3A_1014 = vector.shape_cast %get3A_1013 : vector<16xf32> to vector<16xf32>
        %add3A_1015 = arith.addf %get3A_1014, %select_n3A : vector<16xf32>
        %swap3A_1016 = arith.index_cast %squeeze3A_1011 : i32 to index
        %swap3A_1017 = tpu.vector_load %arg11[%swap3A_1016] {strides = array<i32>} : memref<10256xf32, #tpu.memory_space<vmem>>, vector<16xf32>,
        %swap3A_1018 = vector.shape_cast %swap3A_1017 : vector<16xf32> to vector<16xf32>
        %swap3A_1019 = vector.shape_cast %add3A_1015 : vector<16xf32> to vector<16xf32>
        tpu.vector_store %arg11[%swap3A_1016], %swap3A_1019 {strides = array<i32>} : memref<10256xf32, #tpu.memory_space<vmem>>, vector<16xf32>,
        %slice3A_1020 = vector.extract_strided_slice %get3A_953 {offsets = [6], sizes = [1], strides = [1]} : vector<16xi32> to vector<1xi32>
        %squeeze3A_1021 = vector.extract %slice3A_1020[0] : i32 from vector<1xi32>
        %get3A_1022 = arith.index_cast %squeeze3A_1021 : i32 to index
        %get3A_1023 = tpu.vector_load %arg11[%get3A_1022] {strides = array<i32>} : memref<10256xf32, #tpu.memory_space<vmem>>, vector<16xf32>,
        %get3A_1024 = vector.shape_cast %get3A_1023 : vector<16xf32> to vector<16xf32>
        %add3A_1025 = arith.addf %get3A_1024, %select_n3A : vector<16xf32>
        %swap3A_1026 = arith.index_cast %squeeze3A_1021 : i32 to index
        %swap3A_1027 = tpu.vector_load %arg11[%swap3A_1026] {strides = array<i32>} : memref<10256xf32, #tpu.memory_space<vmem>>, vector<16xf32>,
        %swap3A_1028 = vector.shape_cast %swap3A_1027 : vector<16xf32> to vector<16xf32>
        %swap3A_1029 = vector.shape_cast %add3A_1025 : vector<16xf32> to vector<16xf32>
        tpu.vector_store %arg11[%swap3A_1026], %swap3A_1029 {strides = array<i32>} : memref<10256xf32, #tpu.memory_space<vmem>>, vector<16xf32>,
        %slice3A_1030 = vector.extract_strided_slice %get3A_953 {offsets = [7], sizes = [1], strides = [1]} : vector<16xi32> to vector<1xi32>
        %squeeze3A_1031 = vector.extract %slice3A_1030[0] : i32 from vector<1xi32>
        %get3A_1032 = arith.index_cast %squeeze3A_1031 : i32 to index
        %get3A_1033 = tpu.vector_load %arg11[%get3A_1032] {strides = array<i32>} : memref<10256xf32, #tpu.memory_space<vmem>>, vector<16xf32>,
        %get3A_1034 = vector.shape_cast %get3A_1033 : vector<16xf32> to vector<16xf32>
        %add3A_1035 = arith.addf %get3A_1034, %select_n3A : vector<16xf32>
        %swap3A_1036 = arith.index_cast %squeeze3A_1031 : i32 to index
        %swap3A_1037 = tpu.vector_load %arg11[%swap3A_1036] {strides = array<i32>} : memref<10256xf32, #tpu.memory_space<vmem>>, vector<16xf32>,
        %swap3A_1038 = vector.shape_cast %swap3A_1037 : vector<16xf32> to vector<16xf32>
        %swap3A_1039 = vector.shape_cast %add3A_1035 : vector<16xf32> to vector<16xf32>
        tpu.vector_store %arg11[%swap3A_1036], %swap3A_1039 {strides = array<i32>} : memref<10256xf32, #tpu.memory_space<vmem>>, vector<16xf32>,
        %slice3A_1040 = vector.extract_strided_slice %get3A_953 {offsets = [8], sizes = [1], strides = [1]} : vector<16xi32> to vector<1xi32>
        %squeeze3A_1041 = vector.extract %slice3A_1040[0] : i32 from vector<1xi32>
        %get3A_1042 = arith.index_cast %squeeze3A_1041 : i32 to index
        %get3A_1043 = tpu.vector_load %arg11[%get3A_1042] {strides = array<i32>} : memref<10256xf32, #tpu.memory_space<vmem>>, vector<16xf32>,
        %get3A_1044 = vector.shape_cast %get3A_1043 : vector<16xf32> to vector<16xf32>
        %add3A_1045 = arith.addf %get3A_1044, %select_n3A : vector<16xf32>
        %swap3A_1046 = arith.index_cast %squeeze3A_1041 : i32 to index
        %swap3A_1047 = tpu.vector_load %arg11[%swap3A_1046] {strides = array<i32>} : memref<10256xf32, #tpu.memory_space<vmem>>, vector<16xf32>,
        %swap3A_1048 = vector.shape_cast %swap3A_1047 : vector<16xf32> to vector<16xf32>
        %swap3A_1049 = vector.shape_cast %add3A_1045 : vector<16xf32> to vector<16xf32>
        tpu.vector_store %arg11[%swap3A_1046], %swap3A_1049 {strides = array<i32>} : memref<10256xf32, #tpu.memory_space<vmem>>, vector<16xf32>,
        %slice3A_1050 = vector.extract_strided_slice %get3A_953 {offsets = [9], sizes = [1], strides = [1]} : vector<16xi32> to vector<1xi32>
        %squeeze3A_1051 = vector.extract %slice3A_1050[0] : i32 from vector<1xi32>
        %get3A_1052 = arith.index_cast %squeeze3A_1051 : i32 to index
        %get3A_1053 = tpu.vector_load %arg11[%get3A_1052] {strides = array<i32>} : memref<10256xf32, #tpu.memory_space<vmem>>, vector<16xf32>,
        %get3A_1054 = vector.shape_cast %get3A_1053 : vector<16xf32> to vector<16xf32>
        %add3A_1055 = arith.addf %get3A_1054, %select_n3A : vector<16xf32>
        %swap3A_1056 = arith.index_cast %squeeze3A_1051 : i32 to index
        %swap3A_1057 = tpu.vector_load %arg11[%swap3A_1056] {strides = array<i32>} : memref<10256xf32, #tpu.memory_space<vmem>>, vector<16xf32>,
        %swap3A_1058 = vector.shape_cast %swap3A_1057 : vector<16xf32> to vector<16xf32>
        %swap3A_1059 = vector.shape_cast %add3A_1055 : vector<16xf32> to vector<16xf32>
        tpu.vector_store %arg11[%swap3A_1056], %swap3A_1059 {strides = array<i32>} : memref<10256xf32, #tpu.memory_space<vmem>>, vector<16xf32>,
        %slice3A_1060 = vector.extract_strided_slice %get3A_953 {offsets = [10], sizes = [1], strides = [1]} : vector<16xi32> to vector<1xi32>
        %squeeze3A_1061 = vector.extract %slice3A_1060[0] : i32 from vector<1xi32>
        %get3A_1062 = arith.index_cast %squeeze3A_1061 : i32 to index
        %get3A_1063 = tpu.vector_load %arg11[%get3A_1062] {strides = array<i32>} : memref<10256xf32, #tpu.memory_space<vmem>>, vector<16xf32>,
        %get3A_1064 = vector.shape_cast %get3A_1063 : vector<16xf32> to vector<16xf32>
        %add3A_1065 = arith.addf %get3A_1064, %select_n3A : vector<16xf32>
        %swap3A_1066 = arith.index_cast %squeeze3A_1061 : i32 to index
        %swap3A_1067 = tpu.vector_load %arg11[%swap3A_1066] {strides = array<i32>} : memref<10256xf32, #tpu.memory_space<vmem>>, vector<16xf32>,
        %swap3A_1068 = vector.shape_cast %swap3A_1067 : vector<16xf32> to vector<16xf32>
        %swap3A_1069 = vector.shape_cast %add3A_1065 : vector<16xf32> to vector<16xf32>
        tpu.vector_store %arg11[%swap3A_1066], %swap3A_1069 {strides = array<i32>} : memref<10256xf32, #tpu.memory_space<vmem>>, vector<16xf32>,
        %slice3A_1070 = vector.extract_strided_slice %get3A_953 {offsets = [11], sizes = [1], strides = [1]} : vector<16xi32> to vector<1xi32>
        %squeeze3A_1071 = vector.extract %slice3A_1070[0] : i32 from vector<1xi32>
        %get3A_1072 = arith.index_cast %squeeze3A_1071 : i32 to index
        %get3A_1073 = tpu.vector_load %arg11[%get3A_1072] {strides = array<i32>} : memref<10256xf32, #tpu.memory_space<vmem>>, vector<16xf32>,
        %get3A_1074 = vector.shape_cast %get3A_1073 : vector<16xf32> to vector<16xf32>
        %add3A_1075 = arith.addf %get3A_1074, %select_n3A : vector<16xf32>
        %swap3A_1076 = arith.index_cast %squeeze3A_1071 : i32 to index
        %swap3A_1077 = tpu.vector_load %arg11[%swap3A_1076] {strides = array<i32>} : memref<10256xf32, #tpu.memory_space<vmem>>, vector<16xf32>,
        %swap3A_1078 = vector.shape_cast %swap3A_1077 : vector<16xf32> to vector<16xf32>
        %swap3A_1079 = vector.shape_cast %add3A_1075 : vector<16xf32> to vector<16xf32>
        tpu.vector_store %arg11[%swap3A_1076], %swap3A_1079 {strides = array<i32>} : memref<10256xf32, #tpu.memory_space<vmem>>, vector<16xf32>,
        %slice3A_1080 = vector.extract_strided_slice %get3A_953 {offsets = [12], sizes = [1], strides = [1]} : vector<16xi32> to vector<1xi32>
        %squeeze3A_1081 = vector.extract %slice3A_1080[0] : i32 from vector<1xi32>
        %get3A_1082 = arith.index_cast %squeeze3A_1081 : i32 to index
        %get3A_1083 = tpu.vector_load %arg11[%get3A_1082] {strides = array<i32>} : memref<10256xf32, #tpu.memory_space<vmem>>, vector<16xf32>,
        %get3A_1084 = vector.shape_cast %get3A_1083 : vector<16xf32> to vector<16xf32>
        %add3A_1085 = arith.addf %get3A_1084, %select_n3A : vector<16xf32>
        %swap3A_1086 = arith.index_cast %squeeze3A_1081 : i32 to index
        %swap3A_1087 = tpu.vector_load %arg11[%swap3A_1086] {strides = array<i32>} : memref<10256xf32, #tpu.memory_space<vmem>>, vector<16xf32>,
        %swap3A_1088 = vector.shape_cast %swap3A_1087 : vector<16xf32> to vector<16xf32>
        %swap3A_1089 = vector.shape_cast %add3A_1085 : vector<16xf32> to vector<16xf32>
        tpu.vector_store %arg11[%swap3A_1086], %swap3A_1089 {strides = array<i32>} : memref<10256xf32, #tpu.memory_space<vmem>>, vector<16xf32>,
        %slice3A_1090 = vector.extract_strided_slice %get3A_953 {offsets = [13], sizes = [1], strides = [1]} : vector<16xi32> to vector<1xi32>
        %squeeze3A_1091 = vector.extract %slice3A_1090[0] : i32 from vector<1xi32>
        %get3A_1092 = arith.index_cast %squeeze3A_1091 : i32 to index
        %get3A_1093 = tpu.vector_load %arg11[%get3A_1092] {strides = array<i32>} : memref<10256xf32, #tpu.memory_space<vmem>>, vector<16xf32>,
        %get3A_1094 = vector.shape_cast %get3A_1093 : vector<16xf32> to vector<16xf32>
        %add3A_1095 = arith.addf %get3A_1094, %select_n3A : vector<16xf32>
        %swap3A_1096 = arith.index_cast %squeeze3A_1091 : i32 to index
        %swap3A_1097 = tpu.vector_load %arg11[%swap3A_1096] {strides = array<i32>} : memref<10256xf32, #tpu.memory_space<vmem>>, vector<16xf32>,
        %swap3A_1098 = vector.shape_cast %swap3A_1097 : vector<16xf32> to vector<16xf32>
        %swap3A_1099 = vector.shape_cast %add3A_1095 : vector<16xf32> to vector<16xf32>
        tpu.vector_store %arg11[%swap3A_1096], %swap3A_1099 {strides = array<i32>} : memref<10256xf32, #tpu.memory_space<vmem>>, vector<16xf32>,
        %slice3A_1100 = vector.extract_strided_slice %get3A_953 {offsets = [14], sizes = [1], strides = [1]} : vector<16xi32> to vector<1xi32>
        %squeeze3A_1101 = vector.extract %slice3A_1100[0] : i32 from vector<1xi32>
        %get3A_1102 = arith.index_cast %squeeze3A_1101 : i32 to index
        %get3A_1103 = tpu.vector_load %arg11[%get3A_1102] {strides = array<i32>} : memref<10256xf32, #tpu.memory_space<vmem>>, vector<16xf32>,
        %get3A_1104 = vector.shape_cast %get3A_1103 : vector<16xf32> to vector<16xf32>
        %add3A_1105 = arith.addf %get3A_1104, %select_n3A : vector<16xf32>
        %swap3A_1106 = arith.index_cast %squeeze3A_1101 : i32 to index
        %swap3A_1107 = tpu.vector_load %arg11[%swap3A_1106] {strides = array<i32>} : memref<10256xf32, #tpu.memory_space<vmem>>, vector<16xf32>,
        %swap3A_1108 = vector.shape_cast %swap3A_1107 : vector<16xf32> to vector<16xf32>
        %swap3A_1109 = vector.shape_cast %add3A_1105 : vector<16xf32> to vector<16xf32>
        tpu.vector_store %arg11[%swap3A_1106], %swap3A_1109 {strides = array<i32>} : memref<10256xf32, #tpu.memory_space<vmem>>, vector<16xf32>,
        %slice3A_1110 = vector.extract_strided_slice %get3A_953 {offsets = [15], sizes = [1], strides = [1]} : vector<16xi32> to vector<1xi32>
        %squeeze3A_1111 = vector.extract %slice3A_1110[0] : i32 from vector<1xi32>
        %get3A_1112 = arith.index_cast %squeeze3A_1111 : i32 to index
        %get3A_1113 = tpu.vector_load %arg11[%get3A_1112] {strides = array<i32>} : memref<10256xf32, #tpu.memory_space<vmem>>, vector<16xf32>,
        %get3A_1114 = vector.shape_cast %get3A_1113 : vector<16xf32> to vector<16xf32>
        %add3A_1115 = arith.addf %get3A_1114, %select_n3A : vector<16xf32>
        %swap3A_1116 = arith.index_cast %squeeze3A_1111 : i32 to index
        %swap3A_1117 = tpu.vector_load %arg11[%swap3A_1116] {strides = array<i32>} : memref<10256xf32, #tpu.memory_space<vmem>>, vector<16xf32>,
        %swap3A_1118 = vector.shape_cast %swap3A_1117 : vector<16xf32> to vector<16xf32>
        %swap3A_1119 = vector.shape_cast %add3A_1115 : vector<16xf32> to vector<16xf32>
        tpu.vector_store %arg11[%swap3A_1116], %swap3A_1119 {strides = array<i32>} : memref<10256xf32, #tpu.memory_space<vmem>>, vector<16xf32>,
        %dma_wait3A_1120 = arith.constant 0 : i32
        %dma_wait3A_1121 = tpu.memref_slice %arg4[%mul3A_62, %dma_wait3A_1120] : memref<327680x128xf32, #tpu.memory_space<hbm>> -> memref<96x128xf32, #tpu.memory_space<hbm>>
        %dma_wait3A_1122 = arith.constant 0 : i32
        %dma_wait3A_1123 = tpu.memref_slice %arg4[%mul3A_62, %dma_wait3A_1122] : memref<327680x128xf32, #tpu.memory_space<hbm>> -> memref<96x128xf32, #tpu.memory_space<hbm>>
        tpu.wait_dma2 semaphore(%arg16 : memref<!tpu.dma_semaphore, #tpu.memory_space<semaphore_mem>>) src(%dma_wait3A_1123 : memref<96x128xf32, #tpu.memory_space<hbm>>) dst(%arg10 : memref<96x128xf32, #tpu.memory_space<vmem>>)
        %dma_wait3A_1124 = arith.constant 0 : i32
        %dma_wait3A_1125 = arith.constant 0 : i32
        %dma_wait3A_1126 = tpu.memref_slice %arg7[%dma_wait3A_1124, %dma_wait3A_1125] : memref<2x96xi32, #tpu.memory_space<vmem>> -> memref<1x96xi32, #tpu.memory_space<vmem>>
        %dma_wait3A_1127 = tpu.memref_squeeze %dma_wait3A_1126 : memref<1x96xi32, #tpu.memory_space<vmem>> -> memref<96xi32, #tpu.memory_space<vmem>>
        %dma_wait3A_1128 = arith.constant 0 : i32
        %dma_wait3A_1129 = arith.constant 0 : i32
        %dma_wait3A_1130 = tpu.memref_slice %arg2[%dma_wait3A_1128, %dma_wait3A_1129] : memref<10000x128xf32, #tpu.memory_space<hbm>> -> memref<10000x128xf32, #tpu.memory_space<hbm>>
        tpu.wait_indirect_dma semaphore(%arg13 : memref<!tpu.dma_semaphore, #tpu.memory_space<semaphore_mem>>) src(%dma_wait3A_1130 : memref<10000x128xf32, #tpu.memory_space<hbm>>) dst(%arg9 : memref<96x128xf32, #tpu.memory_space<vmem>>)
        %scan3A_1131 = arith.constant 0 : i32
        %scan3A_1132 = arith.constant 0 : i32
        %scan3A_1133 = arith.constant 96 : i32
        %scan3A_1134 = arith.addi %scan3A_1132, %scan3A_1133 : i32
        %scan3A_1135 = arith.constant 1 : i32
        %scan3A_1136 = scf.for %scan3A_1145 = %scan3A_1132 to %scan3A_1134 step %scan3A_1135 iter_args(%scan3A_1146 = %scan3A_1131) -> (i32)  : i32 {
          %get3A_1147 = arith.index_cast %scan3A_1145 : i32 to index
          %get3A_1148 = arith.constant 0 : index
          %get3A_1149 = tpu.vector_load %arg9[%get3A_1147, %get3A_1148] {strides = array<i32>} : memref<96x128xf32, #tpu.memory_space<vmem>>, vector<1x16xf32>,
          %get3A_1150 = vector.shape_cast %get3A_1149 : vector<1x16xf32> to vector<16xf32>
          %get3A_1151 = arith.index_cast %scan3A_1145 : i32 to index
          %get3A_1152 = arith.constant 0 : index
          %get3A_1153 = tpu.vector_load %arg10[%get3A_1151, %get3A_1152] {strides = array<i32>} : memref<96x128xf32, #tpu.memory_space<vmem>>, vector<1x16xf32>,
          %get3A_1154 = vector.shape_cast %get3A_1153 : vector<1x16xf32> to vector<16xf32>
          %add3A_1155 = arith.addf %get3A_1150, %get3A_1154 : vector<16xf32>
          %max3A = arith.constant 0.000000e+00 : f32
          %max3A_1156 = vector.broadcast %max3A : f32 to vector<16xf32>
          %max3A_1157 = arith.maximumf %add3A_1155, %max3A_1156 : vector<16xf32>
          %swap3A_1158 = arith.index_cast %scan3A_1145 : i32 to index
          %swap3A_1159 = arith.constant 0 : index
          %swap3A_1160 = tpu.vector_load %arg9[%swap3A_1158, %swap3A_1159] {strides = array<i32>} : memref<96x128xf32, #tpu.memory_space<vmem>>, vector<1x16xf32>,
          %swap3A_1161 = vector.shape_cast %swap3A_1160 : vector<1x16xf32> to vector<16xf32>
          %swap3A_1162 = vector.shape_cast %max3A_1157 : vector<16xf32> to vector<1x16xf32>
          tpu.vector_store %arg9[%swap3A_1158, %swap3A_1159], %swap3A_1162 {strides = array<i32>} : memref<96x128xf32, #tpu.memory_space<vmem>>, vector<1x16xf32>,
          %get3A_1163 = arith.index_cast %scan3A_1145 : i32 to index
          %get3A_1164 = arith.constant 16 : index
          %get3A_1165 = tpu.vector_load %arg9[%get3A_1163, %get3A_1164] {strides = array<i32>} : memref<96x128xf32, #tpu.memory_space<vmem>>, vector<1x16xf32>,
          %get3A_1166 = vector.shape_cast %get3A_1165 : vector<1x16xf32> to vector<16xf32>
          %get3A_1167 = arith.index_cast %scan3A_1145 : i32 to index
          %get3A_1168 = arith.constant 16 : index
          %get3A_1169 = tpu.vector_load %arg10[%get3A_1167, %get3A_1168] {strides = array<i32>} : memref<96x128xf32, #tpu.memory_space<vmem>>, vector<1x16xf32>,
          %get3A_1170 = vector.shape_cast %get3A_1169 : vector<1x16xf32> to vector<16xf32>
          %add3A_1171 = arith.addf %get3A_1166, %get3A_1170 : vector<16xf32>
          %max3A_1172 = arith.constant 0.000000e+00 : f32
          %max3A_1173 = vector.broadcast %max3A_1172 : f32 to vector<16xf32>
          %max3A_1174 = arith.maximumf %add3A_1171, %max3A_1173 : vector<16xf32>
          %swap3A_1175 = arith.index_cast %scan3A_1145 : i32 to index
          %swap3A_1176 = arith.constant 16 : index
          %swap3A_1177 = tpu.vector_load %arg9[%swap3A_1175, %swap3A_1176] {strides = array<i32>} : memref<96x128xf32, #tpu.memory_space<vmem>>, vector<1x16xf32>,
          %swap3A_1178 = vector.shape_cast %swap3A_1177 : vector<1x16xf32> to vector<16xf32>
          %swap3A_1179 = vector.shape_cast %max3A_1174 : vector<16xf32> to vector<1x16xf32>
          tpu.vector_store %arg9[%swap3A_1175, %swap3A_1176], %swap3A_1179 {strides = array<i32>} : memref<96x128xf32, #tpu.memory_space<vmem>>, vector<1x16xf32>,
          %get3A_1180 = arith.index_cast %scan3A_1145 : i32 to index
          %get3A_1181 = arith.constant 32 : index
          %get3A_1182 = tpu.vector_load %arg9[%get3A_1180, %get3A_1181] {strides = array<i32>} : memref<96x128xf32, #tpu.memory_space<vmem>>, vector<1x16xf32>,
          %get3A_1183 = vector.shape_cast %get3A_1182 : vector<1x16xf32> to vector<16xf32>
          %get3A_1184 = arith.index_cast %scan3A_1145 : i32 to index
          %get3A_1185 = arith.constant 32 : index
          %get3A_1186 = tpu.vector_load %arg10[%get3A_1184, %get3A_1185] {strides = array<i32>} : memref<96x128xf32, #tpu.memory_space<vmem>>, vector<1x16xf32>,
          %get3A_1187 = vector.shape_cast %get3A_1186 : vector<1x16xf32> to vector<16xf32>
          %add3A_1188 = arith.addf %get3A_1183, %get3A_1187 : vector<16xf32>
          %max3A_1189 = arith.constant 0.000000e+00 : f32
          %max3A_1190 = vector.broadcast %max3A_1189 : f32 to vector<16xf32>
          %max3A_1191 = arith.maximumf %add3A_1188, %max3A_1190 : vector<16xf32>
          %swap3A_1192 = arith.index_cast %scan3A_1145 : i32 to index
          %swap3A_1193 = arith.constant 32 : index
          %swap3A_1194 = tpu.vector_load %arg9[%swap3A_1192, %swap3A_1193] {strides = array<i32>} : memref<96x128xf32, #tpu.memory_space<vmem>>, vector<1x16xf32>,
          %swap3A_1195 = vector.shape_cast %swap3A_1194 : vector<1x16xf32> to vector<16xf32>
          %swap3A_1196 = vector.shape_cast %max3A_1191 : vector<16xf32> to vector<1x16xf32>
          tpu.vector_store %arg9[%swap3A_1192, %swap3A_1193], %swap3A_1196 {strides = array<i32>} : memref<96x128xf32, #tpu.memory_space<vmem>>, vector<1x16xf32>,
          %get3A_1197 = arith.index_cast %scan3A_1145 : i32 to index
          %get3A_1198 = arith.constant 48 : index
          %get3A_1199 = tpu.vector_load %arg9[%get3A_1197, %get3A_1198] {strides = array<i32>} : memref<96x128xf32, #tpu.memory_space<vmem>>, vector<1x16xf32>,
          %get3A_1200 = vector.shape_cast %get3A_1199 : vector<1x16xf32> to vector<16xf32>
          %get3A_1201 = arith.index_cast %scan3A_1145 : i32 to index
          %get3A_1202 = arith.constant 48 : index
          %get3A_1203 = tpu.vector_load %arg10[%get3A_1201, %get3A_1202] {strides = array<i32>} : memref<96x128xf32, #tpu.memory_space<vmem>>, vector<1x16xf32>,
          %get3A_1204 = vector.shape_cast %get3A_1203 : vector<1x16xf32> to vector<16xf32>
          %add3A_1205 = arith.addf %get3A_1200, %get3A_1204 : vector<16xf32>
          %max3A_1206 = arith.constant 0.000000e+00 : f32
          %max3A_1207 = vector.broadcast %max3A_1206 : f32 to vector<16xf32>
          %max3A_1208 = arith.maximumf %add3A_1205, %max3A_1207 : vector<16xf32>
          %swap3A_1209 = arith.index_cast %scan3A_1145 : i32 to index
          %swap3A_1210 = arith.constant 48 : index
          %swap3A_1211 = tpu.vector_load %arg9[%swap3A_1209, %swap3A_1210] {strides = array<i32>} : memref<96x128xf32, #tpu.memory_space<vmem>>, vector<1x16xf32>,
          %swap3A_1212 = vector.shape_cast %swap3A_1211 : vector<1x16xf32> to vector<16xf32>
          %swap3A_1213 = vector.shape_cast %max3A_1208 : vector<16xf32> to vector<1x16xf32>
          tpu.vector_store %arg9[%swap3A_1209, %swap3A_1210], %swap3A_1213 {strides = array<i32>} : memref<96x128xf32, #tpu.memory_space<vmem>>, vector<1x16xf32>,
          %get3A_1214 = arith.index_cast %scan3A_1145 : i32 to index
          %get3A_1215 = arith.constant 64 : index
          %get3A_1216 = tpu.vector_load %arg9[%get3A_1214, %get3A_1215] {strides = array<i32>} : memref<96x128xf32, #tpu.memory_space<vmem>>, vector<1x16xf32>,
          %get3A_1217 = vector.shape_cast %get3A_1216 : vector<1x16xf32> to vector<16xf32>
          %get3A_1218 = arith.index_cast %scan3A_1145 : i32 to index
          %get3A_1219 = arith.constant 64 : index
          %get3A_1220 = tpu.vector_load %arg10[%get3A_1218, %get3A_1219] {strides = array<i32>} : memref<96x128xf32, #tpu.memory_space<vmem>>, vector<1x16xf32>,
          %get3A_1221 = vector.shape_cast %get3A_1220 : vector<1x16xf32> to vector<16xf32>
          %add3A_1222 = arith.addf %get3A_1217, %get3A_1221 : vector<16xf32>
          %max3A_1223 = arith.constant 0.000000e+00 : f32
          %max3A_1224 = vector.broadcast %max3A_1223 : f32 to vector<16xf32>
          %max3A_1225 = arith.maximumf %add3A_1222, %max3A_1224 : vector<16xf32>
          %swap3A_1226 = arith.index_cast %scan3A_1145 : i32 to index
          %swap3A_1227 = arith.constant 64 : index
          %swap3A_1228 = tpu.vector_load %arg9[%swap3A_1226, %swap3A_1227] {strides = array<i32>} : memref<96x128xf32, #tpu.memory_space<vmem>>, vector<1x16xf32>,
          %swap3A_1229 = vector.shape_cast %swap3A_1228 : vector<1x16xf32> to vector<16xf32>
          %swap3A_1230 = vector.shape_cast %max3A_1225 : vector<16xf32> to vector<1x16xf32>
          tpu.vector_store %arg9[%swap3A_1226, %swap3A_1227], %swap3A_1230 {strides = array<i32>} : memref<96x128xf32, #tpu.memory_space<vmem>>, vector<1x16xf32>,
          %get3A_1231 = arith.index_cast %scan3A_1145 : i32 to index
          %get3A_1232 = arith.constant 80 : index
          %get3A_1233 = tpu.vector_load %arg9[%get3A_1231, %get3A_1232] {strides = array<i32>} : memref<96x128xf32, #tpu.memory_space<vmem>>, vector<1x16xf32>,
          %get3A_1234 = vector.shape_cast %get3A_1233 : vector<1x16xf32> to vector<16xf32>
          %get3A_1235 = arith.index_cast %scan3A_1145 : i32 to index
          %get3A_1236 = arith.constant 80 : index
          %get3A_1237 = tpu.vector_load %arg10[%get3A_1235, %get3A_1236] {strides = array<i32>} : memref<96x128xf32, #tpu.memory_space<vmem>>, vector<1x16xf32>,
          %get3A_1238 = vector.shape_cast %get3A_1237 : vector<1x16xf32> to vector<16xf32>
          %add3A_1239 = arith.addf %get3A_1234, %get3A_1238 : vector<16xf32>
          %max3A_1240 = arith.constant 0.000000e+00 : f32
          %max3A_1241 = vector.broadcast %max3A_1240 : f32 to vector<16xf32>
          %max3A_1242 = arith.maximumf %add3A_1239, %max3A_1241 : vector<16xf32>
          %swap3A_1243 = arith.index_cast %scan3A_1145 : i32 to index
          %swap3A_1244 = arith.constant 80 : index
          %swap3A_1245 = tpu.vector_load %arg9[%swap3A_1243, %swap3A_1244] {strides = array<i32>} : memref<96x128xf32, #tpu.memory_space<vmem>>, vector<1x16xf32>,
          %swap3A_1246 = vector.shape_cast %swap3A_1245 : vector<1x16xf32> to vector<16xf32>
          %swap3A_1247 = vector.shape_cast %max3A_1242 : vector<16xf32> to vector<1x16xf32>
          tpu.vector_store %arg9[%swap3A_1243, %swap3A_1244], %swap3A_1247 {strides = array<i32>} : memref<96x128xf32, #tpu.memory_space<vmem>>, vector<1x16xf32>,
          %get3A_1248 = arith.index_cast %scan3A_1145 : i32 to index
          %get3A_1249 = arith.constant 96 : index
          %get3A_1250 = tpu.vector_load %arg9[%get3A_1248, %get3A_1249] {strides = array<i32>} : memref<96x128xf32, #tpu.memory_space<vmem>>, vector<1x16xf32>,
          %get3A_1251 = vector.shape_cast %get3A_1250 : vector<1x16xf32> to vector<16xf32>
          %get3A_1252 = arith.index_cast %scan3A_1145 : i32 to index
          %get3A_1253 = arith.constant 96 : index
          %get3A_1254 = tpu.vector_load %arg10[%get3A_1252, %get3A_1253] {strides = array<i32>} : memref<96x128xf32, #tpu.memory_space<vmem>>, vector<1x16xf32>,
          %get3A_1255 = vector.shape_cast %get3A_1254 : vector<1x16xf32> to vector<16xf32>
          %add3A_1256 = arith.addf %get3A_1251, %get3A_1255 : vector<16xf32>
          %max3A_1257 = arith.constant 0.000000e+00 : f32
          %max3A_1258 = vector.broadcast %max3A_1257 : f32 to vector<16xf32>
          %max3A_1259 = arith.maximumf %add3A_1256, %max3A_1258 : vector<16xf32>
          %swap3A_1260 = arith.index_cast %scan3A_1145 : i32 to index
          %swap3A_1261 = arith.constant 96 : index
          %swap3A_1262 = tpu.vector_load %arg9[%swap3A_1260, %swap3A_1261] {strides = array<i32>} : memref<96x128xf32, #tpu.memory_space<vmem>>, vector<1x16xf32>,
          %swap3A_1263 = vector.shape_cast %swap3A_1262 : vector<1x16xf32> to vector<16xf32>
          %swap3A_1264 = vector.shape_cast %max3A_1259 : vector<16xf32> to vector<1x16xf32>
          tpu.vector_store %arg9[%swap3A_1260, %swap3A_1261], %swap3A_1264 {strides = array<i32>} : memref<96x128xf32, #tpu.memory_space<vmem>>, vector<1x16xf32>,
          %get3A_1265 = arith.index_cast %scan3A_1145 : i32 to index
          %get3A_1266 = arith.constant 112 : index
          %get3A_1267 = tpu.vector_load %arg9[%get3A_1265, %get3A_1266] {strides = array<i32>} : memref<96x128xf32, #tpu.memory_space<vmem>>, vector<1x16xf32>,
          %get3A_1268 = vector.shape_cast %get3A_1267 : vector<1x16xf32> to vector<16xf32>
          %get3A_1269 = arith.index_cast %scan3A_1145 : i32 to index
          %get3A_1270 = arith.constant 112 : index
          %get3A_1271 = tpu.vector_load %arg10[%get3A_1269, %get3A_1270] {strides = array<i32>} : memref<96x128xf32, #tpu.memory_space<vmem>>, vector<1x16xf32>,
          %get3A_1272 = vector.shape_cast %get3A_1271 : vector<1x16xf32> to vector<16xf32>
          %add3A_1273 = arith.addf %get3A_1268, %get3A_1272 : vector<16xf32>
          %max3A_1274 = arith.constant 0.000000e+00 : f32
          %max3A_1275 = vector.broadcast %max3A_1274 : f32 to vector<16xf32>
          %max3A_1276 = arith.maximumf %add3A_1273, %max3A_1275 : vector<16xf32>
          %swap3A_1277 = arith.index_cast %scan3A_1145 : i32 to index
          %swap3A_1278 = arith.constant 112 : index
          %swap3A_1279 = tpu.vector_load %arg9[%swap3A_1277, %swap3A_1278] {strides = array<i32>} : memref<96x128xf32, #tpu.memory_space<vmem>>, vector<1x16xf32>,
          %swap3A_1280 = vector.shape_cast %swap3A_1279 : vector<1x16xf32> to vector<16xf32>
          %swap3A_1281 = vector.shape_cast %max3A_1276 : vector<16xf32> to vector<1x16xf32>
          tpu.vector_store %arg9[%swap3A_1277, %swap3A_1278], %swap3A_1281 {strides = array<i32>} : memref<96x128xf32, #tpu.memory_space<vmem>>, vector<1x16xf32>,
          %scan3A_1282 = arith.constant 0 : i32
          scf.yield %scan3A_1282 : i32
        }
        %scan3A_1137 = arith.constant 96 : i32
        %dma_start3A_1138 = arith.constant 1 : i32
        %dma_start3A_1139 = arith.constant 0 : i32
        %dma_start3A_1140 = tpu.memref_slice %arg8[%dma_start3A_1138, %dma_start3A_1139] : memref<2x96xi32, #tpu.memory_space<vmem>> -> memref<1x96xi32, #tpu.memory_space<vmem>>
        %dma_start3A_1141 = tpu.memref_squeeze %dma_start3A_1140 : memref<1x96xi32, #tpu.memory_space<vmem>> -> memref<96xi32, #tpu.memory_space<vmem>>
        %dma_start3A_1142 = arith.constant 0 : i32
        %dma_start3A_1143 = arith.constant 0 : i32
        %dma_start3A_1144 = tpu.memref_slice %arg12[%dma_start3A_1142, %dma_start3A_1143] : memref<10112x128xf32, #tpu.memory_space<vmem_shared>> -> memref<10112x128xf32, #tpu.memory_space<vmem_shared>>
        tpu.enqueue_indirect_dma source(%arg9 : memref<96x128xf32, #tpu.memory_space<vmem>>) target(%dma_start3A_1144 : memref<10112x128xf32, #tpu.memory_space<vmem_shared>>) offsets(%dma_start3A_1141 : memref<96xi32, #tpu.memory_space<vmem>>) semaphore(%arg14 : memref<!tpu.dma_semaphore, #tpu.memory_space<semaphore_mem>>) {add = true}
      } else {
      }
      %scan3A_60 = arith.constant 0 : i32
      scf.yield %scan3A_60 : i32
    }
    %scan3A_32 = arith.constant 105 : i32
    %dma_wait3A = arith.constant 0 : i32
    %dma_wait3A_33 = arith.constant 0 : i32
    %dma_wait3A_34 = tpu.memref_slice %arg2[%dma_wait3A, %dma_wait3A_33] : memref<10000x128xf32, #tpu.memory_space<hbm>> -> memref<96x128xf32, #tpu.memory_space<hbm>>
    %dma_wait3A_35 = arith.constant 0 : i32
    %dma_wait3A_36 = arith.constant 0 : i32
    %dma_wait3A_37 = tpu.memref_slice %arg2[%dma_wait3A_35, %dma_wait3A_36] : memref<10000x128xf32, #tpu.memory_space<hbm>> -> memref<96x128xf32, #tpu.memory_space<hbm>>
    tpu.wait_dma2 semaphore(%arg14 : memref<!tpu.dma_semaphore, #tpu.memory_space<semaphore_mem>>) src(%dma_wait3A_37 : memref<96x128xf32, #tpu.memory_space<hbm>>) dst(%arg9 : memref<96x128xf32, #tpu.memory_space<vmem>>)
    %barrier3A_38 = arith.constant 0 : index
    tpu.barrier barrier_id(%barrier3A_38)
    %scan3A_39 = arith.constant 0 : i32
    %scan3A_40 = arith.constant 0 : i32
    %scan3A_41 = arith.constant 9 : i32
    %scan3A_42 = arith.addi %scan3A_40, %scan3A_41 : i32
    %scan3A_43 = arith.constant 1 : i32
    %scan3A_44 = scf.for %scan3A_53 = %scan3A_40 to %scan3A_42 step %scan3A_43 iter_args(%scan3A_54 = %scan3A_39) -> (i32)  : i32 {
      %mul3A_55 = arith.constant 632 : i32
      %mul3A_56 = arith.muli %arg1, %mul3A_55 : i32
      %mul3A_57 = arith.constant 64 : i32
      %mul3A_58 = arith.muli %scan3A_53, %mul3A_57 : i32
      %add3A_59 = arith.addi %mul3A_56, %mul3A_58 : i32
      "tpu.region"() ({
        %run_scoped3A = tpu.sem_alloc : memref<!tpu.dma_semaphore, #tpu.memory_space<semaphore_mem>>
        %dma_start3A = arith.constant 0 : i32
        %dma_start3A_64 = arith.constant 0 : i32
        %dma_start3A_65 = tpu.memref_slice %arg9[%dma_start3A, %dma_start3A_64] : memref<96x128xf32, #tpu.memory_space<vmem>> -> memref<64x128xf32, #tpu.memory_space<vmem>>
        %dma_start3A_66 = arith.constant 0 : i32
        %dma_start3A_67 = tpu.memref_slice %arg12[%add3A_59, %dma_start3A_66] : memref<10112x128xf32, #tpu.memory_space<vmem_shared>> -> memref<64x128xf32, #tpu.memory_space<vmem_shared>>
        %dma_start3A_68 = arith.constant 0 : i32
        %dma_start3A_69 = arith.constant 0 : i32
        %dma_start3A_70 = tpu.memref_slice %arg9[%dma_start3A_68, %dma_start3A_69] : memref<96x128xf32, #tpu.memory_space<vmem>> -> memref<64x128xf32, #tpu.memory_space<vmem>>
        %dma_start3A_71 = arith.constant 0 : i32
        %dma_start3A_72 = tpu.memref_slice %arg12[%add3A_59, %dma_start3A_71] : memref<10112x128xf32, #tpu.memory_space<vmem_shared>> -> memref<64x128xf32, #tpu.memory_space<vmem_shared>>
        tpu.enqueue_dma source(%dma_start3A_72 : memref<64x128xf32, #tpu.memory_space<vmem_shared>>) target(%dma_start3A_70 : memref<64x128xf32, #tpu.memory_space<vmem>>) target_semaphore(%run_scoped3A : memref<!tpu.dma_semaphore, #tpu.memory_space<semaphore_mem>>)
        %dma_wait3A_73 = arith.constant 0 : i32
        %dma_wait3A_74 = arith.constant 0 : i32
        %dma_wait3A_75 = tpu.memref_slice %arg9[%dma_wait3A_73, %dma_wait3A_74] : memref<96x128xf32, #tpu.memory_space<vmem>> -> memref<64x128xf32, #tpu.memory_space<vmem>>
        %dma_wait3A_76 = arith.constant 0 : i32
        %dma_wait3A_77 = tpu.memref_slice %arg12[%add3A_59, %dma_wait3A_76] : memref<10112x128xf32, #tpu.memory_space<vmem_shared>> -> memref<64x128xf32, #tpu.memory_space<vmem_shared>>
        %dma_wait3A_78 = arith.constant 0 : i32
        %dma_wait3A_79 = arith.constant 0 : i32
        %dma_wait3A_80 = tpu.memref_slice %arg9[%dma_wait3A_78, %dma_wait3A_79] : memref<96x128xf32, #tpu.memory_space<vmem>> -> memref<64x128xf32, #tpu.memory_space<vmem>>
        %dma_wait3A_81 = arith.constant 0 : i32
        %dma_wait3A_82 = tpu.memref_slice %arg12[%add3A_59, %dma_wait3A_81] : memref<10112x128xf32, #tpu.memory_space<vmem_shared>> -> memref<64x128xf32, #tpu.memory_space<vmem_shared>>
        tpu.wait_dma2 semaphore(%run_scoped3A : memref<!tpu.dma_semaphore, #tpu.memory_space<semaphore_mem>>) src(%dma_wait3A_82 : memref<64x128xf32, #tpu.memory_space<vmem_shared>>) dst(%dma_wait3A_80 : memref<64x128xf32, #tpu.memory_space<vmem>>)
        tpu.yield
      }) : () -> ()
      %mul3A_60 = arith.constant 10240 : i32
      %mul3A_61 = arith.muli %arg0, %mul3A_60 : i32
      %add3A_62 = arith.addi %mul3A_61, %add3A_59 : i32
      "tpu.region"() ({
        %run_scoped3A = tpu.sem_alloc : memref<!tpu.dma_semaphore, #tpu.memory_space<semaphore_mem>>
        %dma_start3A = arith.constant 0 : i32
        %dma_start3A_64 = arith.constant 0 : i32
        %dma_start3A_65 = tpu.memref_slice %arg9[%dma_start3A, %dma_start3A_64] : memref<96x128xf32, #tpu.memory_space<vmem>> -> memref<64x128xf32, #tpu.memory_space<vmem>>
        %dma_start3A_66 = arith.constant 0 : i32
        %dma_start3A_67 = tpu.memref_slice %arg5[%add3A_62, %dma_start3A_66] : memref<20480x128xf32, #tpu.memory_space<hbm>> -> memref<64x128xf32, #tpu.memory_space<hbm>>
        %dma_start3A_68 = arith.constant 0 : i32
        %dma_start3A_69 = tpu.memref_slice %arg5[%add3A_62, %dma_start3A_68] : memref<20480x128xf32, #tpu.memory_space<hbm>> -> memref<64x128xf32, #tpu.memory_space<hbm>>
        %dma_start3A_70 = arith.constant 0 : i32
        %dma_start3A_71 = arith.constant 0 : i32
        %dma_start3A_72 = tpu.memref_slice %arg9[%dma_start3A_70, %dma_start3A_71] : memref<96x128xf32, #tpu.memory_space<vmem>> -> memref<64x128xf32, #tpu.memory_space<vmem>>
        tpu.enqueue_dma source(%dma_start3A_72 : memref<64x128xf32, #tpu.memory_space<vmem>>) target(%dma_start3A_69 : memref<64x128xf32, #tpu.memory_space<hbm>>) target_semaphore(%run_scoped3A : memref<!tpu.dma_semaphore, #tpu.memory_space<semaphore_mem>>)
        %dma_wait3A_73 = arith.constant 0 : i32
        %dma_wait3A_74 = arith.constant 0 : i32
        %dma_wait3A_75 = tpu.memref_slice %arg9[%dma_wait3A_73, %dma_wait3A_74] : memref<96x128xf32, #tpu.memory_space<vmem>> -> memref<64x128xf32, #tpu.memory_space<vmem>>
        %dma_wait3A_76 = arith.constant 0 : i32
        %dma_wait3A_77 = tpu.memref_slice %arg5[%add3A_62, %dma_wait3A_76] : memref<20480x128xf32, #tpu.memory_space<hbm>> -> memref<64x128xf32, #tpu.memory_space<hbm>>
        %dma_wait3A_78 = arith.constant 0 : i32
        %dma_wait3A_79 = tpu.memref_slice %arg5[%add3A_62, %dma_wait3A_78] : memref<20480x128xf32, #tpu.memory_space<hbm>> -> memref<64x128xf32, #tpu.memory_space<hbm>>
        %dma_wait3A_80 = arith.constant 0 : i32
        %dma_wait3A_81 = arith.constant 0 : i32
        %dma_wait3A_82 = tpu.memref_slice %arg9[%dma_wait3A_80, %dma_wait3A_81] : memref<96x128xf32, #tpu.memory_space<vmem>> -> memref<64x128xf32, #tpu.memory_space<vmem>>
        tpu.wait_dma2 semaphore(%run_scoped3A : memref<!tpu.dma_semaphore, #tpu.memory_space<semaphore_mem>>) src(%dma_wait3A_82 : memref<64x128xf32, #tpu.memory_space<vmem>>) dst(%dma_wait3A_79 : memref<64x128xf32, #tpu.memory_space<hbm>>)
        tpu.yield
      }) : () -> ()
      %scan3A_63 = arith.constant 0 : i32
      scf.yield %scan3A_63 : i32
    }
    %scan3A_45 = arith.constant 9 : i32
    %mul3A_46 = arith.constant 632 : i32
    %mul3A_47 = arith.muli %arg1, %mul3A_46 : i32
    %add3A_48 = arith.constant 576 : i32
    %add3A_49 = arith.addi %mul3A_47, %add3A_48 : i32
    "tpu.region"() ({
      %run_scoped3A = tpu.sem_alloc : memref<!tpu.dma_semaphore, #tpu.memory_space<semaphore_mem>>
      %dma_start3A = arith.constant 0 : i32
      %dma_start3A_53 = arith.constant 0 : i32
      %dma_start3A_54 = tpu.memref_slice %arg9[%dma_start3A, %dma_start3A_53] : memref<96x128xf32, #tpu.memory_space<vmem>> -> memref<56x128xf32, #tpu.memory_space<vmem>>
      %dma_start3A_55 = arith.constant 0 : i32
      %dma_start3A_56 = tpu.memref_slice %arg12[%add3A_49, %dma_start3A_55] : memref<10112x128xf32, #tpu.memory_space<vmem_shared>> -> memref<56x128xf32, #tpu.memory_space<vmem_shared>>
      %dma_start3A_57 = arith.constant 0 : i32
      %dma_start3A_58 = arith.constant 0 : i32
      %dma_start3A_59 = tpu.memref_slice %arg9[%dma_start3A_57, %dma_start3A_58] : memref<96x128xf32, #tpu.memory_space<vmem>> -> memref<56x128xf32, #tpu.memory_space<vmem>>
      %dma_start3A_60 = arith.constant 0 : i32
      %dma_start3A_61 = tpu.memref_slice %arg12[%add3A_49, %dma_start3A_60] : memref<10112x128xf32, #tpu.memory_space<vmem_shared>> -> memref<56x128xf32, #tpu.memory_space<vmem_shared>>
      tpu.enqueue_dma source(%dma_start3A_61 : memref<56x128xf32, #tpu.memory_space<vmem_shared>>) target(%dma_start3A_59 : memref<56x128xf32, #tpu.memory_space<vmem>>) target_semaphore(%run_scoped3A : memref<!tpu.dma_semaphore, #tpu.memory_space<semaphore_mem>>)
      %dma_wait3A_62 = arith.constant 0 : i32
      %dma_wait3A_63 = arith.constant 0 : i32
      %dma_wait3A_64 = tpu.memref_slice %arg9[%dma_wait3A_62, %dma_wait3A_63] : memref<96x128xf32, #tpu.memory_space<vmem>> -> memref<56x128xf32, #tpu.memory_space<vmem>>
      %dma_wait3A_65 = arith.constant 0 : i32
      %dma_wait3A_66 = tpu.memref_slice %arg12[%add3A_49, %dma_wait3A_65] : memref<10112x128xf32, #tpu.memory_space<vmem_shared>> -> memref<56x128xf32, #tpu.memory_space<vmem_shared>>
      %dma_wait3A_67 = arith.constant 0 : i32
      %dma_wait3A_68 = arith.constant 0 : i32
      %dma_wait3A_69 = tpu.memref_slice %arg9[%dma_wait3A_67, %dma_wait3A_68] : memref<96x128xf32, #tpu.memory_space<vmem>> -> memref<56x128xf32, #tpu.memory_space<vmem>>
      %dma_wait3A_70 = arith.constant 0 : i32
      %dma_wait3A_71 = tpu.memref_slice %arg12[%add3A_49, %dma_wait3A_70] : memref<10112x128xf32, #tpu.memory_space<vmem_shared>> -> memref<56x128xf32, #tpu.memory_space<vmem_shared>>
      tpu.wait_dma2 semaphore(%run_scoped3A : memref<!tpu.dma_semaphore, #tpu.memory_space<semaphore_mem>>) src(%dma_wait3A_71 : memref<56x128xf32, #tpu.memory_space<vmem_shared>>) dst(%dma_wait3A_69 : memref<56x128xf32, #tpu.memory_space<vmem>>)
      tpu.yield
    }) : () -> ()
    %mul3A_50 = arith.constant 10240 : i32
    %mul3A_51 = arith.muli %arg0, %mul3A_50 : i32
    %add3A_52 = arith.addi %mul3A_51, %add3A_49 : i32
    "tpu.region"() ({
      %run_scoped3A = tpu.sem_alloc : memref<!tpu.dma_semaphore, #tpu.memory_space<semaphore_mem>>
      %dma_start3A = arith.constant 0 : i32
      %dma_start3A_53 = arith.constant 0 : i32
      %dma_start3A_54 = tpu.memref_slice %arg9[%dma_start3A, %dma_start3A_53] : memref<96x128xf32, #tpu.memory_space<vmem>> -> memref<56x128xf32, #tpu.memory_space<vmem>>
      %dma_start3A_55 = arith.constant 0 : i32
      %dma_start3A_56 = tpu.memref_slice %arg5[%add3A_52, %dma_start3A_55] : memref<20480x128xf32, #tpu.memory_space<hbm>> -> memref<56x128xf32, #tpu.memory_space<hbm>>
      %dma_start3A_57 = arith.constant 0 : i32
      %dma_start3A_58 = tpu.memref_slice %arg5[%add3A_52, %dma_start3A_57] : memref<20480x128xf32, #tpu.memory_space<hbm>> -> memref<56x128xf32, #tpu.memory_space<hbm>>
      %dma_start3A_59 = arith.constant 0 : i32
      %dma_start3A_60 = arith.constant 0 : i32
      %dma_start3A_61 = tpu.memref_slice %arg9[%dma_start3A_59, %dma_start3A_60] : memref<96x128xf32, #tpu.memory_space<vmem>> -> memref<56x128xf32, #tpu.memory_space<vmem>>
      tpu.enqueue_dma source(%dma_start3A_61 : memref<56x128xf32, #tpu.memory_space<vmem>>) target(%dma_start3A_58 : memref<56x128xf32, #tpu.memory_space<hbm>>) target_semaphore(%run_scoped3A : memref<!tpu.dma_semaphore, #tpu.memory_space<semaphore_mem>>)
      %dma_wait3A_62 = arith.constant 0 : i32
      %dma_wait3A_63 = arith.constant 0 : i32
      %dma_wait3A_64 = tpu.memref_slice %arg9[%dma_wait3A_62, %dma_wait3A_63] : memref<96x128xf32, #tpu.memory_space<vmem>> -> memref<56x128xf32, #tpu.memory_space<vmem>>
      %dma_wait3A_65 = arith.constant 0 : i32
      %dma_wait3A_66 = tpu.memref_slice %arg5[%add3A_52, %dma_wait3A_65] : memref<20480x128xf32, #tpu.memory_space<hbm>> -> memref<56x128xf32, #tpu.memory_space<hbm>>
      %dma_wait3A_67 = arith.constant 0 : i32
      %dma_wait3A_68 = tpu.memref_slice %arg5[%add3A_52, %dma_wait3A_67] : memref<20480x128xf32, #tpu.memory_space<hbm>> -> memref<56x128xf32, #tpu.memory_space<hbm>>
      %dma_wait3A_69 = arith.constant 0 : i32
      %dma_wait3A_70 = arith.constant 0 : i32
      %dma_wait3A_71 = tpu.memref_slice %arg9[%dma_wait3A_69, %dma_wait3A_70] : memref<96x128xf32, #tpu.memory_space<vmem>> -> memref<56x128xf32, #tpu.memory_space<vmem>>
      tpu.wait_dma2 semaphore(%run_scoped3A : memref<!tpu.dma_semaphore, #tpu.memory_space<semaphore_mem>>) src(%dma_wait3A_71 : memref<56x128xf32, #tpu.memory_space<vmem>>) dst(%dma_wait3A_68 : memref<56x128xf32, #tpu.memory_space<hbm>>)
      tpu.yield
    }) : () -> ()
    "tpu.region"() ({
      %run_scoped3A = tpu.sem_alloc : memref<!tpu.dma_semaphore, #tpu.memory_space<semaphore_mem>>
      %dma_start3A = arith.constant 0 : i32
      %dma_start3A_53 = tpu.memref_slice %arg11[%dma_start3A] : memref<10256xf32, #tpu.memory_space<vmem>> -> memref<10240xf32, #tpu.memory_space<vmem>>
      %dma_start3A_54 = arith.constant 0 : i32
      %dma_start3A_55 = tpu.memref_slice %arg6[%add3A, %dma_start3A_54] : memref<32x10240xf32, #tpu.memory_space<hbm>> -> memref<1x10240xf32, #tpu.memory_space<hbm>>
      %dma_start3A_56 = tpu.memref_squeeze %dma_start3A_55 : memref<1x10240xf32, #tpu.memory_space<hbm>> -> memref<10240xf32, #tpu.memory_space<hbm>>
      %dma_start3A_57 = arith.constant 0 : i32
      %dma_start3A_58 = tpu.memref_slice %arg6[%add3A, %dma_start3A_57] : memref<32x10240xf32, #tpu.memory_space<hbm>> -> memref<1x10240xf32, #tpu.memory_space<hbm>>
      %dma_start3A_59 = tpu.memref_squeeze %dma_start3A_58 : memref<1x10240xf32, #tpu.memory_space<hbm>> -> memref<10240xf32, #tpu.memory_space<hbm>>
      %dma_start3A_60 = arith.constant 0 : i32
      %dma_start3A_61 = tpu.memref_slice %arg11[%dma_start3A_60] : memref<10256xf32, #tpu.memory_space<vmem>> -> memref<10240xf32, #tpu.memory_space<vmem>>
      tpu.enqueue_dma source(%dma_start3A_61 : memref<10240xf32, #tpu.memory_space<vmem>>) target(%dma_start3A_59 : memref<10240xf32, #tpu.memory_space<hbm>>) target_semaphore(%run_scoped3A : memref<!tpu.dma_semaphore, #tpu.memory_space<semaphore_mem>>)
      %dma_wait3A_62 = arith.constant 0 : i32
      %dma_wait3A_63 = tpu.memref_slice %arg11[%dma_wait3A_62] : memref<10256xf32, #tpu.memory_space<vmem>> -> memref<10240xf32, #tpu.memory_space<vmem>>
      %dma_wait3A_64 = arith.constant 0 : i32
      %dma_wait3A_65 = tpu.memref_slice %arg6[%add3A, %dma_wait3A_64] : memref<32x10240xf32, #tpu.memory_space<hbm>> -> memref<1x10240xf32, #tpu.memory_space<hbm>>
      %dma_wait3A_66 = tpu.memref_squeeze %dma_wait3A_65 : memref<1x10240xf32, #tpu.memory_space<hbm>> -> memref<10240xf32, #tpu.memory_space<hbm>>
      %dma_wait3A_67 = arith.constant 0 : i32
      %dma_wait3A_68 = tpu.memref_slice %arg6[%add3A, %dma_wait3A_67] : memref<32x10240xf32, #tpu.memory_space<hbm>> -> memref<1x10240xf32, #tpu.memory_space<hbm>>
      %dma_wait3A_69 = tpu.memref_squeeze %dma_wait3A_68 : memref<1x10240xf32, #tpu.memory_space<hbm>> -> memref<10240xf32, #tpu.memory_space<hbm>>
      %dma_wait3A_70 = arith.constant 0 : i32
      %dma_wait3A_71 = tpu.memref_slice %arg11[%dma_wait3A_70] : memref<10256xf32, #tpu.memory_space<vmem>> -> memref<10240xf32, #tpu.memory_space<vmem>>
      tpu.wait_dma2 semaphore(%run_scoped3A : memref<!tpu.dma_semaphore, #tpu.memory_space<semaphore_mem>>) src(%dma_wait3A_71 : memref<10240xf32, #tpu.memory_space<vmem>>) dst(%dma_wait3A_69 : memref<10240xf32, #tpu.memory_space<hbm>>)
      tpu.yield
    }) : () -> ()
    return
  }
}

module attributes {stable_mosaic.version = 14 : i64} {
  func.func @_edge_lin_body(%arg0: i32, %arg1: memref<16384x16xf32, #tpu.memory_space<vmem>>, %arg2: memref<16x128xf32, #tpu.memory_space<vmem>>, %arg3: memref<1x128xf32, #tpu.memory_space<vmem>>, %arg4: memref<16384x128xf32, #tpu.memory_space<vmem>>) attributes {dimension_semantics = [#tpu.dimension_semantics<arbitrary>], iteration_bounds = array<i64: 20>, scalar_prefetch = 0 : i64, scratch_operands = 0 : i64, tpu.core_type = #tpu.core_type<tc>, window_params = [{transform_indices = @transform_0, window_bounds = array<i64: 16384, 16>}, {pipeline_mode = #tpu.pipeline_mode<synchronous>, transform_indices = @transform_1, window_bounds = array<i64: 16, 128>}, {pipeline_mode = #tpu.pipeline_mode<synchronous>, transform_indices = @transform_2, window_bounds = array<i64: 1, 128>}, {transform_indices = @transform_3, window_bounds = array<i64: 16384, 128>}]} {
    %get3A = arith.constant 0 : index
    %get3A_0 = arith.constant 0 : index
    %get3A_1 = vector.load %arg1[%get3A, %get3A_0] : memref<16384x16xf32, #tpu.memory_space<vmem>>, vector<16384x16xf32>
    %get3A_2 = arith.constant 0 : index
    %get3A_3 = arith.constant 0 : index
    %get3A_4 = vector.load %arg2[%get3A_2, %get3A_3] : memref<16x128xf32, #tpu.memory_space<vmem>>, vector<16x128xf32>
    %dot_general3A = arith.constant dense<0.000000e+00> : vector<16384x128xf32>
    %dot_general3A_5 = tpu.matmul %get3A_1, %get3A_4, %dot_general3A {dimension_numbers = #tpu.dot_dimension_numbers<[1], [0], [0], [1], [0, 0, 1, 1], [], []>, transpose_lhs_hint = false} : vector<16384x16xf32>, vector<16x128xf32>, vector<16384x128xf32> -> vector<16384x128xf32>
    %get3A_6 = arith.constant 0 : index
    %get3A_7 = arith.constant 0 : index
    %get3A_8 = vector.load %arg3[%get3A_6, %get3A_7] : memref<1x128xf32, #tpu.memory_space<vmem>>, vector<1x128xf32>
    %add3A = vector.broadcast %get3A_8 : vector<1x128xf32> to vector<16384x128xf32>
    %add3A_9 = arith.addf %dot_general3A_5, %add3A : vector<16384x128xf32>
    %swap3A = arith.constant 0 : index
    %swap3A_10 = arith.constant 0 : index
    %swap3A_11 = vector.load %arg4[%swap3A, %swap3A_10] : memref<16384x128xf32, #tpu.memory_space<vmem>>, vector<16384x128xf32>
    tpu.vector_store %arg4[%swap3A, %swap3A_10], %add3A_9 {strides = array<i32>} : memref<16384x128xf32, #tpu.memory_space<vmem>>, vector<16384x128xf32>,
    return
  }
  func.func @transform_0(%arg0: i32) -> (i32, i32) {
    %c0_i32 = arith.constant 0 : i32
    %c0_i32_0 = arith.constant 0 : i32
    return %arg0, %c0_i32 : i32, i32
  }
  func.func @transform_1(%arg0: i32) -> (i32, i32) {
    %c0_i32 = arith.constant 0 : i32
    %c0_i32_0 = arith.constant 0 : i32
    %c0_i32_1 = arith.constant 0 : i32
    return %c0_i32, %c0_i32_0 : i32, i32
  }
  func.func @transform_2(%arg0: i32) -> (i32, i32) {
    %c0_i32 = arith.constant 0 : i32
    %c0_i32_0 = arith.constant 0 : i32
    %c0_i32_1 = arith.constant 0 : i32
    return %c0_i32, %c0_i32_0 : i32, i32
  }
  func.func @transform_3(%arg0: i32) -> (i32, i32) {
    %c0_i32 = arith.constant 0 : i32
    %c0_i32_0 = arith.constant 0 : i32
    return %arg0, %c0_i32 : i32, i32
  }
}

module attributes {stable_mosaic.version = 14 : i64} {
  func.func @_mlp_body(%arg0: i32, %arg1: memref<2560x128xf32, #tpu.memory_space<vmem>>, %arg2: memref<2560x128xf32, #tpu.memory_space<vmem>>, %arg3: memref<2560x128xf32, #tpu.memory_space<vmem>>, %arg4: memref<2560x1xf32, #tpu.memory_space<vmem>>, %arg5: memref<128x128xf32, #tpu.memory_space<vmem>>, %arg6: memref<1x128xf32, #tpu.memory_space<vmem>>, %arg7: memref<128x128xf32, #tpu.memory_space<vmem>>, %arg8: memref<1x128xf32, #tpu.memory_space<vmem>>, %arg9: memref<2560x128xf32, #tpu.memory_space<vmem>>) attributes {dimension_semantics = [#tpu.dimension_semantics<arbitrary>], iteration_bounds = array<i64: 4>, scalar_prefetch = 0 : i64, scratch_operands = 0 : i64, tpu.core_type = #tpu.core_type<tc>, window_params = [{transform_indices = @transform_0, window_bounds = array<i64: 2560, 128>}, {transform_indices = @transform_1, window_bounds = array<i64: 2560, 128>}, {transform_indices = @transform_2, window_bounds = array<i64: 2560, 128>}, {transform_indices = @transform_3, window_bounds = array<i64: 2560, 1>}, {pipeline_mode = #tpu.pipeline_mode<synchronous>, transform_indices = @transform_4, window_bounds = array<i64: 128, 128>}, {pipeline_mode = #tpu.pipeline_mode<synchronous>, transform_indices = @transform_5, window_bounds = array<i64: 1, 128>}, {pipeline_mode = #tpu.pipeline_mode<synchronous>, transform_indices = @transform_6, window_bounds = array<i64: 128, 128>}, {pipeline_mode = #tpu.pipeline_mode<synchronous>, transform_indices = @transform_7, window_bounds = array<i64: 1, 128>}, {transform_indices = @transform_8, window_bounds = array<i64: 2560, 128>}]} {
    %get3A = arith.constant 0 : index
    %get3A_0 = arith.constant 0 : index
    %get3A_1 = vector.load %arg4[%get3A, %get3A_0] : memref<2560x1xf32, #tpu.memory_space<vmem>>, vector<2560x1xf32>
    %max3A = arith.constant 1.000000e+00 : f32
    %max3A_2 = vector.broadcast %max3A : f32 to vector<2560x1xf32>
    %max3A_3 = arith.maximumf %get3A_1, %max3A_2 : vector<2560x1xf32>
    %get3A_4 = arith.constant 0 : index
    %get3A_5 = arith.constant 0 : index
    %get3A_6 = vector.load %arg2[%get3A_4, %get3A_5] : memref<2560x128xf32, #tpu.memory_space<vmem>>, vector<2560x128xf32>
    %get3A_7 = arith.constant 0 : index
    %get3A_8 = arith.constant 0 : index
    %get3A_9 = vector.load %arg3[%get3A_7, %get3A_8] : memref<2560x128xf32, #tpu.memory_space<vmem>>, vector<2560x128xf32>
    %add3A = arith.addf %get3A_6, %get3A_9 : vector<2560x128xf32>
    %div3A = vector.broadcast %max3A_3 : vector<2560x1xf32> to vector<2560x128xf32>
    %div3A_10 = arith.divf %add3A, %div3A : vector<2560x128xf32>
    %get3A_11 = arith.constant 0 : index
    %get3A_12 = arith.constant 0 : index
    %get3A_13 = vector.load %arg1[%get3A_11, %get3A_12] : memref<2560x128xf32, #tpu.memory_space<vmem>>, vector<2560x128xf32>
    %add3A_14 = arith.addf %get3A_13, %div3A_10 : vector<2560x128xf32>
    %get3A_15 = arith.constant 0 : index
    %get3A_16 = arith.constant 0 : index
    %get3A_17 = vector.load %arg5[%get3A_15, %get3A_16] : memref<128x128xf32, #tpu.memory_space<vmem>>, vector<128x128xf32>
    %dot_general3A = arith.constant dense<0.000000e+00> : vector<2560x128xf32>
    %dot_general3A_18 = tpu.matmul %add3A_14, %get3A_17, %dot_general3A {dimension_numbers = #tpu.dot_dimension_numbers<[1], [0], [0], [1], [0, 0, 1, 1], [], []>, transpose_lhs_hint = false} : vector<2560x128xf32>, vector<128x128xf32>, vector<2560x128xf32> -> vector<2560x128xf32>
    %get3A_19 = arith.constant 0 : index
    %get3A_20 = arith.constant 0 : index
    %get3A_21 = vector.load %arg6[%get3A_19, %get3A_20] : memref<1x128xf32, #tpu.memory_space<vmem>>, vector<1x128xf32>
    %add3A_22 = vector.broadcast %get3A_21 : vector<1x128xf32> to vector<2560x128xf32>
    %add3A_23 = arith.addf %dot_general3A_18, %add3A_22 : vector<2560x128xf32>
    %max3A_24 = arith.constant 0.000000e+00 : f32
    %max3A_25 = vector.broadcast %max3A_24 : f32 to vector<2560x128xf32>
    %max3A_26 = arith.maximumf %add3A_23, %max3A_25 : vector<2560x128xf32>
    %get3A_27 = arith.constant 0 : index
    %get3A_28 = arith.constant 0 : index
    %get3A_29 = vector.load %arg7[%get3A_27, %get3A_28] : memref<128x128xf32, #tpu.memory_space<vmem>>, vector<128x128xf32>
    %dot_general3A_30 = arith.constant dense<0.000000e+00> : vector<2560x128xf32>
    %dot_general3A_31 = tpu.matmul %max3A_26, %get3A_29, %dot_general3A_30 {dimension_numbers = #tpu.dot_dimension_numbers<[1], [0], [0], [1], [0, 0, 1, 1], [], []>, transpose_lhs_hint = false} : vector<2560x128xf32>, vector<128x128xf32>, vector<2560x128xf32> -> vector<2560x128xf32>
    %get3A_32 = arith.constant 0 : index
    %get3A_33 = arith.constant 0 : index
    %get3A_34 = vector.load %arg8[%get3A_32, %get3A_33] : memref<1x128xf32, #tpu.memory_space<vmem>>, vector<1x128xf32>
    %add3A_35 = vector.broadcast %get3A_34 : vector<1x128xf32> to vector<2560x128xf32>
    %add3A_36 = arith.addf %dot_general3A_31, %add3A_35 : vector<2560x128xf32>
    %swap3A = arith.constant 0 : index
    %swap3A_37 = arith.constant 0 : index
    %swap3A_38 = vector.load %arg9[%swap3A, %swap3A_37] : memref<2560x128xf32, #tpu.memory_space<vmem>>, vector<2560x128xf32>
    tpu.vector_store %arg9[%swap3A, %swap3A_37], %add3A_36 {strides = array<i32>} : memref<2560x128xf32, #tpu.memory_space<vmem>>, vector<2560x128xf32>,
    return
  }
  func.func @transform_0(%arg0: i32) -> (i32, i32) {
    %c0_i32 = arith.constant 0 : i32
    %c0_i32_0 = arith.constant 0 : i32
    return %arg0, %c0_i32 : i32, i32
  }
  func.func @transform_1(%arg0: i32) -> (i32, i32) {
    %c0_i32 = arith.constant 0 : i32
    %c0_i32_0 = arith.constant 0 : i32
    return %arg0, %c0_i32 : i32, i32
  }
  func.func @transform_2(%arg0: i32) -> (i32, i32) {
    %add3A = arith.constant 4 : i32
    %add3A_0 = arith.addi %arg0, %add3A : i32
    %c0_i32 = arith.constant 0 : i32
    %c0_i32_1 = arith.constant 0 : i32
    return %add3A_0, %c0_i32 : i32, i32
  }
  func.func @transform_3(%arg0: i32) -> (i32, i32) {
    %c0_i32 = arith.constant 0 : i32
    %c0_i32_0 = arith.constant 0 : i32
    return %arg0, %c0_i32 : i32, i32
  }
  func.func @transform_4(%arg0: i32) -> (i32, i32) {
    %c0_i32 = arith.constant 0 : i32
    %c0_i32_0 = arith.constant 0 : i32
    %c0_i32_1 = arith.constant 0 : i32
    return %c0_i32, %c0_i32_0 : i32, i32
  }
  func.func @transform_5(%arg0: i32) -> (i32, i32) {
    %c0_i32 = arith.constant 0 : i32
    %c0_i32_0 = arith.constant 0 : i32
    %c0_i32_1 = arith.constant 0 : i32
    return %c0_i32, %c0_i32_0 : i32, i32
  }
  func.func @transform_6(%arg0: i32) -> (i32, i32) {
    %c0_i32 = arith.constant 0 : i32
    %c0_i32_0 = arith.constant 0 : i32
    %c0_i32_1 = arith.constant 0 : i32
    return %c0_i32, %c0_i32_0 : i32, i32
  }
  func.func @transform_7(%arg0: i32) -> (i32, i32) {
    %c0_i32 = arith.constant 0 : i32
    %c0_i32_0 = arith.constant 0 : i32
    %c0_i32_1 = arith.constant 0 : i32
    return %c0_i32, %c0_i32_0 : i32, i32
  }
  func.func @transform_8(%arg0: i32) -> (i32, i32) {
    %c0_i32 = arith.constant 0 : i32
    %c0_i32_0 = arith.constant 0 : i32
    return %arg0, %c0_i32 : i32, i32
  }
}

</mosaic_0001>

<sc_bundles>
// kernel: kernel.5.cloned.1.call-start
scs
__scs_entry_jumppad:
0x0: {  	(pc) =	sbr.rel $0x88, $3  }
0x1: {  	(tag) =	ssettag $0x0;
	lr =	simm.s32 $0x1  }
0x2: {  	[smem:$0x3F98] =	sst lr;
	_ =	strace $0xD0000000  }
0x3: {  	_ = 	snop  }
0x4: {  	_ = 	snop  }
0x5: {  	_ = 	snop  }
0x6: {  	_ = 	snop  }
0x7: {  	_ = 	snop  }
__scs_overlays_trampoline_lowered:
0x8: {  	[smem:$0x3FA7] =	sst s0  }
0x9: {  	[smem:$0x3FA8] =	sst s1  }
0xa: {  	[smem:$0x3FA9] =	sst s2  }
0xb: {  	[smem:$0x3FAA] =	sst s3  }
0xc: {  	[smem:$0x3FAB] =	sst s4  }
0xd: {  	[smem:$0x3FAC] =	sst s5  }
0xe: {  	[smem:$0x3FAD] =	sst s6  }
0xf: {  	[smem:$0x3FAE] =	sst s7  }
0x10: {  	[smem:$0x3FAF] =	sst s8  }
0x11: {  	[smem:$0x3FB0] =	sst s9;
	s0 =	simm.s32 @!p0 $0x0  }
0x12: {  	s1 =	sld [smem:$0x3F96];
	s0 =	simm.s32 @p0 $0x1  }
0x13: {  	[smem:$0x3FB1] =	sst s0;
	s0 =	simm.s32 @!p1 $0x0  }
0x14: {  	s2 =	sld [smem:$0x3F95];
	s0 =	simm.s32 @p1 $0x1  }
0x15: {  	[smem:$0x3FB2] =	sst s0;
	s0 =	simm.s32 @!p2 $0x0  }
0x16: {  	s3 =	sld [smem:$0x3FDB];
	s0 =	simm.s32 @p2 $0x1  }
0x17: {  	s4 =	simm.s32 $0x1BF5;
	[smem:$0x3FB4] =	sst s0  }
0x18: {  	s0 =	sld [smem:$0x3F97];
	_ =	swait.ge [sflag:s4], $0x0  }
0x19: {  	s7 =	sld [smem:$0x3F98]  }
0x1a: {  	s8 =	sadd.s32 $0xFFFFE003, lr  }
0x1b: {  	s9 =	sadd.s32 $0xFFFFFEF7, lr;
	s5 =	simm.s32 $0xFFFFFFFF;
	p2 =	slt.u32 s8, $0xFFFFF086  }
0x1c: {  	p1 =	slt.u32 s9, $0xF7A;
	s5 =	simm.s32 @!p2 $0x0  }
0x1d: {  	s5 =	simm.s32 @p1 $0x1;
	p0 =	seq.s32 s7, s2  }
0x1e: {  	s7 =	smul.u32 @!p0 $0xF7A, s2;
	p2 =	seq.s32 @!p0 s5, $0x0  }
0x1f: {  	s9 =	smul.u32 $0xF7A, s1;
	s8 =	simm.s32 @!p0 $0x1BF5;
	p2 =	por !p2, p0  }
0x20: {  	[sflag:s8] =	ssyncset.s32 @!p0 $0xFFFFF086;
	s6 =	sadd.s32 @!p0 s3, s7;
	s7 =	simm.s32 @!p0 $0x108  }
0x21: {  	s3 =	sadd.s32 s3, s9;
	s6 =	sadd.s32 @!p0 $0x88, s6;
	s7 =	simm.s32 @p2 $0x1082  }
0x22: {  	[simem:s7], [sflag:s8] =	dma.local @!p0 [hbm:s6], $0xF7A  }
0x23: {  	s9 =	sor.u32 $0xD0000000, s2;
	s6 =	simm.s32 $0x108;
	_ =	swait.ge @!p0 [sflag:s8], $0x0  }
0x24: {  	s3 =	sadd.s32 $0x88, s3;
	s6 =	simm.s32 @!p1 $0x1082;
	[sflag:s4] =	ssyncset.s32 $0xFFFFF086  }
0x25: {  	[simem:s6], [sflag:s4] =	dma.local [hbm:s3], $0xF7A  }
0x26: {  	[smem:$0x3F98] =	sst s1;
	(tag) =	ssettag s2;
	_ =	strace s9  }
0x27: {  	s1 =	sld [smem:$0x3FA8]  }
0x28: {  	s2 =	sld [smem:$0x3FA9]  }
0x29: {  	s4 =	sld [smem:$0x3FAB]  }
0x2a: {  	p0 =	seq.s32 s5, $0x0;
	s5 =	sld [smem:$0x3FAC]  }
0x2b: {  	s6 =	sld [smem:$0x3FAD]  }
0x2c: {  	s7 =	sld [smem:$0x3FAE]  }
0x2d: {  	s3 =	simm.s32 $0x108;
	s8 =	sld [smem:$0x3FAF]  }
0x2e: {  	s3 =	simm.s32 @!p0 $0x1082;
	s9 =	sld [smem:$0x3FB0]  }
0x2f: {  	lr =	sadd.s32 s0, s3;
	s0 =	sld [smem:$0x3FA7]  }
0x30: {  	s3 =	sld [smem:$0x3FAA]  }
0x31: {  	[smem:$0x3FB3] =	sst s10  }
0x32: {  	s10 =	sld [smem:$0x3FB1];
	_ =	sdelay $0x3  }
0x33: {  	p0 =	seq.s32 s10, $0x1;
	s10 =	sld [smem:$0x3FB3];
	_ =	sdelay $0x3  }
0x34: {  	[smem:$0x3FB3] =	sst s10  }
0x35: {  	s10 =	sld [smem:$0x3FB2];
	_ =	sdelay $0x3  }
0x36: {  	p1 =	seq.s32 s10, $0x1;
	s10 =	sld [smem:$0x3FB3];
	_ =	sdelay $0x3  }
0x37: {  	[smem:$0x3FB3] =	sst s10  }
0x38: {  	s10 =	sld [smem:$0x3FB4]  }
0x39: {  	_ = 	snop;
	(pc) =	sbr.ind lr, $3  }
0x3a: {  	_ = 	snop  }
0x3b: {  	_ = 	snop  }
0x3c: {  	p2 =	seq.s32 s10, $0x1;
	s10 =	sld [smem:$0x3FB3]  }
0x3d: {  	_ =	shalt  }
0x3e: {  	_ =	shalt  }
0x3f: {  	_ =	shalt  }
0x40: {  	_ =	shalt  }
0x41: {  	_ =	shalt  }
0x42: {  	_ =	shalt  }
0x43: {  	_ =	shalt  }
0x44: {  	_ =	shalt  }
0x45: {  	_ =	shalt  }
0x46: {  	_ =	shalt  }
0x47: {  	_ =	shalt  }
0x48: {  	_ =	shalt  }
0x49: {  	_ =	shalt  }
0x4a: {  	_ =	shalt  }
0x4b: {  	_ =	shalt  }
0x4c: {  	_ =	shalt  }
0x4d: {  	_ =	shalt  }
0x4e: {  	_ =	shalt  }
0x4f: {  	_ =	shalt  }
0x50: {  	_ =	shalt  }
0x51: {  	_ =	shalt  }
0x52: {  	_ =	shalt  }
0x53: {  	_ =	shalt  }
0x54: {  	_ =	shalt  }
0x55: {  	_ =	shalt  }
0x56: {  	_ =	shalt  }
0x57: {  	_ =	shalt  }
0x58: {  	_ =	shalt  }
0x59: {  	_ =	shalt  }
0x5a: {  	_ =	shalt  }
0x5b: {  	_ =	shalt  }
0x5c: {  	_ =	shalt  }
0x5d: {  	_ =	shalt  }
0x5e: {  	_ =	shalt  }
0x5f: {  	_ =	shalt  }
0x60: {  	_ =	shalt  }
0x61: {  	_ =	shalt  }
0x62: {  	_ =	shalt  }
0x63: {  	_ =	shalt  }
0x64: {  	_ =	shalt  }
0x65: {  	_ =	shalt  }
0x66: {  	_ =	shalt  }
0x67: {  	_ =	shalt  }
0x68: {  	_ =	shalt  }
0x69: {  	_ =	shalt  }
0x6a: {  	_ =	shalt  }
0x6b: {  	_ =	shalt  }
0x6c: {  	_ =	shalt  }
0x6d: {  	_ =	shalt  }
0x6e: {  	_ =	shalt  }
0x6f: {  	_ =	shalt  }
0x70: {  	_ =	shalt  }
0x71: {  	_ =	shalt  }
0x72: {  	_ =	shalt  }
0x73: {  	_ =	shalt  }
0x74: {  	_ =	shalt  }
0x75: {  	_ =	shalt  }
0x76: {  	_ =	shalt  }
0x77: {  	_ =	shalt  }
0x78: {  	_ =	shalt  }
0x79: {  	_ =	shalt  }
0x7a: {  	_ =	shalt  }
0x7b: {  	_ =	shalt  }
0x7c: {  	_ =	shalt  }
0x7d: {  	_ =	shalt  }
0x7e: {  	_ =	shalt  }
0x7f: {  	_ =	shalt  }
0x80: {  	_ =	shalt  }
0x81: {  	_ =	shalt  }
0x82: {  	_ =	shalt  }
0x83: {  	_ =	shalt  }
0x84: {  	_ =	shalt  }
0x85: {  	_ =	shalt  }
0x86: {  	_ =	shalt  }
0x87: {  	_ =	shalt  }
.Lfunc_end0:
.L_simem_size_0:
called_computation_lowered:
.L_overlay_start_0:
0x88: {  	s2 =	sld [smem:$0x3FD9]  }
0x89: {  	s3 =	sld [smem:$0x3FFE];
	_ =	sdelay $0x1  }
0x8a: {  	s1 =	srdreg.scid  }
0x8b: {  	s0 =	sand.u32 $0x1, s1  }
0x8c: {  	s17 =	sshll.u32 s0, $0xA;
	s2 =	sadd.s32 s3, s2  }
0x8d: {  	s2 =	sadd.s32 s2, s17  }
0x8e: {  	[smem:$0x3FBF] =	sst s2  }
0x8f: {  	_ = 	snop  }
0x90: {  	s2 =	sld [smem:$0x3FC9]  }
0x91: {  	s18 =	sld [smem:$0x3FD0];
	(tm) =	ssettm $0x1  }
0x92: {  	s4 =	sld [smem:$0x3FFB];
	_ =	sdelay $0x3  }
0x93: {  	_ =	strace s4  }
0x94: {  	s4 =	sld [smem:$0x3FFC];
	_ =	sdelay $0x3  }
0x95: {  	_ =	strace s4  }
0x96: {  	s4 =	sld [smem:$0x3FFD];
	_ =	sdelay $0x3  }
0x97: {  	_ =	strace s4  }
0x98: {  	_ =	strace $0x8FFFFFFF  }
0x99: {  	s19 =	sld [smem:$0x3FDB];
	_ =	sdelay $0x1  }
0x9a: {  	s5 =	simm.s32 $_scs_section_size  }
0x9b: {  	s6 =	simm.s32 $_size__tile_overlayer_lowered;
	s7 =	simm.s32 $_tile_overlayer_lowered  }
0x9c: {  	s22 =	simm.s32 $0x1BFF;
	s21 =	sshll.u32 s7, $0x1;
	s4 =	sadd.s32 s5, s19  }
0x9d: {  	s8 =	simm.s32 $0x0;
	s20 =	sshll.u32 s6, $0x1;
	s6 =	sadd.s32 s21, s4  }
0x9e: {  	[timem:s8], [sflag:s22] =	dma.local [hbm:s6], s20  }
0x9f: {  	_ =	swait.ge [sflag:s22], s20  }
0xa0: {  	s5 =	ssub.s32 $0x0, s20;
	[sflag:s22] =	ssyncset.done $0x0  }
0xa1: {  	[sflag:s22] =	ssyncadd.s32 s5;
	_ =	sdelay $0x1  }
0xa2: {  	s23 =	simm.s32 $0x1B8B  }
0xa3: {  	_ =	swait.ge [sflag:s23], $0x1  }
0xa4: {  	[sflag:s23] =	ssyncset.done $0x0  }
0xa5: {  	s25 =	simm.s32 $0x1B8E;
	s24 =	sld [smem:$0x3FFE];
	[sflag:s23] =	ssyncadd.s32 $0xFFFFFFFF  }
0xa6: {  	s26 =	simm.s32 $execute0_lowered;
	[smem:$0x3FD2] =	sst s25  }
0xa7: {  	s6 =	sshll.u32 s26, $0x1;
	_ =	strace $0x80000046;
	[dreg:$0x1] =	wrdreg $0xFFFFFFFF  }
0xa8: {  	s28 =	simm.s32 $_size_execute0_lowered;
	s4 =	sadd.s32 s4, s6;
	[dreg:$0x0] =	wrdreg $0x0  }
0xa9: {  	s6 =	sshll.u32 s28, $0x1;
	[dreg:$0x2] =	wrdreg s4  }
0xaa: {  	[dreg:$0x3] =	wrdreg s6  }
0xab: {  	[dreg:$0x4] =	wrdreg $0xC0  }
0xac: {  	_ =	task [dreg:s8], $0x5FFFF  }
0xad: {  	[dreg:$0x1] =	wrdreg $0xFFFFFFFF  }
0xae: {  	[dreg:$0x0] =	wrdreg $0x60  }
0xaf: {  	[dreg:$0x2] =	wrdreg s2  }
0xb0: {  	[dreg:$0x3] =	wrdreg s18  }
0xb1: {  	[dreg:$0x4] =	wrdreg s24  }
0xb2: {  	[dreg:$0x5] =	wrdreg $0x8A800  }
0xb3: {  	[dreg:$0x6] =	wrdreg $0x9  }
0xb4: {  	_ =	task.clear_ibuf [dreg:s8], $0x7FFFF;
	_ =	strace $0x90000046  }
0xb5: {  	s29 =	simm.s32 $0x9;
	_ =	strace $0x80000048  }
0xb6: {  	_ =	swait.ge [sflag:s29], $0x1  }
0xb7: {  	[sflag:s29] =	ssyncadd.s32 $0xFFFFFFFF  }
0xb8: {  	_ =	strace $0x90000048  }
0xb9: {  	_ =	sfence  }
0xba: {  	s30 =	sld [smem:$0x0];
	_ =	sdelay $0x2  }
0xbb: {  	s31 =	sshll.u32 s1, $0xD;
	s1 =	sshrl.u32 s1, $0x2  }
0xbc: {  	s3 =	sand.u32 $0x4000, s31;
	s1 =	sadd.s32 s1, s30  }
0xbd: {  	s0 =	sor.u32 s3, s0;
	s1 =	sshll.u32 s1, $0x11  }
0xbe: {  	s0 =	sor.u32 s1, s0  }
0xbf: {  	s0 =	sadd.s32 $0x8F2B, s0  }
0xc0: {  	[sflag:s0] =	ssyncadd.remote.s32 $0x1  }
0xc1: {  	_ =	sfence.sel $0xFFFF  }
0xc2: {  	[dreg:$0x0] =	wrdreg $0xFFFFFFFF;
	(pc) =	sbr.abs _section_cstart, $3  }
0xc3: {  	[dreg:$0x1] =	wrdreg $0xFFFFFFFF  }
0xc4: {  	_ =	task.clear_ibuf [dreg:s8], $0x2FFFF;
	_ =	strace $0x9FFFFFFF  }
0xc5: {  	(tm) =	ssettm $0x7FFFFFFF  }
tec
execute0_lowered:
.L_overlay_start_1:
0x0: {  	(tag) =	ssettag $0x1  }
0x1: {  	s1 =	rddreg [dreg:$0x0]  }
0x2: {  	s0 =	rddreg [dreg:$0x2];
	s3 =	srdreg.scid  }
0x3: {  	s2 =	simm.s32 $0x0;
	s17 =	stileid.u32;
	s4 =	sand.u32 $0x1, s3  }
0x4: {  	s23 =	sshll.u32 s17, $0x1;
	s5 =	sshrl.u32 s17, $0x2;
	s8 =	smul.u32 $0x278, s17  }
0x5: {  	[smem:$0x7FF] =	sst s2;
	s6 =	sadd.s32 $0xA800, s0;
	s5 =	smul.u32 $0x14000, s5  }
0x6: {  	s3 =	sor.u32 s4, s23;
	s9 =	ssub.s32 $0x2, s4;
	s4 =	smul.u32 $0x2800, s4  }
0x7: {  	s7 =	sshll.u32 s3, $0x7;
	s24 =	sshrl.u32 s9, $0x1;
	s10 =	sadd.s32 $0x240, s8  }
0x8: {  	s12 =	sadd.s32 $0x40, s8;
	s14 =	sadd.s32 $0xC0, s8;
	s16 =	sadd.s32 $0x100, s8  }
0x9: {  	s20 =	sadd.s32 $0x140, s8;
	s21 =	sadd.s32 $0x180, s8;
	s7 =	sand.u32 $0x380, s7  }
0xa: {  	s25 =	sadd.s32 s4, s10;
	s11 =	sadd.s32 s4, s8;
	s28 =	sadd.s32 s4, s12  }
0xb: {  	s13 =	sadd.s32 s4, s14;
	s18 =	sadd.s32 s4, s16;
	s19 =	sadd.s32 s4, s20  }
0xc: {  	s22 =	sadd.s32 s4, s21;
	s14 =	sshll.u32 s14, $0x7;
	s16 =	sshll.u32 s16, $0x7  }
0xd: {  	s20 =	sshll.u32 s20, $0x7;
	s5 =	sor.u32 s5, s7;
	s7 =	ssub.s32 s9, s24  }
0xe: {  	s9 =	sshll.u32 s25, $0x4;
	s11 =	sshll.u32 s11, $0x4;
	s13 =	sshll.u32 s13, $0x4  }
0xf: {  	s25 =	smul.u32 $0x4F000, s17;
	s17 =	sadd.s32 $0x9E2800, s0;
	s9 =	sadd.s32 s6, s9  }
0x10: {  	s26 =	sadd.s32 s6, s11;
	s11 =	sadd.s32 $0x80, s8;
	s15 =	sadd.s32 s6, s13  }
0x11: {  	s13 =	sshll.u32 s22, $0x4;
	s22 =	sadd.s32 $0x1C0, s8;
	[dreg:$0x5] =	wrdreg s9  }
0x12: {  	s8 =	sadd.s32 $0x200, s8;
	[dreg:$0x6] =	wrdreg s26;
	s9 =	sshll.u32 s28, $0x4  }
0x13: {  	s29 =	sadd.s32 s4, s11;
	[dreg:$0x9] =	wrdreg s15;
	s23 =	sadd.s32 s6, s13  }
0x14: {  	s24 =	sadd.s32 s4, s22;
	s13 =	rddreg [dreg:$0x1];
	s4 =	sadd.s32 s4, s8  }
0x15: {  	s15 =	rddreg [dreg:$0x3];
	s26 =	sshrl.u32 s5, $0x3;
	s28 =	sshrl.u32 s25, $0x2  }
0x16: {  	s25 =	sshll.u32 s21, $0x7;
	s21 =	simm.s32 $0x1;
	s9 =	sadd.s32 s6, s9  }
0x17: {  	[dreg:$0xc] =	wrdreg s23;
	s4 =	sshll.u32 s4, $0x4;
	s23 =	sadd.s32 s16, s15  }
0x18: {  	s16 =	simm.s32 $0x60;
	[dreg:$0x7] =	wrdreg s9;
	s9 =	sshll.u32 s29, $0x4  }
0x19: {  	s4 =	sadd.s32 s6, s4;
	s29 =	sshll.u32 s10, $0x7;
	s10 =	sshll.u32 s11, $0x7  }
0x1a: {  	s11 =	smax.u32 s7, $0x1;
	s9 =	sadd.s32 s6, s9;
	[dreg:$0xe] =	wrdreg s4  }
0x1b: {  	s4 =	sadd.s32 s26, s0;
	[dreg:$0x8] =	wrdreg s9;
	s9 =	sshll.u32 s18, $0x4  }
0x1c: {  	s26 =	sshll.u32 s22, $0x7;
	s18 =	sadd.s32 s28, s15;
	s9 =	sadd.s32 s6, s9  }
0x1d: {  	s28 =	sshll.u32 s8, $0x7;
	[dreg:$0xa] =	wrdreg s9;
	s9 =	sshll.u32 s19, $0x4  }
0x1e: {  	s22 =	simm.s32 $0x180;
	s30 =	sadd.s32 s28, s15;
	s9 =	sadd.s32 s6, s9  }
0x1f: {  	s31 =	sadd.s32 $0x2000, s18;
	[dreg:$0xb] =	wrdreg s9;
	s9 =	sshll.u32 s24, $0x4  }
0x20: {  	s5 =	sadd.s32 $0xA000, s18;
	s7 =	sadd.s32 $0xE000, s18;
	s9 =	sadd.s32 s6, s9  }
0x21: {  	s8 =	sadd.s32 $0x10000, s18;
	s6 =	sadd.s32 $0x800, s4;
	[dreg:$0xd] =	wrdreg s9  }
0x22: {  	s19 =	sadd.s32 s29, s15;
	_ =	strace $0x80000047;
	[dreg:$0xf] =	wrdreg s6  }
0x23: {  	s9 =	sshll.u32 s12, $0x7;
	s12 =	sadd.s32 s10, s15;
	[dreg:$0x10] =	wrdreg s11  }
0x24: {  	s29 =	sadd.s32 s26, s15;
	s24 =	sadd.s32 s20, s15;
	[dreg:$0x12] =	wrdreg s12  }
0x25: {  	s20 =	simm.s32 $0x4;
	s4 =	sadd.s32 $0x8000, s18;
	[dreg:$0x14] =	wrdreg s23  }
0x26: {  	s10 =	simm.s32 $0x5;
	s0 =	sadd.s32 s9, s15;
	[dreg:$0x15] =	wrdreg s24  }
.Ltmp0:
0x27: {  	[dreg:$0x17] =	wrdreg s29;
	s12 =	sadd.s32 $0x4000, s18;
	(pc) =	sbr.rel .LBB2_1-.Ltmp0, $4  }
0x28: {  	s6 =	sadd.s32 $0xC000, s18;
	s9 =	simm.s32 $0x200;
	s11 =	simm.s32 $0x3200  }
0x29: {  	s23 =	simm.s32 $0x2;
	[dreg:$0x11] =	wrdreg s0;
	s0 =	sadd.s32 s14, s15  }
0x2a: {  	v0 =	vimm.f32 $0.0e+00;
	vm0 =	vcmask $0x300;
	s24 =	simm.s32 $0x0;
	[dreg:$0x13] =	wrdreg s0;
	s0 =	sadd.s32 s25, s15  }
0x2b: {  	v1 =	vsel vm0, $0x3F800000, v0;
	s14 =	simm.s32 $0x3;
	[dreg:$0x16] =	wrdreg s0;
	s0 =	sadd.s32 $0x6000, s18  }
.LBB2_11:
0x2c: {  	_ =	swait.ge [sflag:s23], $0x3000  }
0x2d: {  	[sflag:s23] =	ssyncset.done $0x0  }
0x2e: {  	[sflag:s23] =	ssyncadd.s32 $0xFFFFD000  }
0x2f: {  	[bflag:$0x0] =	sbarrier.arrive $0xFFFF  }
0x30: {  	[tilespmem:s9], [sflag:$0x5] =	stream.linear.gather [spmem:s18], $0x2000, $0x38;
	[tilespmem:$0x1C680] =	vst v63  }
0x31: {  	_ =	swait.ge [sflag:s10], $0x2000  }
0x32: {  	[sflag:s10] =	ssyncset.done $0x0  }
0x33: {  	s25 =	rddreg [dreg:$0x6];
	[sflag:s10] =	ssyncadd.s32 $0xFFFFE000  }
0x34: {  	[hbm4b:s25+s2] =	stream.linear.scatter [tilespmem:s9], [sflag:$0x5], $0x2000, $0x38;
	[tilespmem:$0x1C680] =	vst v63  }
0x35: {  	_ =	swait.ge [sflag:s10], $0x2000  }
0x36: {  	[sflag:s10] =	ssyncset.done $0x0  }
0x37: {  	s28 =	rddreg [dreg:$0x11];
	[sflag:s10] =	ssyncadd.s32 $0xFFFFE000  }
0x38: {  	[tilespmem:s9], [sflag:$0x5] =	stream.linear.gather [spmem:s28], $0x2000, $0x38;
	[tilespmem:$0x1C680] =	vst v63  }
0x39: {  	_ =	swait.ge [sflag:s10], $0x2000  }
0x3a: {  	[sflag:s10] =	ssyncset.done $0x0  }
0x3b: {  	s29 =	rddreg [dreg:$0x7];
	[sflag:s10] =	ssyncadd.s32 $0xFFFFE000  }
0x3c: {  	[hbm4b:s29+s2] =	stream.linear.scatter [tilespmem:s9], [sflag:$0x5], $0x2000, $0x38;
	[tilespmem:$0x1C680] =	vst v63  }
0x3d: {  	_ =	swait.ge [sflag:s10], $0x2000  }
0x3e: {  	[sflag:s10] =	ssyncset.done $0x0  }
0x3f: {  	s26 =	rddreg [dreg:$0x12];
	[sflag:s10] =	ssyncadd.s32 $0xFFFFE000  }
0x40: {  	[tilespmem:s9], [sflag:$0x5] =	stream.linear.gather [spmem:s26], $0x2000, $0x38;
	[tilespmem:$0x1C680] =	vst v63  }
0x41: {  	_ =	swait.ge [sflag:s10], $0x2000  }
0x42: {  	[sflag:s10] =	ssyncset.done $0x0  }
0x43: {  	s28 =	rddreg [dreg:$0x8];
	[sflag:s10] =	ssyncadd.s32 $0xFFFFE000  }
0x44: {  	[hbm4b:s28+s2] =	stream.linear.scatter [tilespmem:s9], [sflag:$0x5], $0x2000, $0x38;
	[tilespmem:$0x1C680] =	vst v63  }
0x45: {  	_ =	swait.ge [sflag:s10], $0x2000  }
0x46: {  	[sflag:s10] =	ssyncset.done $0x0  }
0x47: {  	s29 =	rddreg [dreg:$0x13];
	[sflag:s10] =	ssyncadd.s32 $0xFFFFE000  }
0x48: {  	[tilespmem:s9], [sflag:$0x5] =	stream.linear.gather [spmem:s29], $0x2000, $0x38;
	[tilespmem:$0x1C680] =	vst v63  }
0x49: {  	_ =	swait.ge [sflag:s10], $0x2000  }
0x4a: {  	[sflag:s10] =	ssyncset.done $0x0  }
0x4b: {  	s26 =	rddreg [dreg:$0x9];
	[sflag:s10] =	ssyncadd.s32 $0xFFFFE000  }
0x4c: {  	[hbm4b:s26+s2] =	stream.linear.scatter [tilespmem:s9], [sflag:$0x5], $0x2000, $0x38;
	[tilespmem:$0x1C680] =	vst v63  }
0x4d: {  	_ =	swait.ge [sflag:s10], $0x2000  }
0x4e: {  	[sflag:s10] =	ssyncset.done $0x0  }
0x4f: {  	s28 =	rddreg [dreg:$0x14];
	[sflag:s10] =	ssyncadd.s32 $0xFFFFE000  }
0x50: {  	[tilespmem:s9], [sflag:$0x5] =	stream.linear.gather [spmem:s28], $0x2000, $0x38;
	[tilespmem:$0x1C680] =	vst v63  }
0x51: {  	_ =	swait.ge [sflag:s10], $0x2000  }
0x52: {  	[sflag:s10] =	ssyncset.done $0x0  }
0x53: {  	s29 =	rddreg [dreg:$0xa];
	[sflag:s10] =	ssyncadd.s32 $0xFFFFE000  }
0x54: {  	[hbm4b:s29+s2] =	stream.linear.scatter [tilespmem:s9], [sflag:$0x5], $0x2000, $0x38;
	[tilespmem:$0x1C680] =	vst v63  }
0x55: {  	_ =	swait.ge [sflag:s10], $0x2000  }
0x56: {  	[sflag:s10] =	ssyncset.done $0x0  }
0x57: {  	s26 =	rddreg [dreg:$0x15];
	[sflag:s10] =	ssyncadd.s32 $0xFFFFE000  }
0x58: {  	[tilespmem:s9], [sflag:$0x5] =	stream.linear.gather [spmem:s26], $0x2000, $0x38;
	[tilespmem:$0x1C680] =	vst v63  }
0x59: {  	_ =	swait.ge [sflag:s10], $0x2000  }
0x5a: {  	[sflag:s10] =	ssyncset.done $0x0  }
0x5b: {  	s28 =	rddreg [dreg:$0xb];
	[sflag:s10] =	ssyncadd.s32 $0xFFFFE000  }
0x5c: {  	[hbm4b:s28+s2] =	stream.linear.scatter [tilespmem:s9], [sflag:$0x5], $0x2000, $0x38;
	[tilespmem:$0x1C680] =	vst v63  }
0x5d: {  	_ =	swait.ge [sflag:s10], $0x2000  }
0x5e: {  	[sflag:s10] =	ssyncset.done $0x0  }
0x5f: {  	s29 =	rddreg [dreg:$0x16];
	[sflag:s10] =	ssyncadd.s32 $0xFFFFE000  }
0x60: {  	[tilespmem:s9], [sflag:$0x5] =	stream.linear.gather [spmem:s29], $0x2000, $0x38;
	[tilespmem:$0x1C680] =	vst v63  }
0x61: {  	_ =	swait.ge [sflag:s10], $0x2000  }
0x62: {  	[sflag:s10] =	ssyncset.done $0x0  }
0x63: {  	s26 =	rddreg [dreg:$0xc];
	[sflag:s10] =	ssyncadd.s32 $0xFFFFE000  }
0x64: {  	[hbm4b:s26+s2] =	stream.linear.scatter [tilespmem:s9], [sflag:$0x5], $0x2000, $0x38;
	[tilespmem:$0x1C680] =	vst v63  }
0x65: {  	_ =	swait.ge [sflag:s10], $0x2000  }
0x66: {  	[sflag:s10] =	ssyncset.done $0x0  }
0x67: {  	s28 =	rddreg [dreg:$0x17];
	[sflag:s10] =	ssyncadd.s32 $0xFFFFE000  }
0x68: {  	[tilespmem:s9], [sflag:$0x5] =	stream.linear.gather [spmem:s28], $0x2000, $0x38;
	[tilespmem:$0x1C680] =	vst v63  }
0x69: {  	_ =	swait.ge [sflag:s10], $0x2000  }
0x6a: {  	[sflag:s10] =	ssyncset.done $0x0  }
0x6b: {  	s29 =	rddreg [dreg:$0xd];
	[sflag:s10] =	ssyncadd.s32 $0xFFFFE000  }
0x6c: {  	[hbm4b:s29+s2] =	stream.linear.scatter [tilespmem:s9], [sflag:$0x5], $0x2000, $0x38;
	[tilespmem:$0x1C680] =	vst v63  }
0x6d: {  	_ =	swait.ge [sflag:s10], $0x2000  }
0x6e: {  	[sflag:s10] =	ssyncset.done $0x0  }
0x6f: {  	[sflag:s10] =	ssyncadd.s32 $0xFFFFE000  }
0x70: {  	[tilespmem:s9], [sflag:$0x5] =	stream.linear.gather [spmem:s30], $0x2000, $0x38;
	[tilespmem:$0x1C680] =	vst v63  }
0x71: {  	_ =	swait.ge [sflag:s10], $0x2000  }
0x72: {  	[sflag:s10] =	ssyncset.done $0x0  }
0x73: {  	s26 =	rddreg [dreg:$0xe];
	[sflag:s10] =	ssyncadd.s32 $0xFFFFE000  }
0x74: {  	[hbm4b:s26+s2] =	stream.linear.scatter [tilespmem:s9], [sflag:$0x5], $0x2000, $0x38;
	[tilespmem:$0x1C680] =	vst v63  }
0x75: {  	_ =	swait.ge [sflag:s10], $0x2000  }
0x76: {  	[sflag:s10] =	ssyncset.done $0x0  }
0x77: {  	[sflag:s10] =	ssyncadd.s32 $0xFFFFE000  }
0x78: {  	[tilespmem:s9], [sflag:$0x5] =	stream.linear.gather [spmem:s19], $0x1C00, $0x38;
	[tilespmem:$0x1C680] =	vst v63  }
0x79: {  	_ =	swait.ge [sflag:s10], $0x1C00  }
0x7a: {  	[sflag:s10] =	ssyncset.done $0x0  }
0x7b: {  	s28 =	rddreg [dreg:$0x5];
	[sflag:s10] =	ssyncadd.s32 $0xFFFFE400  }
0x7c: {  	[hbm4b:s28+s2] =	stream.linear.scatter [tilespmem:s9], [sflag:$0x5], $0x1C00, $0x38;
	[tilespmem:$0x1C680] =	vst v63  }
0x7d: {  	_ =	swait.ge [sflag:s10], $0x1C00  }
0x7e: {  	s29 =	simm.s32 $0x6200;
	s26 =	simm.s32 $0x80;
	[sflag:s10] =	ssyncset.done $0x0  }
0x7f: {  	s28 =	simm.s32 $0x400;
	s25 =	rddreg [dreg:$0xf];
	[sflag:s10] =	ssyncadd.s32 $0xFFFFE400  }
0x80: {  	[hbm4b:s25+s26] =	stream.strided.scatter [tilespmem:s29], [sflag:$0x5], $0x2800, s28, s26, $0x38;
	[tilespmem:$0x1C680] =	vst v63  }
0x81: {  	_ =	swait.ge [sflag:s10], $0x2800  }
0x82: {  	s24 =	sadd.s32 $0x1, s24;
	s29 =	rddreg [dreg:$0x10]  }
0x83: {  	p0 =	sne.s32 s24, s29  }
.Ltmp1:
0x84: {  	_ = 	snop;
	(pc) =	sbr.rel @!p0 .LBB2_12-.Ltmp1, $3  }
0x85: {  	_ =	sdelay $0x1  }
0x86: {  	[sflag:s10] =	ssyncset.done $0x0  }
0x87: {  	[sflag:s10] =	ssyncadd.s32 $0xFFFFD800  }
.LBB2_1:
0x88: {  	s25 =	simm.s32 $0x0  }
.LBB2_2:
0x89: {  	p0 =	sne.s32 s25, $0xA000  }
.Ltmp2:
0x8a: {  	_ = 	snop;
	(pc) =	sbr.rel @p0 .LBB2_2-.Ltmp2, $3  }
0x8b: {  	_ =	sdelay $0x1  }
0x8c: {  	s26 =	sshra.s32 s25, $0x2  }
0x8d: {  	s25 =	sadd.s32 $0x40, s25;
	[tilespmem:s26+$0x6200] =	vst v0  }
0x8e: {  	s25 =	simm.s32 $0x0;
	s26 =	simm.s32 $0x200  }
.LBB2_4:
0x8f: {  	p0 =	sne.s32 s26, $0xBE00;
	[tilespmem:s25+$0x270] =	vst v0  }
0x90: {  	[tilespmem:s25+$0x200] =	vst v0  }
0x91: {  	[tilespmem:s25+$0x210] =	vst v0  }
.Ltmp3:
0x92: {  	[tilespmem:s25+$0x220] =	vst v0;
	(pc) =	sbr.rel @p0 .LBB2_4-.Ltmp3, $4  }
0x93: {  	[tilespmem:s25+$0x230] =	vst v0  }
0x94: {  	[tilespmem:s25+$0x240] =	vst v0  }
0x95: {  	[tilespmem:s25+$0x250] =	vst v0  }
0x96: {  	[tilespmem:s25+$0x260] =	vst v0;
	s25 =	sshra.s32 s26, $0x2;
	s26 =	sadd.s32 $0x200, s26  }
0x97: {  	[tilespmem:s25+$0x270] =	vst v0  }
0x98: {  	[tilespmem:s25+$0x200] =	vst v0  }
0x99: {  	[tilespmem:s25+$0x210] =	vst v0  }
0x9a: {  	[tilespmem:s25+$0x220] =	vst v0  }
0x9b: {  	[tilespmem:s25+$0x230] =	vst v0  }
0x9c: {  	[tilespmem:s25+$0x240] =	vst v0  }
0x9d: {  	[tilespmem:s25+$0x250] =	vst v0  }
0x9e: {  	[tilespmem:s25+$0x260] =	vst v0  }
0x9f: {  	[spmem:s18] =	stream.linear.scatter [tilespmem:s9], [sflag:$0x5], $0x2000, $0x38;
	[tilespmem:$0x1C680] =	vst v63  }
0xa0: {  	_ =	swait.ge [sflag:s10], $0x2000  }
0xa1: {  	[sflag:s10] =	ssyncset.done $0x0  }
0xa2: {  	[sflag:s10] =	ssyncadd.s32 $0xFFFFE000  }
0xa3: {  	[spmem:s31] =	stream.linear.scatter [tilespmem:s9], [sflag:$0x5], $0x2000, $0x38;
	[tilespmem:$0x1C680] =	vst v63  }
0xa4: {  	_ =	swait.ge [sflag:s10], $0x2000  }
0xa5: {  	[sflag:s10] =	ssyncset.done $0x0  }
0xa6: {  	[sflag:s10] =	ssyncadd.s32 $0xFFFFE000  }
0xa7: {  	[spmem:s12] =	stream.linear.scatter [tilespmem:s9], [sflag:$0x5], $0x2000, $0x38;
	[tilespmem:$0x1C680] =	vst v63  }
0xa8: {  	_ =	swait.ge [sflag:s10], $0x2000  }
0xa9: {  	[sflag:s10] =	ssyncset.done $0x0  }
0xaa: {  	[sflag:s10] =	ssyncadd.s32 $0xFFFFE000  }
0xab: {  	[spmem:s0] =	stream.linear.scatter [tilespmem:s9], [sflag:$0x5], $0x2000, $0x38;
	[tilespmem:$0x1C680] =	vst v63  }
0xac: {  	_ =	swait.ge [sflag:s10], $0x2000  }
0xad: {  	[sflag:s10] =	ssyncset.done $0x0  }
0xae: {  	[sflag:s10] =	ssyncadd.s32 $0xFFFFE000  }
0xaf: {  	[spmem:s4] =	stream.linear.scatter [tilespmem:s9], [sflag:$0x5], $0x2000, $0x38;
	[tilespmem:$0x1C680] =	vst v63  }
0xb0: {  	_ =	swait.ge [sflag:s10], $0x2000  }
0xb1: {  	[sflag:s10] =	ssyncset.done $0x0  }
0xb2: {  	[sflag:s10] =	ssyncadd.s32 $0xFFFFE000  }
0xb3: {  	[spmem:s5] =	stream.linear.scatter [tilespmem:s9], [sflag:$0x5], $0x2000, $0x38;
	[tilespmem:$0x1C680] =	vst v63  }
0xb4: {  	_ =	swait.ge [sflag:s10], $0x2000  }
0xb5: {  	[sflag:s10] =	ssyncset.done $0x0  }
0xb6: {  	[sflag:s10] =	ssyncadd.s32 $0xFFFFE000  }
0xb7: {  	[spmem:s6] =	stream.linear.scatter [tilespmem:s9], [sflag:$0x5], $0x2000, $0x38;
	[tilespmem:$0x1C680] =	vst v63  }
0xb8: {  	_ =	swait.ge [sflag:s10], $0x2000  }
0xb9: {  	[sflag:s10] =	ssyncset.done $0x0  }
0xba: {  	[sflag:s10] =	ssyncadd.s32 $0xFFFFE000  }
0xbb: {  	[spmem:s7] =	stream.linear.scatter [tilespmem:s9], [sflag:$0x5], $0x2000, $0x38;
	[tilespmem:$0x1C680] =	vst v63  }
0xbc: {  	_ =	swait.ge [sflag:s10], $0x2000  }
0xbd: {  	[sflag:s10] =	ssyncset.done $0x0  }
0xbe: {  	[sflag:s10] =	ssyncadd.s32 $0xFFFFE000  }
0xbf: {  	[spmem:s8] =	stream.linear.scatter [tilespmem:s9], [sflag:$0x5], $0x2000, $0x38;
	[tilespmem:$0x1C680] =	vst v63  }
0xc0: {  	_ =	swait.ge [sflag:s10], $0x2000  }
0xc1: {  	[sflag:s10] =	ssyncset.done $0x0  }
0xc2: {  	[sflag:s10] =	ssyncadd.s32 $0xFFFFE000  }
0xc3: {  	[spmem:s19] =	stream.linear.scatter [tilespmem:s9], [sflag:$0x5], $0x1C00, $0x38;
	[tilespmem:$0x1C680] =	vst v63  }
.Ltmp4:
0xc4: {  	_ =	swait.ge [sflag:s10], $0x1C00;
	(pc) =	sbr.rel .LBB2_6-.Ltmp4, $4  }
0xc5: {  	[sflag:s10] =	ssyncset.done $0x0  }
0xc6: {  	[sflag:s10] =	ssyncadd.s32 $0xFFFFE400  }
0xc7: {  	[bflag:$0x0] =	sbarrier.arrive $0xFFFF  }
0xc8: {  	s25 =	simm.s32 $0x0  }
.LBB2_10:
0xc9: {  	s25 =	sadd.s32 $0x1, s25  }
0xca: {  	p0 =	sne.s32 s25, $0x69  }
.Ltmp5:
0xcb: {  	_ = 	snop;
	(pc) =	sbr.rel @!p0 .LBB2_11-.Ltmp5, $1  }
0xcc: {  	_ =	sdelay $0x3  }
.LBB2_6:
0xcd: {  	s26 =	sshll.u32 s25, $0x5  }
0xce: {  	s26 =	sor.u32 s3, s26  }
0xcf: {  	p0 =	sgt.u32 s26, $0xD05  }
.Ltmp6:
0xd0: {  	_ = 	snop;
	(pc) =	sbr.rel @p0 .LBB2_10-.Ltmp6, $1  }
0xd1: {  	_ =	sdelay $0x3  }
0xd2: {  	s28 =	sshll.u32 s26, $0x5  }
0xd3: {  	s29 =	smul.u32 $0x600, s26;
	s28 =	sadd.s32 s13, s28  }
0xd4: {  	[tilespmem:s2], [sflag:$0x3] =	stream.linear.gather [hbm4b:s28+s2], $0x100, $0x38;
	[tilespmem:$0x1C680] =	vst v63  }
0xd5: {  	p0 =	seq.s32 s25, $0x0;
	s26 =	sadd.s32 s17, s29  }
0xd6: {  	[tilespmem:s11], [sflag:$0x4] =	stream.linear.gather [hbm4b:s26+s2], $0x3000, $0x38;
	[tilespmem:$0x1C680] =	vst v63  }
0xd7: {  	s26 =	simm.s32 @!p0 $0x2  }
0xd8: {  	_ =	swait.ge @!p0 [sflag:s26], $0x3000  }
0xd9: {  	[sflag:s26] =	ssyncset.done @!p0 $0x0  }
0xda: {  	[sflag:s26] =	ssyncadd.s32 @!p0 $0xFFFFD000  }
0xdb: {  	_ =	swait.ge [sflag:s14], $0x100  }
0xdc: {  	[sflag:s14] =	ssyncset.done $0x0  }
0xdd: {  	s29 =	simm.s32 $0x0;
	[sflag:s14] =	ssyncadd.s32 $0xFFFFFF00  }
0xde: {  	[tilespmem:s9], [sflag:$0x1] =	stream.indirect.gather [hbm4b:s1+s16], $0x80, s29, s16, $0xb8;
	[tilespmem:$0x1C680] =	vst v63  }
0xdf: {  	v2 =	vld [tilespmem:$0x80];
	_ =	sdelay $0x4  }
0xe0: {  	v3 =	vadd.s32 $0x6200, v2  }
0xe1: {  	(v2sf) =	vpush v3, $0x1  }
0xe2: {  	(v2sf) =	vpush v3, $0x0;
	_ =	sdelay $0xd  }
0xe3: {  	s29 =	spop (v2sf)  }
0xe4: {  	[tilespmem:$0x180] =	vst v2;
	(v2sf) =	vpush v3, $0x3;
	s28 =	spop (v2sf)  }
0xe5: {  	(v2sf) =	vpush v3, $0x2;
	v2 =	vld [tilespmem:s28+$0x0];
	_ =	sdelay $0x4  }
0xe6: {  	v2 =	vadd.f32 v1, v2;
	_ =	sdelay $0x1  }
0xe7: {  	[tilespmem:s28+$0x0] =	vst v2  }
0xe8: {  	v2 =	vld [tilespmem:s29+$0x0];
	_ =	sdelay $0x4  }
0xe9: {  	v2 =	vadd.f32 v1, v2  }
0xea: {  	s28 =	spop (v2sf)  }
0xeb: {  	(v2sf) =	vpush v3, $0x5;
	[tilespmem:s29+$0x0] =	vst v2;
	s29 =	spop (v2sf)  }
0xec: {  	(v2sf) =	vpush v3, $0x4;
	v2 =	vld [tilespmem:s29+$0x0];
	_ =	sdelay $0x4  }
0xed: {  	v2 =	vadd.f32 v1, v2;
	_ =	sdelay $0x1  }
0xee: {  	[tilespmem:s29+$0x0] =	vst v2  }
0xef: {  	v2 =	vld [tilespmem:s28+$0x0];
	_ =	sdelay $0x4  }
0xf0: {  	v2 =	vadd.f32 v1, v2  }
0xf1: {  	s29 =	spop (v2sf)  }
0xf2: {  	(v2sf) =	vpush v3, $0x7;
	[tilespmem:s28+$0x0] =	vst v2;
	s28 =	spop (v2sf)  }
0xf3: {  	(v2sf) =	vpush v3, $0x6;
	v2 =	vld [tilespmem:s28+$0x0];
	_ =	sdelay $0x4  }
0xf4: {  	v2 =	vadd.f32 v1, v2;
	_ =	sdelay $0x1  }
0xf5: {  	[tilespmem:s28+$0x0] =	vst v2  }
0xf6: {  	v2 =	vld [tilespmem:s29+$0x0];
	_ =	sdelay $0x4  }
0xf7: {  	v2 =	vadd.f32 v1, v2  }
0xf8: {  	s28 =	spop (v2sf)  }
0xf9: {  	(v2sf) =	vpush v3, $0x9;
	[tilespmem:s29+$0x0] =	vst v2;
	s29 =	spop (v2sf)  }
0xfa: {  	(v2sf) =	vpush v3, $0x8;
	v2 =	vld [tilespmem:s29+$0x0];
	_ =	sdelay $0x4  }
0xfb: {  	v2 =	vadd.f32 v1, v2;
	_ =	sdelay $0x1  }
0xfc: {  	[tilespmem:s29+$0x0] =	vst v2  }
0xfd: {  	v2 =	vld [tilespmem:s28+$0x0];
	_ =	sdelay $0x4  }
0xfe: {  	v2 =	vadd.f32 v1, v2  }
0xff: {  	s29 =	spop (v2sf)  }
0x100: {  	(v2sf) =	vpush v3, $0xB;
	[tilespmem:s28+$0x0] =	vst v2;
	s28 =	spop (v2sf)  }
0x101: {  	(v2sf) =	vpush v3, $0xA;
	v2 =	vld [tilespmem:s28+$0x0];
	_ =	sdelay $0x4  }
0x102: {  	v2 =	vadd.f32 v1, v2;
	_ =	sdelay $0x1  }
0x103: {  	[tilespmem:s28+$0x0] =	vst v2  }
0x104: {  	v2 =	vld [tilespmem:s29+$0x0];
	_ =	sdelay $0x4  }
0x105: {  	v2 =	vadd.f32 v1, v2  }
0x106: {  	s28 =	spop (v2sf)  }
0x107: {  	(v2sf) =	vpush v3, $0xD;
	[tilespmem:s29+$0x0] =	vst v2;
	s29 =	spop (v2sf)  }
0x108: {  	(v2sf) =	vpush v3, $0xC;
	v2 =	vld [tilespmem:s29+$0x0];
	_ =	sdelay $0x4  }
0x109: {  	v2 =	vadd.f32 v1, v2;
	_ =	sdelay $0x1  }
0x10a: {  	[tilespmem:s29+$0x0] =	vst v2  }
0x10b: {  	v2 =	vld [tilespmem:s28+$0x0];
	_ =	sdelay $0x4  }
0x10c: {  	v2 =	vadd.f32 v1, v2  }
0x10d: {  	s29 =	spop (v2sf)  }
0x10e: {  	(v2sf) =	vpush v3, $0xF;
	[tilespmem:s28+$0x0] =	vst v2;
	s28 =	spop (v2sf)  }
0x10f: {  	(v2sf) =	vpush v3, $0xE;
	v2 =	vld [tilespmem:s28+$0x0];
	_ =	sdelay $0x4  }
0x110: {  	v2 =	vadd.f32 v1, v2;
	_ =	sdelay $0x1  }
0x111: {  	[tilespmem:s28+$0x0] =	vst v2  }
0x112: {  	v2 =	vld [tilespmem:s29+$0x0];
	_ =	sdelay $0x4  }
0x113: {  	v2 =	vadd.f32 v1, v2  }
0x114: {  	s28 =	spop (v2sf)  }
0x115: {  	[tilespmem:s29+$0x0] =	vst v2;
	s29 =	spop (v2sf)  }
0x116: {  	v2 =	vld [tilespmem:s29+$0x0];
	_ =	sdelay $0x4  }
0x117: {  	v2 =	vadd.f32 v1, v2;
	_ =	sdelay $0x1  }
0x118: {  	[tilespmem:s29+$0x0] =	vst v2  }
0x119: {  	v2 =	vld [tilespmem:s28+$0x0];
	_ =	sdelay $0x4  }
0x11a: {  	v2 =	vadd.f32 v1, v2;
	_ =	sdelay $0x1  }
0x11b: {  	[tilespmem:s28+$0x0] =	vst v2  }
0x11c: {  	v2 =	vld [tilespmem:$0x90];
	_ =	sdelay $0x4  }
0x11d: {  	v3 =	vadd.s32 $0x6200, v2  }
0x11e: {  	(v2sf) =	vpush v3, $0x1  }
0x11f: {  	(v2sf) =	vpush v3, $0x0;
	_ =	sdelay $0xd  }
0x120: {  	s29 =	spop (v2sf)  }
0x121: {  	[tilespmem:$0x190] =	vst v2;
	(v2sf) =	vpush v3, $0x3;
	s28 =	spop (v2sf)  }
0x122: {  	(v2sf) =	vpush v3, $0x2;
	v2 =	vld [tilespmem:s28+$0x0];
	_ =	sdelay $0x4  }
0x123: {  	v2 =	vadd.f32 v1, v2;
	_ =	sdelay $0x1  }
0x124: {  	[tilespmem:s28+$0x0] =	vst v2  }
0x125: {  	v2 =	vld [tilespmem:s29+$0x0];
	_ =	sdelay $0x4  }
0x126: {  	v2 =	vadd.f32 v1, v2  }
0x127: {  	s28 =	spop (v2sf)  }
0x128: {  	(v2sf) =	vpush v3, $0x5;
	[tilespmem:s29+$0x0] =	vst v2;
	s29 =	spop (v2sf)  }
0x129: {  	(v2sf) =	vpush v3, $0x4;
	v2 =	vld [tilespmem:s29+$0x0];
	_ =	sdelay $0x4  }
0x12a: {  	v2 =	vadd.f32 v1, v2;
	_ =	sdelay $0x1  }
0x12b: {  	[tilespmem:s29+$0x0] =	vst v2  }
0x12c: {  	v2 =	vld [tilespmem:s28+$0x0];
	_ =	sdelay $0x4  }
0x12d: {  	v2 =	vadd.f32 v1, v2  }
0x12e: {  	s29 =	spop (v2sf)  }
0x12f: {  	(v2sf) =	vpush v3, $0x7;
	[tilespmem:s28+$0x0] =	vst v2;
	s28 =	spop (v2sf)  }
0x130: {  	(v2sf) =	vpush v3, $0x6;
	v2 =	vld [tilespmem:s28+$0x0];
	_ =	sdelay $0x4  }
0x131: {  	v2 =	vadd.f32 v1, v2;
	_ =	sdelay $0x1  }
0x132: {  	[tilespmem:s28+$0x0] =	vst v2  }
0x133: {  	v2 =	vld [tilespmem:s29+$0x0];
	_ =	sdelay $0x4  }
0x134: {  	v2 =	vadd.f32 v1, v2  }
0x135: {  	s28 =	spop (v2sf)  }
0x136: {  	(v2sf) =	vpush v3, $0x9;
	[tilespmem:s29+$0x0] =	vst v2;
	s29 =	spop (v2sf)  }
0x137: {  	(v2sf) =	vpush v3, $0x8;
	v2 =	vld [tilespmem:s29+$0x0];
	_ =	sdelay $0x4  }
0x138: {  	v2 =	vadd.f32 v1, v2;
	_ =	sdelay $0x1  }
0x139: {  	[tilespmem:s29+$0x0] =	vst v2  }
0x13a: {  	v2 =	vld [tilespmem:s28+$0x0];
	_ =	sdelay $0x4  }
0x13b: {  	v2 =	vadd.f32 v1, v2  }
0x13c: {  	s29 =	spop (v2sf)  }
0x13d: {  	(v2sf) =	vpush v3, $0xB;
	[tilespmem:s28+$0x0] =	vst v2;
	s28 =	spop (v2sf)  }
0x13e: {  	(v2sf) =	vpush v3, $0xA;
	v2 =	vld [tilespmem:s28+$0x0];
	_ =	sdelay $0x4  }
0x13f: {  	v2 =	vadd.f32 v1, v2;
	_ =	sdelay $0x1  }
0x140: {  	[tilespmem:s28+$0x0] =	vst v2  }
0x141: {  	v2 =	vld [tilespmem:s29+$0x0];
	_ =	sdelay $0x4  }
0x142: {  	v2 =	vadd.f32 v1, v2  }
0x143: {  	s28 =	spop (v2sf)  }
0x144: {  	(v2sf) =	vpush v3, $0xD;
	[tilespmem:s29+$0x0] =	vst v2;
	s29 =	spop (v2sf)  }
0x145: {  	(v2sf) =	vpush v3, $0xC;
	v2 =	vld [tilespmem:s29+$0x0];
	_ =	sdelay $0x4  }
0x146: {  	v2 =	vadd.f32 v1, v2;
	_ =	sdelay $0x1  }
0x147: {  	[tilespmem:s29+$0x0] =	vst v2  }
0x148: {  	v2 =	vld [tilespmem:s28+$0x0];
	_ =	sdelay $0x4  }
0x149: {  	v2 =	vadd.f32 v1, v2  }
0x14a: {  	s29 =	spop (v2sf)  }
0x14b: {  	(v2sf) =	vpush v3, $0xF;
	[tilespmem:s28+$0x0] =	vst v2;
	s28 =	spop (v2sf)  }
0x14c: {  	(v2sf) =	vpush v3, $0xE;
	v2 =	vld [tilespmem:s28+$0x0];
	_ =	sdelay $0x4  }
0x14d: {  	v2 =	vadd.f32 v1, v2;
	_ =	sdelay $0x1  }
0x14e: {  	[tilespmem:s28+$0x0] =	vst v2  }
0x14f: {  	v2 =	vld [tilespmem:s29+$0x0];
	_ =	sdelay $0x4  }
0x150: {  	v2 =	vadd.f32 v1, v2  }
0x151: {  	s28 =	spop (v2sf)  }
0x152: {  	[tilespmem:s29+$0x0] =	vst v2;
	s29 =	spop (v2sf)  }
0x153: {  	v2 =	vld [tilespmem:s29+$0x0];
	_ =	sdelay $0x4  }
0x154: {  	v2 =	vadd.f32 v1, v2;
	_ =	sdelay $0x1  }
0x155: {  	[tilespmem:s29+$0x0] =	vst v2  }
0x156: {  	v2 =	vld [tilespmem:s28+$0x0];
	_ =	sdelay $0x4  }
0x157: {  	v2 =	vadd.f32 v1, v2;
	_ =	sdelay $0x1  }
0x158: {  	[tilespmem:s28+$0x0] =	vst v2  }
0x159: {  	v2 =	vld [tilespmem:$0xA0];
	_ =	sdelay $0x4  }
0x15a: {  	v3 =	vadd.s32 $0x6200, v2  }
0x15b: {  	(v2sf) =	vpush v3, $0x1  }
0x15c: {  	(v2sf) =	vpush v3, $0x0;
	_ =	sdelay $0xd  }
0x15d: {  	s29 =	spop (v2sf)  }
0x15e: {  	[tilespmem:$0x1A0] =	vst v2;
	(v2sf) =	vpush v3, $0x3;
	s28 =	spop (v2sf)  }
0x15f: {  	(v2sf) =	vpush v3, $0x2;
	v2 =	vld [tilespmem:s28+$0x0];
	_ =	sdelay $0x4  }
0x160: {  	v2 =	vadd.f32 v1, v2;
	_ =	sdelay $0x1  }
0x161: {  	[tilespmem:s28+$0x0] =	vst v2  }
0x162: {  	v2 =	vld [tilespmem:s29+$0x0];
	_ =	sdelay $0x4  }
0x163: {  	v2 =	vadd.f32 v1, v2  }
0x164: {  	s28 =	spop (v2sf)  }
0x165: {  	(v2sf) =	vpush v3, $0x5;
	[tilespmem:s29+$0x0] =	vst v2;
	s29 =	spop (v2sf)  }
0x166: {  	(v2sf) =	vpush v3, $0x4;
	v2 =	vld [tilespmem:s29+$0x0];
	_ =	sdelay $0x4  }
0x167: {  	v2 =	vadd.f32 v1, v2;
	_ =	sdelay $0x1  }
0x168: {  	[tilespmem:s29+$0x0] =	vst v2  }
0x169: {  	v2 =	vld [tilespmem:s28+$0x0];
	_ =	sdelay $0x4  }
0x16a: {  	v2 =	vadd.f32 v1, v2  }
0x16b: {  	s29 =	spop (v2sf)  }
0x16c: {  	(v2sf) =	vpush v3, $0x7;
	[tilespmem:s28+$0x0] =	vst v2;
	s28 =	spop (v2sf)  }
0x16d: {  	(v2sf) =	vpush v3, $0x6;
	v2 =	vld [tilespmem:s28+$0x0];
	_ =	sdelay $0x4  }
0x16e: {  	v2 =	vadd.f32 v1, v2;
	_ =	sdelay $0x1  }
0x16f: {  	[tilespmem:s28+$0x0] =	vst v2  }
0x170: {  	v2 =	vld [tilespmem:s29+$0x0];
	_ =	sdelay $0x4  }
0x171: {  	v2 =	vadd.f32 v1, v2  }
0x172: {  	s28 =	spop (v2sf)  }
0x173: {  	(v2sf) =	vpush v3, $0x9;
	[tilespmem:s29+$0x0] =	vst v2;
	s29 =	spop (v2sf)  }
0x174: {  	(v2sf) =	vpush v3, $0x8;
	v2 =	vld [tilespmem:s29+$0x0];
	_ =	sdelay $0x4  }
0x175: {  	v2 =	vadd.f32 v1, v2;
	_ =	sdelay $0x1  }
0x176: {  	[tilespmem:s29+$0x0] =	vst v2  }
0x177: {  	v2 =	vld [tilespmem:s28+$0x0];
	_ =	sdelay $0x4  }
0x178: {  	v2 =	vadd.f32 v1, v2  }
0x179: {  	s29 =	spop (v2sf)  }
0x17a: {  	(v2sf) =	vpush v3, $0xB;
	[tilespmem:s28+$0x0] =	vst v2;
	s28 =	spop (v2sf)  }
0x17b: {  	(v2sf) =	vpush v3, $0xA;
	v2 =	vld [tilespmem:s28+$0x0];
	_ =	sdelay $0x4  }
0x17c: {  	v2 =	vadd.f32 v1, v2;
	_ =	sdelay $0x1  }
0x17d: {  	[tilespmem:s28+$0x0] =	vst v2  }
0x17e: {  	v2 =	vld [tilespmem:s29+$0x0];
	_ =	sdelay $0x4  }
0x17f: {  	v2 =	vadd.f32 v1, v2  }
0x180: {  	s28 =	spop (v2sf)  }
0x181: {  	(v2sf) =	vpush v3, $0xD;
	[tilespmem:s29+$0x0] =	vst v2;
	s29 =	spop (v2sf)  }
0x182: {  	(v2sf) =	vpush v3, $0xC;
	v2 =	vld [tilespmem:s29+$0x0];
	_ =	sdelay $0x4  }
0x183: {  	v2 =	vadd.f32 v1, v2;
	_ =	sdelay $0x1  }
0x184: {  	[tilespmem:s29+$0x0] =	vst v2  }
0x185: {  	v2 =	vld [tilespmem:s28+$0x0];
	_ =	sdelay $0x4  }
0x186: {  	v2 =	vadd.f32 v1, v2  }
0x187: {  	s29 =	spop (v2sf)  }
0x188: {  	(v2sf) =	vpush v3, $0xF;
	[tilespmem:s28+$0x0] =	vst v2;
	s28 =	spop (v2sf)  }
0x189: {  	(v2sf) =	vpush v3, $0xE;
	v2 =	vld [tilespmem:s28+$0x0];
	_ =	sdelay $0x4  }
0x18a: {  	v2 =	vadd.f32 v1, v2;
	_ =	sdelay $0x1  }
0x18b: {  	[tilespmem:s28+$0x0] =	vst v2  }
0x18c: {  	v2 =	vld [tilespmem:s29+$0x0];
	_ =	sdelay $0x4  }
0x18d: {  	v2 =	vadd.f32 v1, v2  }
0x18e: {  	s28 =	spop (v2sf)  }
0x18f: {  	[tilespmem:s29+$0x0] =	vst v2;
	s29 =	spop (v2sf)  }
0x190: {  	v2 =	vld [tilespmem:s29+$0x0];
	_ =	sdelay $0x4  }
0x191: {  	v2 =	vadd.f32 v1, v2;
	_ =	sdelay $0x1  }
0x192: {  	[tilespmem:s29+$0x0] =	vst v2  }
0x193: {  	v2 =	vld [tilespmem:s28+$0x0];
	_ =	sdelay $0x4  }
0x194: {  	v2 =	vadd.f32 v1, v2;
	_ =	sdelay $0x1  }
0x195: {  	[tilespmem:s28+$0x0] =	vst v2  }
0x196: {  	v2 =	vld [tilespmem:$0xB0];
	_ =	sdelay $0x4  }
0x197: {  	v3 =	vadd.s32 $0x6200, v2  }
0x198: {  	(v2sf) =	vpush v3, $0x1  }
0x199: {  	(v2sf) =	vpush v3, $0x0;
	_ =	sdelay $0xd  }
0x19a: {  	s29 =	spop (v2sf)  }
0x19b: {  	[tilespmem:$0x1B0] =	vst v2;
	(v2sf) =	vpush v3, $0x3;
	s28 =	spop (v2sf)  }
0x19c: {  	(v2sf) =	vpush v3, $0x2;
	v2 =	vld [tilespmem:s28+$0x0];
	_ =	sdelay $0x4  }
0x19d: {  	v2 =	vadd.f32 v1, v2;
	_ =	sdelay $0x1  }
0x19e: {  	[tilespmem:s28+$0x0] =	vst v2  }
0x19f: {  	v2 =	vld [tilespmem:s29+$0x0];
	_ =	sdelay $0x4  }
0x1a0: {  	v2 =	vadd.f32 v1, v2  }
0x1a1: {  	s28 =	spop (v2sf)  }
0x1a2: {  	(v2sf) =	vpush v3, $0x5;
	[tilespmem:s29+$0x0] =	vst v2;
	s29 =	spop (v2sf)  }
0x1a3: {  	(v2sf) =	vpush v3, $0x4;
	v2 =	vld [tilespmem:s29+$0x0];
	_ =	sdelay $0x4  }
0x1a4: {  	v2 =	vadd.f32 v1, v2;
	_ =	sdelay $0x1  }
0x1a5: {  	[tilespmem:s29+$0x0] =	vst v2  }
0x1a6: {  	v2 =	vld [tilespmem:s28+$0x0];
	_ =	sdelay $0x4  }
0x1a7: {  	v2 =	vadd.f32 v1, v2  }
0x1a8: {  	s29 =	spop (v2sf)  }
0x1a9: {  	(v2sf) =	vpush v3, $0x7;
	[tilespmem:s28+$0x0] =	vst v2;
	s28 =	spop (v2sf)  }
0x1aa: {  	(v2sf) =	vpush v3, $0x6;
	v2 =	vld [tilespmem:s28+$0x0];
	_ =	sdelay $0x4  }
0x1ab: {  	v2 =	vadd.f32 v1, v2;
	_ =	sdelay $0x1  }
0x1ac: {  	[tilespmem:s28+$0x0] =	vst v2  }
0x1ad: {  	v2 =	vld [tilespmem:s29+$0x0];
	_ =	sdelay $0x4  }
0x1ae: {  	v2 =	vadd.f32 v1, v2  }
0x1af: {  	s28 =	spop (v2sf)  }
0x1b0: {  	(v2sf) =	vpush v3, $0x9;
	[tilespmem:s29+$0x0] =	vst v2;
	s29 =	spop (v2sf)  }
0x1b1: {  	(v2sf) =	vpush v3, $0x8;
	v2 =	vld [tilespmem:s29+$0x0];
	_ =	sdelay $0x4  }
0x1b2: {  	v2 =	vadd.f32 v1, v2;
	_ =	sdelay $0x1  }
0x1b3: {  	[tilespmem:s29+$0x0] =	vst v2  }
0x1b4: {  	v2 =	vld [tilespmem:s28+$0x0];
	_ =	sdelay $0x4  }
0x1b5: {  	v2 =	vadd.f32 v1, v2  }
0x1b6: {  	s29 =	spop (v2sf)  }
0x1b7: {  	(v2sf) =	vpush v3, $0xB;
	[tilespmem:s28+$0x0] =	vst v2;
	s28 =	spop (v2sf)  }
0x1b8: {  	(v2sf) =	vpush v3, $0xA;
	v2 =	vld [tilespmem:s28+$0x0];
	_ =	sdelay $0x4  }
0x1b9: {  	v2 =	vadd.f32 v1, v2;
	_ =	sdelay $0x1  }
0x1ba: {  	[tilespmem:s28+$0x0] =	vst v2  }
0x1bb: {  	v2 =	vld [tilespmem:s29+$0x0];
	_ =	sdelay $0x4  }
0x1bc: {  	v2 =	vadd.f32 v1, v2  }
0x1bd: {  	s28 =	spop (v2sf)  }
0x1be: {  	(v2sf) =	vpush v3, $0xD;
	[tilespmem:s29+$0x0] =	vst v2;
	s29 =	spop (v2sf)  }
0x1bf: {  	(v2sf) =	vpush v3, $0xC;
	v2 =	vld [tilespmem:s29+$0x0];
	_ =	sdelay $0x4  }
0x1c0: {  	v2 =	vadd.f32 v1, v2;
	_ =	sdelay $0x1  }
0x1c1: {  	[tilespmem:s29+$0x0] =	vst v2  }
0x1c2: {  	v2 =	vld [tilespmem:s28+$0x0];
	_ =	sdelay $0x4  }
0x1c3: {  	v2 =	vadd.f32 v1, v2  }
0x1c4: {  	s29 =	spop (v2sf)  }
0x1c5: {  	(v2sf) =	vpush v3, $0xF;
	[tilespmem:s28+$0x0] =	vst v2;
	s28 =	spop (v2sf)  }
0x1c6: {  	(v2sf) =	vpush v3, $0xE;
	v2 =	vld [tilespmem:s28+$0x0];
	_ =	sdelay $0x4  }
0x1c7: {  	v2 =	vadd.f32 v1, v2;
	_ =	sdelay $0x1  }
0x1c8: {  	[tilespmem:s28+$0x0] =	vst v2  }
0x1c9: {  	v2 =	vld [tilespmem:s29+$0x0];
	_ =	sdelay $0x4  }
0x1ca: {  	v2 =	vadd.f32 v1, v2  }
0x1cb: {  	s28 =	spop (v2sf)  }
0x1cc: {  	[tilespmem:s29+$0x0] =	vst v2;
	s29 =	spop (v2sf)  }
0x1cd: {  	v2 =	vld [tilespmem:s29+$0x0];
	_ =	sdelay $0x4  }
0x1ce: {  	v2 =	vadd.f32 v1, v2;
	_ =	sdelay $0x1  }
0x1cf: {  	[tilespmem:s29+$0x0] =	vst v2  }
0x1d0: {  	v2 =	vld [tilespmem:s28+$0x0];
	_ =	sdelay $0x4  }
0x1d1: {  	v2 =	vadd.f32 v1, v2;
	_ =	sdelay $0x1  }
0x1d2: {  	[tilespmem:s28+$0x0] =	vst v2  }
0x1d3: {  	v2 =	vld [tilespmem:$0xC0];
	_ =	sdelay $0x4  }
0x1d4: {  	v3 =	vadd.s32 $0x6200, v2  }
0x1d5: {  	(v2sf) =	vpush v3, $0x1  }
0x1d6: {  	(v2sf) =	vpush v3, $0x0;
	_ =	sdelay $0xd  }
0x1d7: {  	s29 =	spop (v2sf)  }
0x1d8: {  	[tilespmem:$0x1C0] =	vst v2;
	(v2sf) =	vpush v3, $0x3;
	s28 =	spop (v2sf)  }
0x1d9: {  	(v2sf) =	vpush v3, $0x2;
	v2 =	vld [tilespmem:s28+$0x0];
	_ =	sdelay $0x4  }
0x1da: {  	v2 =	vadd.f32 v1, v2;
	_ =	sdelay $0x1  }
0x1db: {  	[tilespmem:s28+$0x0] =	vst v2  }
0x1dc: {  	v2 =	vld [tilespmem:s29+$0x0];
	_ =	sdelay $0x4  }
0x1dd: {  	v2 =	vadd.f32 v1, v2  }
0x1de: {  	s28 =	spop (v2sf)  }
0x1df: {  	(v2sf) =	vpush v3, $0x5;
	[tilespmem:s29+$0x0] =	vst v2;
	s29 =	spop (v2sf)  }
0x1e0: {  	(v2sf) =	vpush v3, $0x4;
	v2 =	vld [tilespmem:s29+$0x0];
	_ =	sdelay $0x4  }
0x1e1: {  	v2 =	vadd.f32 v1, v2;
	_ =	sdelay $0x1  }
0x1e2: {  	[tilespmem:s29+$0x0] =	vst v2  }
0x1e3: {  	v2 =	vld [tilespmem:s28+$0x0];
	_ =	sdelay $0x4  }
0x1e4: {  	v2 =	vadd.f32 v1, v2  }
0x1e5: {  	s29 =	spop (v2sf)  }
0x1e6: {  	(v2sf) =	vpush v3, $0x7;
	[tilespmem:s28+$0x0] =	vst v2;
	s28 =	spop (v2sf)  }
0x1e7: {  	(v2sf) =	vpush v3, $0x6;
	v2 =	vld [tilespmem:s28+$0x0];
	_ =	sdelay $0x4  }
0x1e8: {  	v2 =	vadd.f32 v1, v2;
	_ =	sdelay $0x1  }
0x1e9: {  	[tilespmem:s28+$0x0] =	vst v2  }
0x1ea: {  	v2 =	vld [tilespmem:s29+$0x0];
	_ =	sdelay $0x4  }
0x1eb: {  	v2 =	vadd.f32 v1, v2  }
0x1ec: {  	s28 =	spop (v2sf)  }
0x1ed: {  	(v2sf) =	vpush v3, $0x9;
	[tilespmem:s29+$0x0] =	vst v2;
	s29 =	spop (v2sf)  }
0x1ee: {  	(v2sf) =	vpush v3, $0x8;
	v2 =	vld [tilespmem:s29+$0x0];
	_ =	sdelay $0x4  }
0x1ef: {  	v2 =	vadd.f32 v1, v2;
	_ =	sdelay $0x1  }
0x1f0: {  	[tilespmem:s29+$0x0] =	vst v2  }
0x1f1: {  	v2 =	vld [tilespmem:s28+$0x0];
	_ =	sdelay $0x4  }
0x1f2: {  	v2 =	vadd.f32 v1, v2  }
0x1f3: {  	s29 =	spop (v2sf)  }
0x1f4: {  	(v2sf) =	vpush v3, $0xB;
	[tilespmem:s28+$0x0] =	vst v2;
	s28 =	spop (v2sf)  }
0x1f5: {  	(v2sf) =	vpush v3, $0xA;
	v2 =	vld [tilespmem:s28+$0x0];
	_ =	sdelay $0x4  }
0x1f6: {  	v2 =	vadd.f32 v1, v2;
	_ =	sdelay $0x1  }
0x1f7: {  	[tilespmem:s28+$0x0] =	vst v2  }
0x1f8: {  	v2 =	vld [tilespmem:s29+$0x0];
	_ =	sdelay $0x4  }
0x1f9: {  	v2 =	vadd.f32 v1, v2  }
0x1fa: {  	s28 =	spop (v2sf)  }
0x1fb: {  	(v2sf) =	vpush v3, $0xD;
	[tilespmem:s29+$0x0] =	vst v2;
	s29 =	spop (v2sf)  }
0x1fc: {  	(v2sf) =	vpush v3, $0xC;
	v2 =	vld [tilespmem:s29+$0x0];
	_ =	sdelay $0x4  }
0x1fd: {  	v2 =	vadd.f32 v1, v2;
	_ =	sdelay $0x1  }
0x1fe: {  	[tilespmem:s29+$0x0] =	vst v2  }
0x1ff: {  	v2 =	vld [tilespmem:s28+$0x0];
	_ =	sdelay $0x4  }
0x200: {  	v2 =	vadd.f32 v1, v2  }
0x201: {  	s29 =	spop (v2sf)  }
0x202: {  	(v2sf) =	vpush v3, $0xF;
	[tilespmem:s28+$0x0] =	vst v2;
	s28 =	spop (v2sf)  }
0x203: {  	(v2sf) =	vpush v3, $0xE;
	v2 =	vld [tilespmem:s28+$0x0];
	_ =	sdelay $0x4  }
0x204: {  	v2 =	vadd.f32 v1, v2;
	_ =	sdelay $0x1  }
0x205: {  	[tilespmem:s28+$0x0] =	vst v2  }
0x206: {  	v2 =	vld [tilespmem:s29+$0x0];
	_ =	sdelay $0x4  }
0x207: {  	v2 =	vadd.f32 v1, v2  }
0x208: {  	s28 =	spop (v2sf)  }
0x209: {  	[tilespmem:s29+$0x0] =	vst v2;
	s29 =	spop (v2sf)  }
0x20a: {  	v2 =	vld [tilespmem:s29+$0x0];
	_ =	sdelay $0x4  }
0x20b: {  	v2 =	vadd.f32 v1, v2;
	_ =	sdelay $0x1  }
0x20c: {  	[tilespmem:s29+$0x0] =	vst v2  }
0x20d: {  	v2 =	vld [tilespmem:s28+$0x0];
	_ =	sdelay $0x4  }
0x20e: {  	v2 =	vadd.f32 v1, v2;
	_ =	sdelay $0x1  }
0x20f: {  	[tilespmem:s28+$0x0] =	vst v2  }
0x210: {  	v2 =	vld [tilespmem:$0xD0];
	_ =	sdelay $0x4  }
0x211: {  	v3 =	vadd.s32 $0x6200, v2  }
0x212: {  	(v2sf) =	vpush v3, $0x1  }
0x213: {  	(v2sf) =	vpush v3, $0x0;
	_ =	sdelay $0xd  }
0x214: {  	s29 =	spop (v2sf)  }
0x215: {  	[tilespmem:$0x1D0] =	vst v2;
	(v2sf) =	vpush v3, $0x3;
	s28 =	spop (v2sf)  }
0x216: {  	(v2sf) =	vpush v3, $0x2;
	v2 =	vld [tilespmem:s28+$0x0];
	_ =	sdelay $0x4  }
0x217: {  	v2 =	vadd.f32 v1, v2;
	_ =	sdelay $0x1  }
0x218: {  	[tilespmem:s28+$0x0] =	vst v2  }
0x219: {  	v2 =	vld [tilespmem:s29+$0x0];
	_ =	sdelay $0x4  }
0x21a: {  	v2 =	vadd.f32 v1, v2  }
0x21b: {  	s28 =	spop (v2sf)  }
0x21c: {  	(v2sf) =	vpush v3, $0x5;
	[tilespmem:s29+$0x0] =	vst v2;
	s29 =	spop (v2sf)  }
0x21d: {  	(v2sf) =	vpush v3, $0x4;
	v2 =	vld [tilespmem:s29+$0x0];
	_ =	sdelay $0x4  }
0x21e: {  	v2 =	vadd.f32 v1, v2;
	_ =	sdelay $0x1  }
0x21f: {  	[tilespmem:s29+$0x0] =	vst v2  }
0x220: {  	v2 =	vld [tilespmem:s28+$0x0];
	_ =	sdelay $0x4  }
0x221: {  	v2 =	vadd.f32 v1, v2  }
0x222: {  	s29 =	spop (v2sf)  }
0x223: {  	(v2sf) =	vpush v3, $0x7;
	[tilespmem:s28+$0x0] =	vst v2;
	s28 =	spop (v2sf)  }
0x224: {  	(v2sf) =	vpush v3, $0x6;
	v2 =	vld [tilespmem:s28+$0x0];
	_ =	sdelay $0x4  }
0x225: {  	v2 =	vadd.f32 v1, v2;
	_ =	sdelay $0x1  }
0x226: {  	[tilespmem:s28+$0x0] =	vst v2  }
0x227: {  	v2 =	vld [tilespmem:s29+$0x0];
	_ =	sdelay $0x4  }
0x228: {  	v2 =	vadd.f32 v1, v2  }
0x229: {  	s28 =	spop (v2sf)  }
0x22a: {  	(v2sf) =	vpush v3, $0x9;
	[tilespmem:s29+$0x0] =	vst v2;
	s29 =	spop (v2sf)  }
0x22b: {  	(v2sf) =	vpush v3, $0x8;
	v2 =	vld [tilespmem:s29+$0x0];
	_ =	sdelay $0x4  }
0x22c: {  	v2 =	vadd.f32 v1, v2;
	_ =	sdelay $0x1  }
0x22d: {  	[tilespmem:s29+$0x0] =	vst v2  }
0x22e: {  	v2 =	vld [tilespmem:s28+$0x0];
	_ =	sdelay $0x4  }
0x22f: {  	v2 =	vadd.f32 v1, v2  }
0x230: {  	s29 =	spop (v2sf)  }
0x231: {  	(v2sf) =	vpush v3, $0xB;
	[tilespmem:s28+$0x0] =	vst v2;
	s28 =	spop (v2sf)  }
0x232: {  	(v2sf) =	vpush v3, $0xA;
	v2 =	vld [tilespmem:s28+$0x0];
	_ =	sdelay $0x4  }
0x233: {  	v2 =	vadd.f32 v1, v2;
	_ =	sdelay $0x1  }
0x234: {  	[tilespmem:s28+$0x0] =	vst v2  }
0x235: {  	v2 =	vld [tilespmem:s29+$0x0];
	_ =	sdelay $0x4  }
0x236: {  	v2 =	vadd.f32 v1, v2  }
0x237: {  	s28 =	spop (v2sf)  }
0x238: {  	(v2sf) =	vpush v3, $0xD;
	[tilespmem:s29+$0x0] =	vst v2;
	s29 =	spop (v2sf)  }
0x239: {  	(v2sf) =	vpush v3, $0xC;
	v2 =	vld [tilespmem:s29+$0x0];
	_ =	sdelay $0x4  }
0x23a: {  	v2 =	vadd.f32 v1, v2;
	_ =	sdelay $0x1  }
0x23b: {  	[tilespmem:s29+$0x0] =	vst v2  }
0x23c: {  	v2 =	vld [tilespmem:s28+$0x0];
	_ =	sdelay $0x4  }
0x23d: {  	v2 =	vadd.f32 v1, v2  }
0x23e: {  	s29 =	spop (v2sf)  }
0x23f: {  	(v2sf) =	vpush v3, $0xF;
	[tilespmem:s28+$0x0] =	vst v2;
	s28 =	spop (v2sf)  }
0x240: {  	(v2sf) =	vpush v3, $0xE;
	v2 =	vld [tilespmem:s28+$0x0];
	_ =	sdelay $0x4  }
0x241: {  	v2 =	vadd.f32 v1, v2;
	_ =	sdelay $0x1  }
0x242: {  	[tilespmem:s28+$0x0] =	vst v2  }
0x243: {  	v2 =	vld [tilespmem:s29+$0x0];
	_ =	sdelay $0x4  }
0x244: {  	v2 =	vadd.f32 v1, v2  }
0x245: {  	s28 =	spop (v2sf)  }
0x246: {  	[tilespmem:s29+$0x0] =	vst v2;
	s29 =	spop (v2sf)  }
0x247: {  	v2 =	vld [tilespmem:s29+$0x0];
	_ =	sdelay $0x4  }
0x248: {  	v2 =	vadd.f32 v1, v2;
	_ =	sdelay $0x1  }
0x249: {  	[tilespmem:s29+$0x0] =	vst v2  }
0x24a: {  	v2 =	vld [tilespmem:s28+$0x0];
	_ =	sdelay $0x4  }
0x24b: {  	v2 =	vadd.f32 v1, v2;
	_ =	sdelay $0x1  }
0x24c: {  	[tilespmem:s28+$0x0] =	vst v2  }
0x24d: {  	_ =	swait.ge [sflag:s20], $0x3000  }
0x24e: {  	[sflag:s20] =	ssyncset.done $0x0  }
0x24f: {  	[sflag:s20] =	ssyncadd.s32 $0xFFFFD000  }
0x250: {  	_ =	swait.ge [sflag:s21], $0x3000  }
0x251: {  	[sflag:s21] =	ssyncset.done $0x0  }
0x252: {  	s26 =	simm.s32 $0x0;
	[sflag:s21] =	ssyncadd.s32 $0xFFFFD000  }
0x253: {  	v8 =	vld [tilespmem:s26+$0x3200]  }
0x254: {  	v13 =	vld [tilespmem:s26+$0x3210]  }
0x255: {  	v7 =	vld [tilespmem:s26+$0x3220]  }
0x256: {  	v6 =	vld [tilespmem:s26+$0x3230]  }
0x257: {  	v5 =	vld [tilespmem:s26+$0x3240]  }
0x258: {  	v4 =	vld [tilespmem:s26+$0x3250]  }
0x259: {  	v3 =	vld [tilespmem:s26+$0x3260]  }
0x25a: {  	v2 =	vld [tilespmem:s26+$0x3270]  }
0x25b: {  	v14 =	vld [tilespmem:s26+$0x200]  }
0x25c: {  	v15 =	vld [tilespmem:s26+$0x210]  }
0x25d: {  	v12 =	vld [tilespmem:s26+$0x220]  }
0x25e: {  	v11 =	vld [tilespmem:s26+$0x230]  }
0x25f: {  	v10 =	vld [tilespmem:s26+$0x240]  }
0x260: {  	v9 =	vld [tilespmem:s26+$0x250];
	v14 =	vadd.f32 v8, v14  }
0x261: {  	s28 =	simm.s32 $0x200;
	v13 =	vadd.f32 v13, v15;
	v8 =	vld [tilespmem:s26+$0x260]  }
.LBB2_8:
0x262: {  	s29 =	sshra.s32 s28, $0x2;
	p0 =	sne.s32 s28, $0xBE00;
	v14 =	vmax.f32 v14, $0.0e+00;
	v7 =	vadd.f32 v7, v12;
	v12 =	vld [tilespmem:s26+$0x270]  }
0x263: {  	v15 =	vld [tilespmem:s29+$0x3200];
	[tilespmem:s26+$0x200] =	vst v14;
	v13 =	vmax.f32 v13, $0.0e+00;
	v6 =	vadd.f32 v6, v11  }
0x264: {  	v16 =	vld [tilespmem:s29+$0x3210];
	[tilespmem:s26+$0x210] =	vst v13;
	v11 =	vmax.f32 v7, $0.0e+00;
	v5 =	vadd.f32 v5, v10  }
0x265: {  	v7 =	vld [tilespmem:s29+$0x3220];
	[tilespmem:s26+$0x220] =	vst v11;
	v10 =	vmax.f32 v6, $0.0e+00;
	v4 =	vadd.f32 v4, v9  }
0x266: {  	v6 =	vld [tilespmem:s29+$0x3230];
	[tilespmem:s26+$0x230] =	vst v10;
	v9 =	vmax.f32 v5, $0.0e+00;
	v3 =	vadd.f32 v3, v8  }
0x267: {  	v5 =	vld [tilespmem:s29+$0x3240];
	[tilespmem:s26+$0x240] =	vst v9;
	v8 =	vmax.f32 v4, $0.0e+00;
	v2 =	vadd.f32 v2, v12  }
0x268: {  	v4 =	vld [tilespmem:s29+$0x3250];
	[tilespmem:s26+$0x250] =	vst v8;
	v8 =	vmax.f32 v3, $0.0e+00  }
0x269: {  	v3 =	vld [tilespmem:s29+$0x3260];
	[tilespmem:s26+$0x260] =	vst v8;
	v8 =	vmax.f32 v2, $0.0e+00  }
0x26a: {  	v2 =	vld [tilespmem:s29+$0x3270];
	[tilespmem:s26+$0x270] =	vst v8;
	s26 =	smov.u32 s29  }
0x26b: {  	v8 =	vld [tilespmem:s26+$0x200]  }
0x26c: {  	v13 =	vld [tilespmem:s26+$0x210]  }
.Ltmp7:
0x26d: {  	v12 =	vld [tilespmem:s26+$0x220];
	(pc) =	sbr.rel @p0 .LBB2_8-.Ltmp7, $4  }
0x26e: {  	v11 =	vld [tilespmem:s26+$0x230]  }
0x26f: {  	v10 =	vld [tilespmem:s26+$0x240]  }
0x270: {  	v14 =	vadd.f32 v15, v8;
	v9 =	vld [tilespmem:s26+$0x250]  }
0x271: {  	s28 =	sadd.s32 $0x200, s28;
	v13 =	vadd.f32 v16, v13;
	v8 =	vld [tilespmem:s26+$0x260]  }
0x272: {  	v14 =	vmax.f32 v14, $0.0e+00;
	v7 =	vadd.f32 v7, v12;
	v63 =	vld [tilespmem:s26+$0x270]  }
0x273: {  	[tilespmem:s26+$0x200] =	vst v14;
	v13 =	vmax.f32 v13, $0.0e+00;
	v6 =	vadd.f32 v6, v11  }
0x274: {  	[tilespmem:s26+$0x210] =	vst v13;
	v7 =	vmax.f32 v7, $0.0e+00;
	v5 =	vadd.f32 v5, v10  }
0x275: {  	[tilespmem:s26+$0x220] =	vst v7;
	v6 =	vmax.f32 v6, $0.0e+00;
	v4 =	vadd.f32 v4, v9  }
0x276: {  	[tilespmem:s26+$0x230] =	vst v6;
	v5 =	vmax.f32 v5, $0.0e+00;
	v3 =	vadd.f32 v3, v8  }
.Ltmp8:
0x277: {  	[tilespmem:s26+$0x240] =	vst v5;
	v4 =	vmax.f32 v4, $0.0e+00;
	v2 =	vadd.f32 v2, v63;
	(pc) =	sbr.rel .LBB2_10-.Ltmp8, $4  }
0x278: {  	[tilespmem:s26+$0x250] =	vst v4;
	v3 =	vmax.f32 v3, $0.0e+00  }
0x279: {  	[tilespmem:s26+$0x260] =	vst v3;
	v2 =	vmax.f32 v2, $0.0e+00  }
0x27a: {  	[tilespmem:s26+$0x270] =	vst v2  }
0x27b: {  	[spmem:s15] =	stream.indirect.scatter.add.f32 [tilespmem:s9], [sflag:$0x2], $0x80, s22, s16, $0xb8;
	[tilespmem:$0x1C680] =	vst v63  }
.LBB2_12:
0x27c: {  	_ =	sfence.sel $0x180000  }
0x27d: {  	[bflag:$0x0] =	sbarrier.arrive $0xFFFF  }
0x27e: {  	_ =	strace $0x90000047  }
0x27f: {  	s0 =	stileid.u32;
	[bflag:$0x2] =	sbarrier.arrive $0xFFFF  }
0x280: {  	p0 =	sne.s32 s0, $0x0;
	s0 =	rddreg [dreg:$0x4]  }
0x281: {  	s0 =	sadd.s32 @!p0 $0x100000, s0  }
0x282: {  	[sflag:s0] =	ssyncadd.tile.s32 @!p0 $0x1;
	_ =	shalt  }
.Lfunc_end2:
_tile_overlayer_lowered:
.L_overlay_start_2:
0x283: {  	(tag) =	ssettag $0x2  }
0x284: {  	s0 =	rddreg [dreg:$0x0];
	s2 =	stileid.u32  }
0x285: {  	s1 =	rddreg [dreg:$0x1];
	p0 =	sne.s32 s2, $0x0  }
0x286: {  	s3 =	rddreg [dreg:$0x2];
	[bflag:$0x3] =	sbarrier.arrive $0xFFFF;
	s2 =	simm.s32 @!p0 $0x1C05  }
0x287: {  	[timem:s3], [sflag:s2] =	dma.local @!p0 [hbm:s0], s1  }
0x288: {  	s0 =	simm.s32 @!p0 $0x5  }
0x289: {  	_ =	swait.ge @!p0 [sflag:s0], s1  }
0x28a: {  	s1 =	ssub.s32 @!p0 $0x0, s1;
	[sflag:s0] =	ssyncset.done @!p0 $0x0  }
0x28b: {  	[sflag:s0] =	ssyncadd.s32 @!p0 s1  }
0x28c: {  	[bflag:$0x3] =	sbarrier.arrive $0xFFFF  }
0x28d: {  	_ =	shalt  }

</sc_bundles>
